<compile_context>
chip_gen: v7x
topology: tpu7x:2x2x1
jax: 0.10.2.dev20260603
libtpu: 0.0.44.dev20260713+nightly
codegen_flags: <defaults>
</compile_context>

<pallas_src>
import functools

import jax
import jax.numpy as jnp
import numpy as np
from jax import lax
from jax.experimental import pallas as pl
from jax.experimental.pallas import tpu as pltpu
from jax.experimental.pallas import tpu_sc as plsc

D_MODEL = 1024
MAX_LEN = 2048
BATCH = 4
SEQ = 2048
SCALE = 32.0

L = 16
NC = 2
NS = 16
NW = NC * NS
S_PER_W = SEQ // NW
CHUNK = 16
STEPS = S_PER_W // CHUNK
NSTEP = BATCH * STEPS
PAIRS = D_MODEL // (2 * L)
PE_W = D_MODEL // 2


def _positional_encoding_packed():
    d = D_MODEL / 2
    pos = np.arange(MAX_LEN)[:, np.newaxis]
    dims = np.arange(d)[np.newaxis, :] / d
    frequency = pos * (1.0 / 10000 ** dims)
    pe = np.concatenate([np.sin(frequency), np.cos(frequency)], axis=-1)
    pe = pe.astype(np.float32).reshape(MAX_LEN, D_MODEL // 32, 2, 16)
    u = pe.view(np.uint32)
    bits = ((u + 0x7FFF + ((u >> 16) & 1)) >> 16).astype(np.uint32)
    words = bits[:, :, 0, :] | (bits[:, :, 1, :] << 16)
    words = words.astype(np.uint32).view(np.int32)
    return jnp.asarray(words.reshape(MAX_LEN * PE_W))


def _sc_embed(x, pe, table):
    mesh = plsc.VectorSubcoreMesh(core_axis_name="c", subcore_axis_name="s")

    @functools.partial(
        pl.kernel,
        mesh=mesh,
        out_type=jax.ShapeDtypeStruct((BATCH, SEQ, D_MODEL), jnp.float32),
        scratch_types=[
            pltpu.VMEM((BATCH * S_PER_W,), jnp.int32),
            pltpu.VMEM((S_PER_W * PE_W,), jnp.int32),
            pltpu.VMEM((CHUNK, D_MODEL), jnp.float32),
            pltpu.VMEM((CHUNK, D_MODEL), jnp.float32),
            pltpu.VMEM((CHUNK, D_MODEL), jnp.float32),
            pltpu.VMEM((CHUNK, D_MODEL), jnp.float32),
            pltpu.SemaphoreType.DMA,
            pltpu.SemaphoreType.DMA,
            pltpu.SemaphoreType.DMA,
            pltpu.SemaphoreType.DMA,
            pltpu.SemaphoreType.DMA,
            pltpu.SemaphoreType.DMA((BATCH,)),
        ],
    )
    def k(x_hbm, pe_hbm, table_hbm, out_hbm, idx_v, pe_v,
          gbuf0, gbuf1, obuf0, obuf1, g_sem0, g_sem1, st_sem0, st_sem1,
          pe_sem, idx_sems):
        gbufs = (gbuf0, gbuf1)
        obufs = (obuf0, obuf1)
        g_sems = (g_sem0, g_sem1)
        st_sems = (st_sem0, st_sem1)

        wid = lax.axis_index("s") * NC + lax.axis_index("c")
        s0 = wid * S_PER_W

        pe_copy = pltpu.async_copy(
            pe_hbm.at[pl.ds(s0 * PE_W, S_PER_W * PE_W)], pe_v, pe_sem
        )
        idx_copies = [
            pltpu.async_copy(
                x_hbm.at[pl.ds(b * SEQ + s0, S_PER_W)],
                idx_v.at[pl.ds(b * S_PER_W, S_PER_W)],
                idx_sems.at[b],
            )
            for b in range(BATCH)
        ]
        for cp in idx_copies:
            cp.wait()

        def fire_gather(s, ph):
            idx_slice = idx_v.at[pl.ds(s * CHUNK, CHUNK)]
            return pltpu.async_copy(
                table_hbm.at[idx_slice], gbufs[ph], g_sems[ph]
            )

        fire_gather(0, 0)
        fire_gather(1, 1)
        pe_copy.wait()

        def compute(gbuf, obuf, c):
            def row_body(r, _):
                pe_off = (c * CHUNK + r) * PE_W
                PF = 6
                ws, gas, gbs = [], [], []
                for j in range(PAIRS + PF):
                    if j < PAIRS:
                        col = j * 2 * L
                        ws.append(pe_v[pl.ds(pe_off + j * L, L)])
                        gas.append(gbuf[r, pl.ds(col, L)])
                        gbs.append(gbuf[r, pl.ds(col + L, L)])
                    if j >= PF:
                        kk = j - PF
                        colk = kk * 2 * L
                        w = ws[kk]
                        pa = lax.bitcast_convert_type(w << 16, jnp.float32)
                        pb = lax.bitcast_convert_type(
                            w & jnp.int32(-65536), jnp.float32)
                        obuf[r, pl.ds(colk, L)] = gas[kk] * SCALE + pa
                        obuf[r, pl.ds(colk + L, L)] = gbs[kk] * SCALE + pb
                return 0

            lax.fori_loop(0, CHUNK, row_body, 0)

        def outer(o, _):
            for ph in range(2):
                s = 2 * o + ph
                b = s // STEPS
                c = s % STEPS
                gbuf, obuf = gbufs[ph], obufs[ph]
                pltpu.make_async_copy(
                    table_hbm.at[pl.ds(0, CHUNK)], gbuf, g_sems[ph]
                ).wait()

                @pl.when(o >= 1)
                def _():
                    pltpu.make_async_copy(
                        obuf, out_hbm.at[0, pl.ds(0, CHUNK), :], st_sems[ph]
                    ).wait()

                compute(gbuf, obuf, c)
                pltpu.async_copy(
                    obuf,
                    out_hbm.at[b, pl.ds(s0 + c * CHUNK, CHUNK), :],
                    st_sems[ph],
                )

                @pl.when(s < NSTEP - 2)
                def _():
                    fire_gather(s + 2, ph)

            return 0

        lax.fori_loop(0, NSTEP // 2, outer, 0)

        for ph in range(2):
            pltpu.make_async_copy(
                obufs[ph], out_hbm.at[0, pl.ds(0, CHUNK), :], st_sems[ph]
            ).wait()

    return k(x, pe, table)


def kernel(x, table):
    pe = _positional_encoding_packed()
    return _sc_embed(x.reshape(-1).astype(jnp.int32), pe, table)

# --- scband reference (transcript-rebuilt; emitter-appended) ---
"""Pipeline reference for scband-positional-embedding-17617955848783 (READ-ONLY COPY).

The authoritative reference and input builder live on the scoring server;
editing this copy changes nothing except your own understanding.
"""

import jax, jax.numpy as jnp
import numpy as np

VOCAB = 100000
D_MODEL = 1024
MAX_LEN = 2048
BATCH = 4
SEQ = 2048

def positional_encoding(max_len, d_model):
    d = d_model / 2
    pos = np.arange(max_len)[:, np.newaxis]
    dims = np.arange(d)[np.newaxis, :] / d
    frequency = pos * (1.0 / 10000 ** dims)
    pe = np.concatenate([np.sin(frequency), np.cos(frequency)], axis=-1)
    return jnp.asarray(pe, dtype=jnp.float32)

def setup_inputs(seed: int = 0) -> dict:
    key = jax.random.key(seed)
    k1, k2 = jax.random.split(key)
    x = jax.random.randint(k1, (BATCH, SEQ), 0, VOCAB)
    table = jax.random.normal(k2, (VOCAB, D_MODEL), dtype=jnp.float32) * 0.02
    return {"x": x, "table": table}

def reference(x, table):
    pe = positional_encoding(MAX_LEN, D_MODEL)
    seq_len = x.shape[1]
    emb = jnp.take(table, x, axis=0)
    emb = emb * jnp.sqrt(jnp.asarray(D_MODEL, dtype=jnp.float32))
    out = emb + pe[jnp.newaxis, :seq_len, :]
    return out

if __name__ == "__main__":
    import jax
    _d = setup_inputs()
    print(jax.jit(kernel)(*tuple(_d.values())))

</pallas_src>

<mosaic_0001>
#map = affine_map<(d0, d1) -> (0)>
#map1 = affine_map<(d0, d1) -> (0, 0)>
#map2 = affine_map<(d0, d1) -> (0, 0, 0)>
module attributes {stable_mosaic.version = 14 : i64} {
  func.func @k(%arg0: i32, %arg1: i32, %arg2: memref<8192xi32, #tpu.memory_space<hbm>>, %arg3: memref<1048576xi32, #tpu.memory_space<hbm>>, %arg4: memref<100000x1024xf32, #tpu.memory_space<hbm>>, %arg5: memref<4x2048x1024xf32, #tpu.memory_space<hbm>>, %arg6: memref<256xi32, #tpu.memory_space<vmem>>, %arg7: memref<32768xi32, #tpu.memory_space<vmem>>, %arg8: memref<16x1024xf32, #tpu.memory_space<vmem>>, %arg9: memref<16x1024xf32, #tpu.memory_space<vmem>>, %arg10: memref<16x1024xf32, #tpu.memory_space<vmem>>, %arg11: memref<16x1024xf32, #tpu.memory_space<vmem>>, %arg12: memref<!tpu.dma_semaphore, #tpu.memory_space<semaphore_mem>>, %arg13: memref<!tpu.dma_semaphore, #tpu.memory_space<semaphore_mem>>, %arg14: memref<!tpu.dma_semaphore, #tpu.memory_space<semaphore_mem>>, %arg15: memref<!tpu.dma_semaphore, #tpu.memory_space<semaphore_mem>>, %arg16: memref<!tpu.dma_semaphore, #tpu.memory_space<semaphore_mem>>, %arg17: memref<4x!tpu.dma_semaphore, #tpu.memory_space<semaphore_mem>>) attributes {dimension_semantics = [#tpu.dimension_semantics<core_parallel>, #tpu.dimension_semantics<subcore_parallel>], iteration_bounds = array<i64: 2, 16>, scalar_prefetch = 0 : i64, scratch_operands = 12 : i64, tpu.core_type = #tpu.core_type<sc_vector_subcore>, window_params = [{transform_indices = #map}, {transform_indices = #map}, {transform_indices = #map1}, {transform_indices = #map2}]} {
    %mul3A = arith.constant 2 : i32
    %mul3A_0 = arith.muli %arg1, %mul3A : i32
    %add3A = arith.addi %mul3A_0, %arg0 : i32
    %mul3A_1 = arith.constant 64 : i32
    %mul3A_2 = arith.muli %add3A, %mul3A_1 : i32
    %mul3A_3 = arith.constant 512 : i32
    %mul3A_4 = arith.muli %mul3A_2, %mul3A_3 : i32
    %dma_start3A = tpu.memref_slice %arg3[%mul3A_4] : memref<1048576xi32, #tpu.memory_space<hbm>> -> memref<32768xi32, #tpu.memory_space<hbm>>
    %dma_start3A_5 = tpu.memref_slice %arg3[%mul3A_4] : memref<1048576xi32, #tpu.memory_space<hbm>> -> memref<32768xi32, #tpu.memory_space<hbm>>
    tpu.enqueue_dma source(%dma_start3A_5 : memref<32768xi32, #tpu.memory_space<hbm>>) target(%arg7 : memref<32768xi32, #tpu.memory_space<vmem>>) target_semaphore(%arg16 : memref<!tpu.dma_semaphore, #tpu.memory_space<semaphore_mem>>)
    %add3A_6 = arith.constant 0 : i32
    %add3A_7 = arith.addi %add3A_6, %mul3A_2 : i32
    %dma_start3A_8 = arith.constant 0 : i32
    %dma_start3A_9 = arith.constant 0 : i32
    %dma_start3A_10 = tpu.memref_slice %arg6[%dma_start3A_9] : memref<256xi32, #tpu.memory_space<vmem>> -> memref<64xi32, #tpu.memory_space<vmem>>
    %dma_start3A_11 = tpu.memref_slice %arg2[%add3A_7] : memref<8192xi32, #tpu.memory_space<hbm>> -> memref<64xi32, #tpu.memory_space<hbm>>
    %dma_start3A_12 = tpu.memref_slice %arg17[%dma_start3A_8] : memref<4x!tpu.dma_semaphore, #tpu.memory_space<semaphore_mem>> -> memref<1x!tpu.dma_semaphore, #tpu.memory_space<semaphore_mem>>
    %dma_start3A_13 = tpu.memref_squeeze %dma_start3A_12 : memref<1x!tpu.dma_semaphore, #tpu.memory_space<semaphore_mem>> -> memref<!tpu.dma_semaphore, #tpu.memory_space<semaphore_mem>>
    %dma_start3A_14 = arith.constant 0 : i32
    %dma_start3A_15 = tpu.memref_slice %arg6[%dma_start3A_14] : memref<256xi32, #tpu.memory_space<vmem>> -> memref<64xi32, #tpu.memory_space<vmem>>
    %dma_start3A_16 = tpu.memref_slice %arg2[%add3A_7] : memref<8192xi32, #tpu.memory_space<hbm>> -> memref<64xi32, #tpu.memory_space<hbm>>
    tpu.enqueue_dma source(%dma_start3A_16 : memref<64xi32, #tpu.memory_space<hbm>>) target(%dma_start3A_15 : memref<64xi32, #tpu.memory_space<vmem>>) target_semaphore(%dma_start3A_13 : memref<!tpu.dma_semaphore, #tpu.memory_space<semaphore_mem>>)
    %add3A_17 = arith.constant 2048 : i32
    %add3A_18 = arith.addi %add3A_17, %mul3A_2 : i32
    %dma_start3A_19 = arith.constant 1 : i32
    %dma_start3A_20 = arith.constant 64 : i32
    %dma_start3A_21 = tpu.memref_slice %arg6[%dma_start3A_20] : memref<256xi32, #tpu.memory_space<vmem>> -> memref<64xi32, #tpu.memory_space<vmem>>
    %dma_start3A_22 = tpu.memref_slice %arg2[%add3A_18] : memref<8192xi32, #tpu.memory_space<hbm>> -> memref<64xi32, #tpu.memory_space<hbm>>
    %dma_start3A_23 = tpu.memref_slice %arg17[%dma_start3A_19] : memref<4x!tpu.dma_semaphore, #tpu.memory_space<semaphore_mem>> -> memref<1x!tpu.dma_semaphore, #tpu.memory_space<semaphore_mem>>
    %dma_start3A_24 = tpu.memref_squeeze %dma_start3A_23 : memref<1x!tpu.dma_semaphore, #tpu.memory_space<semaphore_mem>> -> memref<!tpu.dma_semaphore, #tpu.memory_space<semaphore_mem>>
    %dma_start3A_25 = arith.constant 64 : i32
    %dma_start3A_26 = tpu.memref_slice %arg6[%dma_start3A_25] : memref<256xi32, #tpu.memory_space<vmem>> -> memref<64xi32, #tpu.memory_space<vmem>>
    %dma_start3A_27 = tpu.memref_slice %arg2[%add3A_18] : memref<8192xi32, #tpu.memory_space<hbm>> -> memref<64xi32, #tpu.memory_space<hbm>>
    tpu.enqueue_dma source(%dma_start3A_27 : memref<64xi32, #tpu.memory_space<hbm>>) target(%dma_start3A_26 : memref<64xi32, #tpu.memory_space<vmem>>) target_semaphore(%dma_start3A_24 : memref<!tpu.dma_semaphore, #tpu.memory_space<semaphore_mem>>)
    %add3A_28 = arith.constant 4096 : i32
    %add3A_29 = arith.addi %add3A_28, %mul3A_2 : i32
    %dma_start3A_30 = arith.constant 2 : i32
    %dma_start3A_31 = arith.constant 128 : i32
    %dma_start3A_32 = tpu.memref_slice %arg6[%dma_start3A_31] : memref<256xi32, #tpu.memory_space<vmem>> -> memref<64xi32, #tpu.memory_space<vmem>>
    %dma_start3A_33 = tpu.memref_slice %arg2[%add3A_29] : memref<8192xi32, #tpu.memory_space<hbm>> -> memref<64xi32, #tpu.memory_space<hbm>>
    %dma_start3A_34 = tpu.memref_slice %arg17[%dma_start3A_30] : memref<4x!tpu.dma_semaphore, #tpu.memory_space<semaphore_mem>> -> memref<1x!tpu.dma_semaphore, #tpu.memory_space<semaphore_mem>>
    %dma_start3A_35 = tpu.memref_squeeze %dma_start3A_34 : memref<1x!tpu.dma_semaphore, #tpu.memory_space<semaphore_mem>> -> memref<!tpu.dma_semaphore, #tpu.memory_space<semaphore_mem>>
    %dma_start3A_36 = arith.constant 128 : i32
    %dma_start3A_37 = tpu.memref_slice %arg6[%dma_start3A_36] : memref<256xi32, #tpu.memory_space<vmem>> -> memref<64xi32, #tpu.memory_space<vmem>>
    %dma_start3A_38 = tpu.memref_slice %arg2[%add3A_29] : memref<8192xi32, #tpu.memory_space<hbm>> -> memref<64xi32, #tpu.memory_space<hbm>>
    tpu.enqueue_dma source(%dma_start3A_38 : memref<64xi32, #tpu.memory_space<hbm>>) target(%dma_start3A_37 : memref<64xi32, #tpu.memory_space<vmem>>) target_semaphore(%dma_start3A_35 : memref<!tpu.dma_semaphore, #tpu.memory_space<semaphore_mem>>)
    %add3A_39 = arith.constant 6144 : i32
    %add3A_40 = arith.addi %add3A_39, %mul3A_2 : i32
    %dma_start3A_41 = arith.constant 3 : i32
    %dma_start3A_42 = arith.constant 192 : i32
    %dma_start3A_43 = tpu.memref_slice %arg6[%dma_start3A_42] : memref<256xi32, #tpu.memory_space<vmem>> -> memref<64xi32, #tpu.memory_space<vmem>>
    %dma_start3A_44 = tpu.memref_slice %arg2[%add3A_40] : memref<8192xi32, #tpu.memory_space<hbm>> -> memref<64xi32, #tpu.memory_space<hbm>>
    %dma_start3A_45 = tpu.memref_slice %arg17[%dma_start3A_41] : memref<4x!tpu.dma_semaphore, #tpu.memory_space<semaphore_mem>> -> memref<1x!tpu.dma_semaphore, #tpu.memory_space<semaphore_mem>>
    %dma_start3A_46 = tpu.memref_squeeze %dma_start3A_45 : memref<1x!tpu.dma_semaphore, #tpu.memory_space<semaphore_mem>> -> memref<!tpu.dma_semaphore, #tpu.memory_space<semaphore_mem>>
    %dma_start3A_47 = arith.constant 192 : i32
    %dma_start3A_48 = tpu.memref_slice %arg6[%dma_start3A_47] : memref<256xi32, #tpu.memory_space<vmem>> -> memref<64xi32, #tpu.memory_space<vmem>>
    %dma_start3A_49 = tpu.memref_slice %arg2[%add3A_40] : memref<8192xi32, #tpu.memory_space<hbm>> -> memref<64xi32, #tpu.memory_space<hbm>>
    tpu.enqueue_dma source(%dma_start3A_49 : memref<64xi32, #tpu.memory_space<hbm>>) target(%dma_start3A_48 : memref<64xi32, #tpu.memory_space<vmem>>) target_semaphore(%dma_start3A_46 : memref<!tpu.dma_semaphore, #tpu.memory_space<semaphore_mem>>)
    %dma_wait3A = arith.constant 0 : i32
    %dma_wait3A_50 = arith.constant 0 : i32
    %dma_wait3A_51 = tpu.memref_slice %arg6[%dma_wait3A_50] : memref<256xi32, #tpu.memory_space<vmem>> -> memref<64xi32, #tpu.memory_space<vmem>>
    %dma_wait3A_52 = tpu.memref_slice %arg2[%add3A_7] : memref<8192xi32, #tpu.memory_space<hbm>> -> memref<64xi32, #tpu.memory_space<hbm>>
    %dma_wait3A_53 = tpu.memref_slice %arg17[%dma_wait3A] : memref<4x!tpu.dma_semaphore, #tpu.memory_space<semaphore_mem>> -> memref<1x!tpu.dma_semaphore, #tpu.memory_space<semaphore_mem>>
    %dma_wait3A_54 = tpu.memref_squeeze %dma_wait3A_53 : memref<1x!tpu.dma_semaphore, #tpu.memory_space<semaphore_mem>> -> memref<!tpu.dma_semaphore, #tpu.memory_space<semaphore_mem>>
    %dma_wait3A_55 = arith.constant 0 : i32
    %dma_wait3A_56 = tpu.memref_slice %arg6[%dma_wait3A_55] : memref<256xi32, #tpu.memory_space<vmem>> -> memref<64xi32, #tpu.memory_space<vmem>>
    %dma_wait3A_57 = tpu.memref_slice %arg2[%add3A_7] : memref<8192xi32, #tpu.memory_space<hbm>> -> memref<64xi32, #tpu.memory_space<hbm>>
    tpu.wait_dma2 semaphore(%dma_wait3A_54 : memref<!tpu.dma_semaphore, #tpu.memory_space<semaphore_mem>>) src(%dma_wait3A_57 : memref<64xi32, #tpu.memory_space<hbm>>) dst(%dma_wait3A_56 : memref<64xi32, #tpu.memory_space<vmem>>)
    %dma_wait3A_58 = arith.constant 1 : i32
    %dma_wait3A_59 = arith.constant 64 : i32
    %dma_wait3A_60 = tpu.memref_slice %arg6[%dma_wait3A_59] : memref<256xi32, #tpu.memory_space<vmem>> -> memref<64xi32, #tpu.memory_space<vmem>>
    %dma_wait3A_61 = tpu.memref_slice %arg2[%add3A_18] : memref<8192xi32, #tpu.memory_space<hbm>> -> memref<64xi32, #tpu.memory_space<hbm>>
    %dma_wait3A_62 = tpu.memref_slice %arg17[%dma_wait3A_58] : memref<4x!tpu.dma_semaphore, #tpu.memory_space<semaphore_mem>> -> memref<1x!tpu.dma_semaphore, #tpu.memory_space<semaphore_mem>>
    %dma_wait3A_63 = tpu.memref_squeeze %dma_wait3A_62 : memref<1x!tpu.dma_semaphore, #tpu.memory_space<semaphore_mem>> -> memref<!tpu.dma_semaphore, #tpu.memory_space<semaphore_mem>>
    %dma_wait3A_64 = arith.constant 64 : i32
    %dma_wait3A_65 = tpu.memref_slice %arg6[%dma_wait3A_64] : memref<256xi32, #tpu.memory_space<vmem>> -> memref<64xi32, #tpu.memory_space<vmem>>
    %dma_wait3A_66 = tpu.memref_slice %arg2[%add3A_18] : memref<8192xi32, #tpu.memory_space<hbm>> -> memref<64xi32, #tpu.memory_space<hbm>>
    tpu.wait_dma2 semaphore(%dma_wait3A_63 : memref<!tpu.dma_semaphore, #tpu.memory_space<semaphore_mem>>) src(%dma_wait3A_66 : memref<64xi32, #tpu.memory_space<hbm>>) dst(%dma_wait3A_65 : memref<64xi32, #tpu.memory_space<vmem>>)
    %dma_wait3A_67 = arith.constant 2 : i32
    %dma_wait3A_68 = arith.constant 128 : i32
    %dma_wait3A_69 = tpu.memref_slice %arg6[%dma_wait3A_68] : memref<256xi32, #tpu.memory_space<vmem>> -> memref<64xi32, #tpu.memory_space<vmem>>
    %dma_wait3A_70 = tpu.memref_slice %arg2[%add3A_29] : memref<8192xi32, #tpu.memory_space<hbm>> -> memref<64xi32, #tpu.memory_space<hbm>>
    %dma_wait3A_71 = tpu.memref_slice %arg17[%dma_wait3A_67] : memref<4x!tpu.dma_semaphore, #tpu.memory_space<semaphore_mem>> -> memref<1x!tpu.dma_semaphore, #tpu.memory_space<semaphore_mem>>
    %dma_wait3A_72 = tpu.memref_squeeze %dma_wait3A_71 : memref<1x!tpu.dma_semaphore, #tpu.memory_space<semaphore_mem>> -> memref<!tpu.dma_semaphore, #tpu.memory_space<semaphore_mem>>
    %dma_wait3A_73 = arith.constant 128 : i32
    %dma_wait3A_74 = tpu.memref_slice %arg6[%dma_wait3A_73] : memref<256xi32, #tpu.memory_space<vmem>> -> memref<64xi32, #tpu.memory_space<vmem>>
    %dma_wait3A_75 = tpu.memref_slice %arg2[%add3A_29] : memref<8192xi32, #tpu.memory_space<hbm>> -> memref<64xi32, #tpu.memory_space<hbm>>
    tpu.wait_dma2 semaphore(%dma_wait3A_72 : memref<!tpu.dma_semaphore, #tpu.memory_space<semaphore_mem>>) src(%dma_wait3A_75 : memref<64xi32, #tpu.memory_space<hbm>>) dst(%dma_wait3A_74 : memref<64xi32, #tpu.memory_space<vmem>>)
    %dma_wait3A_76 = arith.constant 3 : i32
    %dma_wait3A_77 = arith.constant 192 : i32
    %dma_wait3A_78 = tpu.memref_slice %arg6[%dma_wait3A_77] : memref<256xi32, #tpu.memory_space<vmem>> -> memref<64xi32, #tpu.memory_space<vmem>>
    %dma_wait3A_79 = tpu.memref_slice %arg2[%add3A_40] : memref<8192xi32, #tpu.memory_space<hbm>> -> memref<64xi32, #tpu.memory_space<hbm>>
    %dma_wait3A_80 = tpu.memref_slice %arg17[%dma_wait3A_76] : memref<4x!tpu.dma_semaphore, #tpu.memory_space<semaphore_mem>> -> memref<1x!tpu.dma_semaphore, #tpu.memory_space<semaphore_mem>>
    %dma_wait3A_81 = tpu.memref_squeeze %dma_wait3A_80 : memref<1x!tpu.dma_semaphore, #tpu.memory_space<semaphore_mem>> -> memref<!tpu.dma_semaphore, #tpu.memory_space<semaphore_mem>>
    %dma_wait3A_82 = arith.constant 192 : i32
    %dma_wait3A_83 = tpu.memref_slice %arg6[%dma_wait3A_82] : memref<256xi32, #tpu.memory_space<vmem>> -> memref<64xi32, #tpu.memory_space<vmem>>
    %dma_wait3A_84 = tpu.memref_slice %arg2[%add3A_40] : memref<8192xi32, #tpu.memory_space<hbm>> -> memref<64xi32, #tpu.memory_space<hbm>>
    tpu.wait_dma2 semaphore(%dma_wait3A_81 : memref<!tpu.dma_semaphore, #tpu.memory_space<semaphore_mem>>) src(%dma_wait3A_84 : memref<64xi32, #tpu.memory_space<hbm>>) dst(%dma_wait3A_83 : memref<64xi32, #tpu.memory_space<vmem>>)
    %dma_start3A_85 = arith.constant 0 : i32
    %dma_start3A_86 = tpu.memref_slice %arg6[%dma_start3A_85] : memref<256xi32, #tpu.memory_space<vmem>> -> memref<16xi32, #tpu.memory_space<vmem>>
    %dma_start3A_87 = arith.constant 0 : i32
    %dma_start3A_88 = arith.constant 0 : i32
    %dma_start3A_89 = tpu.memref_slice %arg4[%dma_start3A_87, %dma_start3A_88] : memref<100000x1024xf32, #tpu.memory_space<hbm>> -> memref<100000x1024xf32, #tpu.memory_space<hbm>>
    tpu.enqueue_indirect_dma source(%dma_start3A_89 : memref<100000x1024xf32, #tpu.memory_space<hbm>>) target(%arg8 : memref<16x1024xf32, #tpu.memory_space<vmem>>) offsets(%dma_start3A_86 : memref<16xi32, #tpu.memory_space<vmem>>) semaphore(%arg12 : memref<!tpu.dma_semaphore, #tpu.memory_space<semaphore_mem>>)
    %dma_start3A_90 = arith.constant 16 : i32
    %dma_start3A_91 = tpu.memref_slice %arg6[%dma_start3A_90] : memref<256xi32, #tpu.memory_space<vmem>> -> memref<16xi32, #tpu.memory_space<vmem>>
    %dma_start3A_92 = arith.constant 0 : i32
    %dma_start3A_93 = arith.constant 0 : i32
    %dma_start3A_94 = tpu.memref_slice %arg4[%dma_start3A_92, %dma_start3A_93] : memref<100000x1024xf32, #tpu.memory_space<hbm>> -> memref<100000x1024xf32, #tpu.memory_space<hbm>>
    tpu.enqueue_indirect_dma source(%dma_start3A_94 : memref<100000x1024xf32, #tpu.memory_space<hbm>>) target(%arg9 : memref<16x1024xf32, #tpu.memory_space<vmem>>) offsets(%dma_start3A_91 : memref<16xi32, #tpu.memory_space<vmem>>) semaphore(%arg13 : memref<!tpu.dma_semaphore, #tpu.memory_space<semaphore_mem>>)
    %dma_wait3A_95 = tpu.memref_slice %arg3[%mul3A_4] : memref<1048576xi32, #tpu.memory_space<hbm>> -> memref<32768xi32, #tpu.memory_space<hbm>>
    %dma_wait3A_96 = tpu.memref_slice %arg3[%mul3A_4] : memref<1048576xi32, #tpu.memory_space<hbm>> -> memref<32768xi32, #tpu.memory_space<hbm>>
    tpu.wait_dma2 semaphore(%arg16 : memref<!tpu.dma_semaphore, #tpu.memory_space<semaphore_mem>>) src(%dma_wait3A_96 : memref<32768xi32, #tpu.memory_space<hbm>>) dst(%arg7 : memref<32768xi32, #tpu.memory_space<vmem>>)
    %scan3A = arith.constant 0 : i32
    %scan3A_97 = arith.constant 0 : i32
    %scan3A_98 = arith.constant 8 : i32
    %scan3A_99 = arith.addi %scan3A_97, %scan3A_98 : i32
    %scan3A_100 = arith.constant 1 : i32
    %scan3A_101 = scf.for %scan3A_121 = %scan3A_97 to %scan3A_99 step %scan3A_100 iter_args(%scan3A_122 = %scan3A) -> (i32)  : i32 {
      %mul3A_123 = arith.constant 2 : i32
      %mul3A_124 = arith.muli %mul3A_123, %scan3A_121 : i32
      %add3A_125 = arith.constant 0 : i32
      %add3A_126 = arith.addi %mul3A_124, %add3A_125 : i32
      %jit3A = arith.constant 4 : i32
      %div3A = arith.divsi %add3A_126, %jit3A : i32
      %sign3A = arith.constant 0 : i32
      %sign3A_127 = arith.cmpi sgt, %add3A_126, %sign3A : i32
      %sign3A_128 = arith.extui %sign3A_127 : i1 to i32
      %sign3A_129 = arith.constant 0 : i32
      %sign3A_130 = arith.cmpi slt, %add3A_126, %sign3A_129 : i32
      %sign3A_131 = arith.extui %sign3A_130 : i1 to i32
      %sign3A_132 = arith.subi %sign3A_128, %sign3A_131 : i32
      %sign3A_133 = arith.constant 0 : i32
      %sign3A_134 = arith.cmpi sgt, %jit3A, %sign3A_133 : i32
      %sign3A_135 = arith.extui %sign3A_134 : i1 to i32
      %sign3A_136 = arith.constant 0 : i32
      %sign3A_137 = arith.cmpi slt, %jit3A, %sign3A_136 : i32
      %sign3A_138 = arith.extui %sign3A_137 : i1 to i32
      %sign3A_139 = arith.subi %sign3A_135, %sign3A_138 : i32
      %ne3A = arith.cmpi ne, %sign3A_132, %sign3A_139 : i32
      %rem3A = arith.remsi %add3A_126, %jit3A : i32
      %ne3A_140 = arith.constant 0 : i32
      %ne3A_141 = arith.cmpi ne, %rem3A, %ne3A_140 : i32
      %and3A = arith.andi %ne3A, %ne3A_141 : i1
      %sub3A = arith.constant 1 : i32
      %sub3A_142 = arith.subi %div3A, %sub3A : i32
      %select_n3A = arith.select %and3A, %sub3A_142, %div3A : i32
      %jit3A_143 = arith.constant 4 : i32
      %eq3A = arith.constant 0 : i32
      %eq3A_144 = arith.cmpi eq, %jit3A_143, %eq3A : i32
      %jit3A_145 = arith.constant 1 : i32
      %select_n3A_146 = arith.select %eq3A_144, %jit3A_145, %jit3A_143 : i32
      %rem3A_147 = arith.remsi %add3A_126, %select_n3A_146 : i32
      %ne3A_148 = arith.constant 0 : i32
      %ne3A_149 = arith.cmpi ne, %rem3A_147, %ne3A_148 : i32
      %lt3A = arith.constant 0 : i32
      %lt3A_150 = arith.cmpi slt, %rem3A_147, %lt3A : i32
      %lt3A_151 = arith.constant 0 : i32
      %lt3A_152 = arith.cmpi slt, %select_n3A_146, %lt3A_151 : i32
      %ne3A_153 = arith.xori %lt3A_150, %lt3A_152 : i1
      %and3A_154 = arith.andi %ne3A_153, %ne3A_149 : i1
      %add3A_155 = arith.addi %rem3A_147, %select_n3A_146 : i32
      %select_n3A_156 = arith.select %and3A_154, %add3A_155, %rem3A_147 : i32
      %dma_wait3A_157 = arith.constant 0 : i32
      %dma_wait3A_158 = arith.constant 0 : i32
      %dma_wait3A_159 = tpu.memref_slice %arg4[%dma_wait3A_157, %dma_wait3A_158] : memref<100000x1024xf32, #tpu.memory_space<hbm>> -> memref<16x1024xf32, #tpu.memory_space<hbm>>
      %dma_wait3A_160 = arith.constant 0 : i32
      %dma_wait3A_161 = arith.constant 0 : i32
      %dma_wait3A_162 = tpu.memref_slice %arg4[%dma_wait3A_160, %dma_wait3A_161] : memref<100000x1024xf32, #tpu.memory_space<hbm>> -> memref<16x1024xf32, #tpu.memory_space<hbm>>
      tpu.wait_dma2 semaphore(%arg12 : memref<!tpu.dma_semaphore, #tpu.memory_space<semaphore_mem>>) src(%dma_wait3A_162 : memref<16x1024xf32, #tpu.memory_space<hbm>>) dst(%arg8 : memref<16x1024xf32, #tpu.memory_space<vmem>>)
      %ge3A = arith.constant 1 : i32
      %ge3A_163 = arith.cmpi sge, %scan3A_121, %ge3A : i32
      %convert_element_type3A = arith.extui %ge3A_163 : i1 to i32
      %cond3A = arith.constant 0 : i32
      %cond3A_164 = arith.cmpi ne, %convert_element_type3A, %cond3A : i32
      scf.if %cond3A_164 {
        %dma_wait3A_263 = arith.constant 0 : i32
        %dma_wait3A_264 = arith.constant 0 : i32
        %dma_wait3A_265 = arith.constant 0 : i32
        %dma_wait3A_266 = tpu.memref_slice %arg5[%dma_wait3A_263, %dma_wait3A_264, %dma_wait3A_265] : memref<4x2048x1024xf32, #tpu.memory_space<hbm>> -> memref<1x16x1024xf32, #tpu.memory_space<hbm>>
        %dma_wait3A_267 = tpu.memref_squeeze %dma_wait3A_266 : memref<1x16x1024xf32, #tpu.memory_space<hbm>> -> memref<16x1024xf32, #tpu.memory_space<hbm>>
        %dma_wait3A_268 = arith.constant 0 : i32
        %dma_wait3A_269 = arith.constant 0 : i32
        %dma_wait3A_270 = tpu.memref_slice %arg5[%dma_wait3A_263, %dma_wait3A_268, %dma_wait3A_269] : memref<4x2048x1024xf32, #tpu.memory_space<hbm>> -> memref<1x16x1024xf32, #tpu.memory_space<hbm>>
        %dma_wait3A_271 = tpu.memref_squeeze %dma_wait3A_270 : memref<1x16x1024xf32, #tpu.memory_space<hbm>> -> memref<16x1024xf32, #tpu.memory_space<hbm>>
        tpu.wait_dma2 semaphore(%arg14 : memref<!tpu.dma_semaphore, #tpu.memory_space<semaphore_mem>>) src(%arg10 : memref<16x1024xf32, #tpu.memory_space<vmem>>) dst(%dma_wait3A_271 : memref<16x1024xf32, #tpu.memory_space<hbm>>)
      } else {
      }
      %scan3A_165 = arith.constant 0 : i32
      %scan3A_166 = arith.constant 0 : i32
      %scan3A_167 = arith.constant 16 : i32
      %scan3A_168 = arith.addi %scan3A_166, %scan3A_167 : i32
      %scan3A_169 = arith.constant 1 : i32
      %scan3A_170 = scf.for %scan3A_263 = %scan3A_166 to %scan3A_168 step %scan3A_169 iter_args(%scan3A_264 = %scan3A_165) -> (i32)  : i32 {
        %mul3A_265 = arith.constant 16 : i32
        %mul3A_266 = arith.muli %select_n3A_156, %mul3A_265 : i32
        %add3A_267 = arith.addi %mul3A_266, %scan3A_263 : i32
        %mul3A_268 = arith.constant 512 : i32
        %mul3A_269 = arith.muli %add3A_267, %mul3A_268 : i32
        %add3A_270 = arith.constant 0 : i32
        %add3A_271 = arith.addi %mul3A_269, %add3A_270 : i32
        %get3A = arith.index_cast %add3A_271 : i32 to index
        %get3A_272 = tpu.vector_load %arg7[%get3A] {strides = array<i32>} : memref<32768xi32, #tpu.memory_space<vmem>>, vector<16xi32>,
        %get3A_273 = vector.shape_cast %get3A_272 : vector<16xi32> to vector<16xi32>
        %get3A_274 = arith.index_cast %scan3A_263 : i32 to index
        %get3A_275 = arith.constant 0 : index
        %get3A_276 = tpu.vector_load %arg8[%get3A_274, %get3A_275] {strides = array<i32>} : memref<16x1024xf32, #tpu.memory_space<vmem>>, vector<1x16xf32>,
        %get3A_277 = vector.shape_cast %get3A_276 : vector<1x16xf32> to vector<16xf32>
        %get3A_278 = arith.index_cast %scan3A_263 : i32 to index
        %get3A_279 = arith.constant 16 : index
        %get3A_280 = tpu.vector_load %arg8[%get3A_278, %get3A_279] {strides = array<i32>} : memref<16x1024xf32, #tpu.memory_space<vmem>>, vector<1x16xf32>,
        %get3A_281 = vector.shape_cast %get3A_280 : vector<1x16xf32> to vector<16xf32>
        %add3A_282 = arith.constant 16 : i32
        %add3A_283 = arith.addi %mul3A_269, %add3A_282 : i32
        %get3A_284 = arith.index_cast %add3A_283 : i32 to index
        %get3A_285 = tpu.vector_load %arg7[%get3A_284] {strides = array<i32>} : memref<32768xi32, #tpu.memory_space<vmem>>, vector<16xi32>,
        %get3A_286 = vector.shape_cast %get3A_285 : vector<16xi32> to vector<16xi32>
        %get3A_287 = arith.index_cast %scan3A_263 : i32 to index
        %get3A_288 = arith.constant 32 : index
        %get3A_289 = tpu.vector_load %arg8[%get3A_287, %get3A_288] {strides = array<i32>} : memref<16x1024xf32, #tpu.memory_space<vmem>>, vector<1x16xf32>,
        %get3A_290 = vector.shape_cast %get3A_289 : vector<1x16xf32> to vector<16xf32>
        %get3A_291 = arith.index_cast %scan3A_263 : i32 to index
        %get3A_292 = arith.constant 48 : index
        %get3A_293 = tpu.vector_load %arg8[%get3A_291, %get3A_292] {strides = array<i32>} : memref<16x1024xf32, #tpu.memory_space<vmem>>, vector<1x16xf32>,
        %get3A_294 = vector.shape_cast %get3A_293 : vector<1x16xf32> to vector<16xf32>
        %add3A_295 = arith.constant 32 : i32
        %add3A_296 = arith.addi %mul3A_269, %add3A_295 : i32
        %get3A_297 = arith.index_cast %add3A_296 : i32 to index
        %get3A_298 = tpu.vector_load %arg7[%get3A_297] {strides = array<i32>} : memref<32768xi32, #tpu.memory_space<vmem>>, vector<16xi32>,
        %get3A_299 = vector.shape_cast %get3A_298 : vector<16xi32> to vector<16xi32>
        %get3A_300 = arith.index_cast %scan3A_263 : i32 to index
        %get3A_301 = arith.constant 64 : index
        %get3A_302 = tpu.vector_load %arg8[%get3A_300, %get3A_301] {strides = array<i32>} : memref<16x1024xf32, #tpu.memory_space<vmem>>, vector<1x16xf32>,
        %get3A_303 = vector.shape_cast %get3A_302 : vector<1x16xf32> to vector<16xf32>
        %get3A_304 = arith.index_cast %scan3A_263 : i32 to index
        %get3A_305 = arith.constant 80 : index
        %get3A_306 = tpu.vector_load %arg8[%get3A_304, %get3A_305] {strides = array<i32>} : memref<16x1024xf32, #tpu.memory_space<vmem>>, vector<1x16xf32>,
        %get3A_307 = vector.shape_cast %get3A_306 : vector<1x16xf32> to vector<16xf32>
        %add3A_308 = arith.constant 48 : i32
        %add3A_309 = arith.addi %mul3A_269, %add3A_308 : i32
        %get3A_310 = arith.index_cast %add3A_309 : i32 to index
        %get3A_311 = tpu.vector_load %arg7[%get3A_310] {strides = array<i32>} : memref<32768xi32, #tpu.memory_space<vmem>>, vector<16xi32>,
        %get3A_312 = vector.shape_cast %get3A_311 : vector<16xi32> to vector<16xi32>
        %get3A_313 = arith.index_cast %scan3A_263 : i32 to index
        %get3A_314 = arith.constant 96 : index
        %get3A_315 = tpu.vector_load %arg8[%get3A_313, %get3A_314] {strides = array<i32>} : memref<16x1024xf32, #tpu.memory_space<vmem>>, vector<1x16xf32>,
        %get3A_316 = vector.shape_cast %get3A_315 : vector<1x16xf32> to vector<16xf32>
        %get3A_317 = arith.index_cast %scan3A_263 : i32 to index
        %get3A_318 = arith.constant 112 : index
        %get3A_319 = tpu.vector_load %arg8[%get3A_317, %get3A_318] {strides = array<i32>} : memref<16x1024xf32, #tpu.memory_space<vmem>>, vector<1x16xf32>,
        %get3A_320 = vector.shape_cast %get3A_319 : vector<1x16xf32> to vector<16xf32>
        %add3A_321 = arith.constant 64 : i32
        %add3A_322 = arith.addi %mul3A_269, %add3A_321 : i32
        %get3A_323 = arith.index_cast %add3A_322 : i32 to index
        %get3A_324 = tpu.vector_load %arg7[%get3A_323] {strides = array<i32>} : memref<32768xi32, #tpu.memory_space<vmem>>, vector<16xi32>,
        %get3A_325 = vector.shape_cast %get3A_324 : vector<16xi32> to vector<16xi32>
        %get3A_326 = arith.index_cast %scan3A_263 : i32 to index
        %get3A_327 = arith.constant 128 : index
        %get3A_328 = tpu.vector_load %arg8[%get3A_326, %get3A_327] {strides = array<i32>} : memref<16x1024xf32, #tpu.memory_space<vmem>>, vector<1x16xf32>,
        %get3A_329 = vector.shape_cast %get3A_328 : vector<1x16xf32> to vector<16xf32>
        %get3A_330 = arith.index_cast %scan3A_263 : i32 to index
        %get3A_331 = arith.constant 144 : index
        %get3A_332 = tpu.vector_load %arg8[%get3A_330, %get3A_331] {strides = array<i32>} : memref<16x1024xf32, #tpu.memory_space<vmem>>, vector<1x16xf32>,
        %get3A_333 = vector.shape_cast %get3A_332 : vector<1x16xf32> to vector<16xf32>
        %add3A_334 = arith.constant 80 : i32
        %add3A_335 = arith.addi %mul3A_269, %add3A_334 : i32
        %get3A_336 = arith.index_cast %add3A_335 : i32 to index
        %get3A_337 = tpu.vector_load %arg7[%get3A_336] {strides = array<i32>} : memref<32768xi32, #tpu.memory_space<vmem>>, vector<16xi32>,
        %get3A_338 = vector.shape_cast %get3A_337 : vector<16xi32> to vector<16xi32>
        %get3A_339 = arith.index_cast %scan3A_263 : i32 to index
        %get3A_340 = arith.constant 160 : index
        %get3A_341 = tpu.vector_load %arg8[%get3A_339, %get3A_340] {strides = array<i32>} : memref<16x1024xf32, #tpu.memory_space<vmem>>, vector<1x16xf32>,
        %get3A_342 = vector.shape_cast %get3A_341 : vector<1x16xf32> to vector<16xf32>
        %get3A_343 = arith.index_cast %scan3A_263 : i32 to index
        %get3A_344 = arith.constant 176 : index
        %get3A_345 = tpu.vector_load %arg8[%get3A_343, %get3A_344] {strides = array<i32>} : memref<16x1024xf32, #tpu.memory_space<vmem>>, vector<1x16xf32>,
        %get3A_346 = vector.shape_cast %get3A_345 : vector<1x16xf32> to vector<16xf32>
        %add3A_347 = arith.constant 96 : i32
        %add3A_348 = arith.addi %mul3A_269, %add3A_347 : i32
        %get3A_349 = arith.index_cast %add3A_348 : i32 to index
        %get3A_350 = tpu.vector_load %arg7[%get3A_349] {strides = array<i32>} : memref<32768xi32, #tpu.memory_space<vmem>>, vector<16xi32>,
        %get3A_351 = vector.shape_cast %get3A_350 : vector<16xi32> to vector<16xi32>
        %get3A_352 = arith.index_cast %scan3A_263 : i32 to index
        %get3A_353 = arith.constant 192 : index
        %get3A_354 = tpu.vector_load %arg8[%get3A_352, %get3A_353] {strides = array<i32>} : memref<16x1024xf32, #tpu.memory_space<vmem>>, vector<1x16xf32>,
        %get3A_355 = vector.shape_cast %get3A_354 : vector<1x16xf32> to vector<16xf32>
        %get3A_356 = arith.index_cast %scan3A_263 : i32 to index
        %get3A_357 = arith.constant 208 : index
        %get3A_358 = tpu.vector_load %arg8[%get3A_356, %get3A_357] {strides = array<i32>} : memref<16x1024xf32, #tpu.memory_space<vmem>>, vector<1x16xf32>,
        %get3A_359 = vector.shape_cast %get3A_358 : vector<1x16xf32> to vector<16xf32>
        %shift_left3A = arith.constant 16 : i32
        %shift_left3A_360 = vector.broadcast %shift_left3A : i32 to vector<16xi32>
        %shift_left3A_361 = arith.shli %get3A_273, %shift_left3A_360 : vector<16xi32>
        %bitcast_convert_type3A = tpu.bitcast %shift_left3A_361 : vector<16xi32> -> vector<16xf32>
        %and3A_362 = arith.constant -65536 : i32
        %and3A_363 = vector.broadcast %and3A_362 : i32 to vector<16xi32>
        %and3A_364 = arith.andi %get3A_273, %and3A_363 : vector<16xi32>
        %bitcast_convert_type3A_365 = tpu.bitcast %and3A_364 : vector<16xi32> -> vector<16xf32>
        %mul3A_366 = arith.constant 3.200000e+01 : f32
        %mul3A_367 = vector.broadcast %mul3A_366 : f32 to vector<16xf32>
        %mul3A_368 = arith.mulf %get3A_277, %mul3A_367 : vector<16xf32>
        %add3A_369 = arith.addf %mul3A_368, %bitcast_convert_type3A : vector<16xf32>
        %swap3A = arith.index_cast %scan3A_263 : i32 to index
        %swap3A_370 = arith.constant 0 : index
        %swap3A_371 = tpu.vector_load %arg10[%swap3A, %swap3A_370] {strides = array<i32>} : memref<16x1024xf32, #tpu.memory_space<vmem>>, vector<1x16xf32>,
        %swap3A_372 = vector.shape_cast %swap3A_371 : vector<1x16xf32> to vector<16xf32>
        %swap3A_373 = vector.shape_cast %add3A_369 : vector<16xf32> to vector<1x16xf32>
        tpu.vector_store %arg10[%swap3A, %swap3A_370], %swap3A_373 {strides = array<i32>} : memref<16x1024xf32, #tpu.memory_space<vmem>>, vector<1x16xf32>,
        %mul3A_374 = arith.constant 3.200000e+01 : f32
        %mul3A_375 = vector.broadcast %mul3A_374 : f32 to vector<16xf32>
        %mul3A_376 = arith.mulf %get3A_281, %mul3A_375 : vector<16xf32>
        %add3A_377 = arith.addf %mul3A_376, %bitcast_convert_type3A_365 : vector<16xf32>
        %swap3A_378 = arith.index_cast %scan3A_263 : i32 to index
        %swap3A_379 = arith.constant 16 : index
        %swap3A_380 = tpu.vector_load %arg10[%swap3A_378, %swap3A_379] {strides = array<i32>} : memref<16x1024xf32, #tpu.memory_space<vmem>>, vector<1x16xf32>,
        %swap3A_381 = vector.shape_cast %swap3A_380 : vector<1x16xf32> to vector<16xf32>
        %swap3A_382 = vector.shape_cast %add3A_377 : vector<16xf32> to vector<1x16xf32>
        tpu.vector_store %arg10[%swap3A_378, %swap3A_379], %swap3A_382 {strides = array<i32>} : memref<16x1024xf32, #tpu.memory_space<vmem>>, vector<1x16xf32>,
        %add3A_383 = arith.constant 112 : i32
        %add3A_384 = arith.addi %mul3A_269, %add3A_383 : i32
        %get3A_385 = arith.index_cast %add3A_384 : i32 to index
        %get3A_386 = tpu.vector_load %arg7[%get3A_385] {strides = array<i32>} : memref<32768xi32, #tpu.memory_space<vmem>>, vector<16xi32>,
        %get3A_387 = vector.shape_cast %get3A_386 : vector<16xi32> to vector<16xi32>
        %get3A_388 = arith.index_cast %scan3A_263 : i32 to index
        %get3A_389 = arith.constant 224 : index
        %get3A_390 = tpu.vector_load %arg8[%get3A_388, %get3A_389] {strides = array<i32>} : memref<16x1024xf32, #tpu.memory_space<vmem>>, vector<1x16xf32>,
        %get3A_391 = vector.shape_cast %get3A_390 : vector<1x16xf32> to vector<16xf32>
        %get3A_392 = arith.index_cast %scan3A_263 : i32 to index
        %get3A_393 = arith.constant 240 : index
        %get3A_394 = tpu.vector_load %arg8[%get3A_392, %get3A_393] {strides = array<i32>} : memref<16x1024xf32, #tpu.memory_space<vmem>>, vector<1x16xf32>,
        %get3A_395 = vector.shape_cast %get3A_394 : vector<1x16xf32> to vector<16xf32>
        %shift_left3A_396 = arith.constant 16 : i32
        %shift_left3A_397 = vector.broadcast %shift_left3A_396 : i32 to vector<16xi32>
        %shift_left3A_398 = arith.shli %get3A_286, %shift_left3A_397 : vector<16xi32>
        %bitcast_convert_type3A_399 = tpu.bitcast %shift_left3A_398 : vector<16xi32> -> vector<16xf32>
        %and3A_400 = arith.constant -65536 : i32
        %and3A_401 = vector.broadcast %and3A_400 : i32 to vector<16xi32>
        %and3A_402 = arith.andi %get3A_286, %and3A_401 : vector<16xi32>
        %bitcast_convert_type3A_403 = tpu.bitcast %and3A_402 : vector<16xi32> -> vector<16xf32>
        %mul3A_404 = arith.constant 3.200000e+01 : f32
        %mul3A_405 = vector.broadcast %mul3A_404 : f32 to vector<16xf32>
        %mul3A_406 = arith.mulf %get3A_290, %mul3A_405 : vector<16xf32>
        %add3A_407 = arith.addf %mul3A_406, %bitcast_convert_type3A_399 : vector<16xf32>
        %swap3A_408 = arith.index_cast %scan3A_263 : i32 to index
        %swap3A_409 = arith.constant 32 : index
        %swap3A_410 = tpu.vector_load %arg10[%swap3A_408, %swap3A_409] {strides = array<i32>} : memref<16x1024xf32, #tpu.memory_space<vmem>>, vector<1x16xf32>,
        %swap3A_411 = vector.shape_cast %swap3A_410 : vector<1x16xf32> to vector<16xf32>
        %swap3A_412 = vector.shape_cast %add3A_407 : vector<16xf32> to vector<1x16xf32>
        tpu.vector_store %arg10[%swap3A_408, %swap3A_409], %swap3A_412 {strides = array<i32>} : memref<16x1024xf32, #tpu.memory_space<vmem>>, vector<1x16xf32>,
        %mul3A_413 = arith.constant 3.200000e+01 : f32
        %mul3A_414 = vector.broadcast %mul3A_413 : f32 to vector<16xf32>
        %mul3A_415 = arith.mulf %get3A_294, %mul3A_414 : vector<16xf32>
        %add3A_416 = arith.addf %mul3A_415, %bitcast_convert_type3A_403 : vector<16xf32>
        %swap3A_417 = arith.index_cast %scan3A_263 : i32 to index
        %swap3A_418 = arith.constant 48 : index
        %swap3A_419 = tpu.vector_load %arg10[%swap3A_417, %swap3A_418] {strides = array<i32>} : memref<16x1024xf32, #tpu.memory_space<vmem>>, vector<1x16xf32>,
        %swap3A_420 = vector.shape_cast %swap3A_419 : vector<1x16xf32> to vector<16xf32>
        %swap3A_421 = vector.shape_cast %add3A_416 : vector<16xf32> to vector<1x16xf32>
        tpu.vector_store %arg10[%swap3A_417, %swap3A_418], %swap3A_421 {strides = array<i32>} : memref<16x1024xf32, #tpu.memory_space<vmem>>, vector<1x16xf32>,
        %add3A_422 = arith.constant 128 : i32
        %add3A_423 = arith.addi %mul3A_269, %add3A_422 : i32
        %get3A_424 = arith.index_cast %add3A_423 : i32 to index
        %get3A_425 = tpu.vector_load %arg7[%get3A_424] {strides = array<i32>} : memref<32768xi32, #tpu.memory_space<vmem>>, vector<16xi32>,
        %get3A_426 = vector.shape_cast %get3A_425 : vector<16xi32> to vector<16xi32>
        %get3A_427 = arith.index_cast %scan3A_263 : i32 to index
        %get3A_428 = arith.constant 256 : index
        %get3A_429 = tpu.vector_load %arg8[%get3A_427, %get3A_428] {strides = array<i32>} : memref<16x1024xf32, #tpu.memory_space<vmem>>, vector<1x16xf32>,
        %get3A_430 = vector.shape_cast %get3A_429 : vector<1x16xf32> to vector<16xf32>
        %get3A_431 = arith.index_cast %scan3A_263 : i32 to index
        %get3A_432 = arith.constant 272 : index
        %get3A_433 = tpu.vector_load %arg8[%get3A_431, %get3A_432] {strides = array<i32>} : memref<16x1024xf32, #tpu.memory_space<vmem>>, vector<1x16xf32>,
        %get3A_434 = vector.shape_cast %get3A_433 : vector<1x16xf32> to vector<16xf32>
        %shift_left3A_435 = arith.constant 16 : i32
        %shift_left3A_436 = vector.broadcast %shift_left3A_435 : i32 to vector<16xi32>
        %shift_left3A_437 = arith.shli %get3A_299, %shift_left3A_436 : vector<16xi32>
        %bitcast_convert_type3A_438 = tpu.bitcast %shift_left3A_437 : vector<16xi32> -> vector<16xf32>
        %and3A_439 = arith.constant -65536 : i32
        %and3A_440 = vector.broadcast %and3A_439 : i32 to vector<16xi32>
        %and3A_441 = arith.andi %get3A_299, %and3A_440 : vector<16xi32>
        %bitcast_convert_type3A_442 = tpu.bitcast %and3A_441 : vector<16xi32> -> vector<16xf32>
        %mul3A_443 = arith.constant 3.200000e+01 : f32
        %mul3A_444 = vector.broadcast %mul3A_443 : f32 to vector<16xf32>
        %mul3A_445 = arith.mulf %get3A_303, %mul3A_444 : vector<16xf32>
        %add3A_446 = arith.addf %mul3A_445, %bitcast_convert_type3A_438 : vector<16xf32>
        %swap3A_447 = arith.index_cast %scan3A_263 : i32 to index
        %swap3A_448 = arith.constant 64 : index
        %swap3A_449 = tpu.vector_load %arg10[%swap3A_447, %swap3A_448] {strides = array<i32>} : memref<16x1024xf32, #tpu.memory_space<vmem>>, vector<1x16xf32>,
        %swap3A_450 = vector.shape_cast %swap3A_449 : vector<1x16xf32> to vector<16xf32>
        %swap3A_451 = vector.shape_cast %add3A_446 : vector<16xf32> to vector<1x16xf32>
        tpu.vector_store %arg10[%swap3A_447, %swap3A_448], %swap3A_451 {strides = array<i32>} : memref<16x1024xf32, #tpu.memory_space<vmem>>, vector<1x16xf32>,
        %mul3A_452 = arith.constant 3.200000e+01 : f32
        %mul3A_453 = vector.broadcast %mul3A_452 : f32 to vector<16xf32>
        %mul3A_454 = arith.mulf %get3A_307, %mul3A_453 : vector<16xf32>
        %add3A_455 = arith.addf %mul3A_454, %bitcast_convert_type3A_442 : vector<16xf32>
        %swap3A_456 = arith.index_cast %scan3A_263 : i32 to index
        %swap3A_457 = arith.constant 80 : index
        %swap3A_458 = tpu.vector_load %arg10[%swap3A_456, %swap3A_457] {strides = array<i32>} : memref<16x1024xf32, #tpu.memory_space<vmem>>, vector<1x16xf32>,
        %swap3A_459 = vector.shape_cast %swap3A_458 : vector<1x16xf32> to vector<16xf32>
        %swap3A_460 = vector.shape_cast %add3A_455 : vector<16xf32> to vector<1x16xf32>
        tpu.vector_store %arg10[%swap3A_456, %swap3A_457], %swap3A_460 {strides = array<i32>} : memref<16x1024xf32, #tpu.memory_space<vmem>>, vector<1x16xf32>,
        %add3A_461 = arith.constant 144 : i32
        %add3A_462 = arith.addi %mul3A_269, %add3A_461 : i32
        %get3A_463 = arith.index_cast %add3A_462 : i32 to index
        %get3A_464 = tpu.vector_load %arg7[%get3A_463] {strides = array<i32>} : memref<32768xi32, #tpu.memory_space<vmem>>, vector<16xi32>,
        %get3A_465 = vector.shape_cast %get3A_464 : vector<16xi32> to vector<16xi32>
        %get3A_466 = arith.index_cast %scan3A_263 : i32 to index
        %get3A_467 = arith.constant 288 : index
        %get3A_468 = tpu.vector_load %arg8[%get3A_466, %get3A_467] {strides = array<i32>} : memref<16x1024xf32, #tpu.memory_space<vmem>>, vector<1x16xf32>,
        %get3A_469 = vector.shape_cast %get3A_468 : vector<1x16xf32> to vector<16xf32>
        %get3A_470 = arith.index_cast %scan3A_263 : i32 to index
        %get3A_471 = arith.constant 304 : index
        %get3A_472 = tpu.vector_load %arg8[%get3A_470, %get3A_471] {strides = array<i32>} : memref<16x1024xf32, #tpu.memory_space<vmem>>, vector<1x16xf32>,
        %get3A_473 = vector.shape_cast %get3A_472 : vector<1x16xf32> to vector<16xf32>
        %shift_left3A_474 = arith.constant 16 : i32
        %shift_left3A_475 = vector.broadcast %shift_left3A_474 : i32 to vector<16xi32>
        %shift_left3A_476 = arith.shli %get3A_312, %shift_left3A_475 : vector<16xi32>
        %bitcast_convert_type3A_477 = tpu.bitcast %shift_left3A_476 : vector<16xi32> -> vector<16xf32>
        %and3A_478 = arith.constant -65536 : i32
        %and3A_479 = vector.broadcast %and3A_478 : i32 to vector<16xi32>
        %and3A_480 = arith.andi %get3A_312, %and3A_479 : vector<16xi32>
        %bitcast_convert_type3A_481 = tpu.bitcast %and3A_480 : vector<16xi32> -> vector<16xf32>
        %mul3A_482 = arith.constant 3.200000e+01 : f32
        %mul3A_483 = vector.broadcast %mul3A_482 : f32 to vector<16xf32>
        %mul3A_484 = arith.mulf %get3A_316, %mul3A_483 : vector<16xf32>
        %add3A_485 = arith.addf %mul3A_484, %bitcast_convert_type3A_477 : vector<16xf32>
        %swap3A_486 = arith.index_cast %scan3A_263 : i32 to index
        %swap3A_487 = arith.constant 96 : index
        %swap3A_488 = tpu.vector_load %arg10[%swap3A_486, %swap3A_487] {strides = array<i32>} : memref<16x1024xf32, #tpu.memory_space<vmem>>, vector<1x16xf32>,
        %swap3A_489 = vector.shape_cast %swap3A_488 : vector<1x16xf32> to vector<16xf32>
        %swap3A_490 = vector.shape_cast %add3A_485 : vector<16xf32> to vector<1x16xf32>
        tpu.vector_store %arg10[%swap3A_486, %swap3A_487], %swap3A_490 {strides = array<i32>} : memref<16x1024xf32, #tpu.memory_space<vmem>>, vector<1x16xf32>,
        %mul3A_491 = arith.constant 3.200000e+01 : f32
        %mul3A_492 = vector.broadcast %mul3A_491 : f32 to vector<16xf32>
        %mul3A_493 = arith.mulf %get3A_320, %mul3A_492 : vector<16xf32>
        %add3A_494 = arith.addf %mul3A_493, %bitcast_convert_type3A_481 : vector<16xf32>
        %swap3A_495 = arith.index_cast %scan3A_263 : i32 to index
        %swap3A_496 = arith.constant 112 : index
        %swap3A_497 = tpu.vector_load %arg10[%swap3A_495, %swap3A_496] {strides = array<i32>} : memref<16x1024xf32, #tpu.memory_space<vmem>>, vector<1x16xf32>,
        %swap3A_498 = vector.shape_cast %swap3A_497 : vector<1x16xf32> to vector<16xf32>
        %swap3A_499 = vector.shape_cast %add3A_494 : vector<16xf32> to vector<1x16xf32>
        tpu.vector_store %arg10[%swap3A_495, %swap3A_496], %swap3A_499 {strides = array<i32>} : memref<16x1024xf32, #tpu.memory_space<vmem>>, vector<1x16xf32>,
        %add3A_500 = arith.constant 160 : i32
        %add3A_501 = arith.addi %mul3A_269, %add3A_500 : i32
        %get3A_502 = arith.index_cast %add3A_501 : i32 to index
        %get3A_503 = tpu.vector_load %arg7[%get3A_502] {strides = array<i32>} : memref<32768xi32, #tpu.memory_space<vmem>>, vector<16xi32>,
        %get3A_504 = vector.shape_cast %get3A_503 : vector<16xi32> to vector<16xi32>
        %get3A_505 = arith.index_cast %scan3A_263 : i32 to index
        %get3A_506 = arith.constant 320 : index
        %get3A_507 = tpu.vector_load %arg8[%get3A_505, %get3A_506] {strides = array<i32>} : memref<16x1024xf32, #tpu.memory_space<vmem>>, vector<1x16xf32>,
        %get3A_508 = vector.shape_cast %get3A_507 : vector<1x16xf32> to vector<16xf32>
        %get3A_509 = arith.index_cast %scan3A_263 : i32 to index
        %get3A_510 = arith.constant 336 : index
        %get3A_511 = tpu.vector_load %arg8[%get3A_509, %get3A_510] {strides = array<i32>} : memref<16x1024xf32, #tpu.memory_space<vmem>>, vector<1x16xf32>,
        %get3A_512 = vector.shape_cast %get3A_511 : vector<1x16xf32> to vector<16xf32>
        %shift_left3A_513 = arith.constant 16 : i32
        %shift_left3A_514 = vector.broadcast %shift_left3A_513 : i32 to vector<16xi32>
        %shift_left3A_515 = arith.shli %get3A_325, %shift_left3A_514 : vector<16xi32>
        %bitcast_convert_type3A_516 = tpu.bitcast %shift_left3A_515 : vector<16xi32> -> vector<16xf32>
        %and3A_517 = arith.constant -65536 : i32
        %and3A_518 = vector.broadcast %and3A_517 : i32 to vector<16xi32>
        %and3A_519 = arith.andi %get3A_325, %and3A_518 : vector<16xi32>
        %bitcast_convert_type3A_520 = tpu.bitcast %and3A_519 : vector<16xi32> -> vector<16xf32>
        %mul3A_521 = arith.constant 3.200000e+01 : f32
        %mul3A_522 = vector.broadcast %mul3A_521 : f32 to vector<16xf32>
        %mul3A_523 = arith.mulf %get3A_329, %mul3A_522 : vector<16xf32>
        %add3A_524 = arith.addf %mul3A_523, %bitcast_convert_type3A_516 : vector<16xf32>
        %swap3A_525 = arith.index_cast %scan3A_263 : i32 to index
        %swap3A_526 = arith.constant 128 : index
        %swap3A_527 = tpu.vector_load %arg10[%swap3A_525, %swap3A_526] {strides = array<i32>} : memref<16x1024xf32, #tpu.memory_space<vmem>>, vector<1x16xf32>,
        %swap3A_528 = vector.shape_cast %swap3A_527 : vector<1x16xf32> to vector<16xf32>
        %swap3A_529 = vector.shape_cast %add3A_524 : vector<16xf32> to vector<1x16xf32>
        tpu.vector_store %arg10[%swap3A_525, %swap3A_526], %swap3A_529 {strides = array<i32>} : memref<16x1024xf32, #tpu.memory_space<vmem>>, vector<1x16xf32>,
        %mul3A_530 = arith.constant 3.200000e+01 : f32
        %mul3A_531 = vector.broadcast %mul3A_530 : f32 to vector<16xf32>
        %mul3A_532 = arith.mulf %get3A_333, %mul3A_531 : vector<16xf32>
        %add3A_533 = arith.addf %mul3A_532, %bitcast_convert_type3A_520 : vector<16xf32>
        %swap3A_534 = arith.index_cast %scan3A_263 : i32 to index
        %swap3A_535 = arith.constant 144 : index
        %swap3A_536 = tpu.vector_load %arg10[%swap3A_534, %swap3A_535] {strides = array<i32>} : memref<16x1024xf32, #tpu.memory_space<vmem>>, vector<1x16xf32>,
        %swap3A_537 = vector.shape_cast %swap3A_536 : vector<1x16xf32> to vector<16xf32>
        %swap3A_538 = vector.shape_cast %add3A_533 : vector<16xf32> to vector<1x16xf32>
        tpu.vector_store %arg10[%swap3A_534, %swap3A_535], %swap3A_538 {strides = array<i32>} : memref<16x1024xf32, #tpu.memory_space<vmem>>, vector<1x16xf32>,
        %add3A_539 = arith.constant 176 : i32
        %add3A_540 = arith.addi %mul3A_269, %add3A_539 : i32
        %get3A_541 = arith.index_cast %add3A_540 : i32 to index
        %get3A_542 = tpu.vector_load %arg7[%get3A_541] {strides = array<i32>} : memref<32768xi32, #tpu.memory_space<vmem>>, vector<16xi32>,
        %get3A_543 = vector.shape_cast %get3A_542 : vector<16xi32> to vector<16xi32>
        %get3A_544 = arith.index_cast %scan3A_263 : i32 to index
        %get3A_545 = arith.constant 352 : index
        %get3A_546 = tpu.vector_load %arg8[%get3A_544, %get3A_545] {strides = array<i32>} : memref<16x1024xf32, #tpu.memory_space<vmem>>, vector<1x16xf32>,
        %get3A_547 = vector.shape_cast %get3A_546 : vector<1x16xf32> to vector<16xf32>
        %get3A_548 = arith.index_cast %scan3A_263 : i32 to index
        %get3A_549 = arith.constant 368 : index
        %get3A_550 = tpu.vector_load %arg8[%get3A_548, %get3A_549] {strides = array<i32>} : memref<16x1024xf32, #tpu.memory_space<vmem>>, vector<1x16xf32>,
        %get3A_551 = vector.shape_cast %get3A_550 : vector<1x16xf32> to vector<16xf32>
        %shift_left3A_552 = arith.constant 16 : i32
        %shift_left3A_553 = vector.broadcast %shift_left3A_552 : i32 to vector<16xi32>
        %shift_left3A_554 = arith.shli %get3A_338, %shift_left3A_553 : vector<16xi32>
        %bitcast_convert_type3A_555 = tpu.bitcast %shift_left3A_554 : vector<16xi32> -> vector<16xf32>
        %and3A_556 = arith.constant -65536 : i32
        %and3A_557 = vector.broadcast %and3A_556 : i32 to vector<16xi32>
        %and3A_558 = arith.andi %get3A_338, %and3A_557 : vector<16xi32>
        %bitcast_convert_type3A_559 = tpu.bitcast %and3A_558 : vector<16xi32> -> vector<16xf32>
        %mul3A_560 = arith.constant 3.200000e+01 : f32
        %mul3A_561 = vector.broadcast %mul3A_560 : f32 to vector<16xf32>
        %mul3A_562 = arith.mulf %get3A_342, %mul3A_561 : vector<16xf32>
        %add3A_563 = arith.addf %mul3A_562, %bitcast_convert_type3A_555 : vector<16xf32>
        %swap3A_564 = arith.index_cast %scan3A_263 : i32 to index
        %swap3A_565 = arith.constant 160 : index
        %swap3A_566 = tpu.vector_load %arg10[%swap3A_564, %swap3A_565] {strides = array<i32>} : memref<16x1024xf32, #tpu.memory_space<vmem>>, vector<1x16xf32>,
        %swap3A_567 = vector.shape_cast %swap3A_566 : vector<1x16xf32> to vector<16xf32>
        %swap3A_568 = vector.shape_cast %add3A_563 : vector<16xf32> to vector<1x16xf32>
        tpu.vector_store %arg10[%swap3A_564, %swap3A_565], %swap3A_568 {strides = array<i32>} : memref<16x1024xf32, #tpu.memory_space<vmem>>, vector<1x16xf32>,
        %mul3A_569 = arith.constant 3.200000e+01 : f32
        %mul3A_570 = vector.broadcast %mul3A_569 : f32 to vector<16xf32>
        %mul3A_571 = arith.mulf %get3A_346, %mul3A_570 : vector<16xf32>
        %add3A_572 = arith.addf %mul3A_571, %bitcast_convert_type3A_559 : vector<16xf32>
        %swap3A_573 = arith.index_cast %scan3A_263 : i32 to index
        %swap3A_574 = arith.constant 176 : index
        %swap3A_575 = tpu.vector_load %arg10[%swap3A_573, %swap3A_574] {strides = array<i32>} : memref<16x1024xf32, #tpu.memory_space<vmem>>, vector<1x16xf32>,
        %swap3A_576 = vector.shape_cast %swap3A_575 : vector<1x16xf32> to vector<16xf32>
        %swap3A_577 = vector.shape_cast %add3A_572 : vector<16xf32> to vector<1x16xf32>
        tpu.vector_store %arg10[%swap3A_573, %swap3A_574], %swap3A_577 {strides = array<i32>} : memref<16x1024xf32, #tpu.memory_space<vmem>>, vector<1x16xf32>,
        %add3A_578 = arith.constant 192 : i32
        %add3A_579 = arith.addi %mul3A_269, %add3A_578 : i32
        %get3A_580 = arith.index_cast %add3A_579 : i32 to index
        %get3A_581 = tpu.vector_load %arg7[%get3A_580] {strides = array<i32>} : memref<32768xi32, #tpu.memory_space<vmem>>, vector<16xi32>,
        %get3A_582 = vector.shape_cast %get3A_581 : vector<16xi32> to vector<16xi32>
        %get3A_583 = arith.index_cast %scan3A_263 : i32 to index
        %get3A_584 = arith.constant 384 : index
        %get3A_585 = tpu.vector_load %arg8[%get3A_583, %get3A_584] {strides = array<i32>} : memref<16x1024xf32, #tpu.memory_space<vmem>>, vector<1x16xf32>,
        %get3A_586 = vector.shape_cast %get3A_585 : vector<1x16xf32> to vector<16xf32>
        %get3A_587 = arith.index_cast %scan3A_263 : i32 to index
        %get3A_588 = arith.constant 400 : index
        %get3A_589 = tpu.vector_load %arg8[%get3A_587, %get3A_588] {strides = array<i32>} : memref<16x1024xf32, #tpu.memory_space<vmem>>, vector<1x16xf32>,
        %get3A_590 = vector.shape_cast %get3A_589 : vector<1x16xf32> to vector<16xf32>
        %shift_left3A_591 = arith.constant 16 : i32
        %shift_left3A_592 = vector.broadcast %shift_left3A_591 : i32 to vector<16xi32>
        %shift_left3A_593 = arith.shli %get3A_351, %shift_left3A_592 : vector<16xi32>
        %bitcast_convert_type3A_594 = tpu.bitcast %shift_left3A_593 : vector<16xi32> -> vector<16xf32>
        %and3A_595 = arith.constant -65536 : i32
        %and3A_596 = vector.broadcast %and3A_595 : i32 to vector<16xi32>
        %and3A_597 = arith.andi %get3A_351, %and3A_596 : vector<16xi32>
        %bitcast_convert_type3A_598 = tpu.bitcast %and3A_597 : vector<16xi32> -> vector<16xf32>
        %mul3A_599 = arith.constant 3.200000e+01 : f32
        %mul3A_600 = vector.broadcast %mul3A_599 : f32 to vector<16xf32>
        %mul3A_601 = arith.mulf %get3A_355, %mul3A_600 : vector<16xf32>
        %add3A_602 = arith.addf %mul3A_601, %bitcast_convert_type3A_594 : vector<16xf32>
        %swap3A_603 = arith.index_cast %scan3A_263 : i32 to index
        %swap3A_604 = arith.constant 192 : index
        %swap3A_605 = tpu.vector_load %arg10[%swap3A_603, %swap3A_604] {strides = array<i32>} : memref<16x1024xf32, #tpu.memory_space<vmem>>, vector<1x16xf32>,
        %swap3A_606 = vector.shape_cast %swap3A_605 : vector<1x16xf32> to vector<16xf32>
        %swap3A_607 = vector.shape_cast %add3A_602 : vector<16xf32> to vector<1x16xf32>
        tpu.vector_store %arg10[%swap3A_603, %swap3A_604], %swap3A_607 {strides = array<i32>} : memref<16x1024xf32, #tpu.memory_space<vmem>>, vector<1x16xf32>,
        %mul3A_608 = arith.constant 3.200000e+01 : f32
        %mul3A_609 = vector.broadcast %mul3A_608 : f32 to vector<16xf32>
        %mul3A_610 = arith.mulf %get3A_359, %mul3A_609 : vector<16xf32>
        %add3A_611 = arith.addf %mul3A_610, %bitcast_convert_type3A_598 : vector<16xf32>
        %swap3A_612 = arith.index_cast %scan3A_263 : i32 to index
        %swap3A_613 = arith.constant 208 : index
        %swap3A_614 = tpu.vector_load %arg10[%swap3A_612, %swap3A_613] {strides = array<i32>} : memref<16x1024xf32, #tpu.memory_space<vmem>>, vector<1x16xf32>,
        %swap3A_615 = vector.shape_cast %swap3A_614 : vector<1x16xf32> to vector<16xf32>
        %swap3A_616 = vector.shape_cast %add3A_611 : vector<16xf32> to vector<1x16xf32>
        tpu.vector_store %arg10[%swap3A_612, %swap3A_613], %swap3A_616 {strides = array<i32>} : memref<16x1024xf32, #tpu.memory_space<vmem>>, vector<1x16xf32>,
        %add3A_617 = arith.constant 208 : i32
        %add3A_618 = arith.addi %mul3A_269, %add3A_617 : i32
        %get3A_619 = arith.index_cast %add3A_618 : i32 to index
        %get3A_620 = tpu.vector_load %arg7[%get3A_619] {strides = array<i32>} : memref<32768xi32, #tpu.memory_space<vmem>>, vector<16xi32>,
        %get3A_621 = vector.shape_cast %get3A_620 : vector<16xi32> to vector<16xi32>
        %get3A_622 = arith.index_cast %scan3A_263 : i32 to index
        %get3A_623 = arith.constant 416 : index
        %get3A_624 = tpu.vector_load %arg8[%get3A_622, %get3A_623] {strides = array<i32>} : memref<16x1024xf32, #tpu.memory_space<vmem>>, vector<1x16xf32>,
        %get3A_625 = vector.shape_cast %get3A_624 : vector<1x16xf32> to vector<16xf32>
        %get3A_626 = arith.index_cast %scan3A_263 : i32 to index
        %get3A_627 = arith.constant 432 : index
        %get3A_628 = tpu.vector_load %arg8[%get3A_626, %get3A_627] {strides = array<i32>} : memref<16x1024xf32, #tpu.memory_space<vmem>>, vector<1x16xf32>,
        %get3A_629 = vector.shape_cast %get3A_628 : vector<1x16xf32> to vector<16xf32>
        %shift_left3A_630 = arith.constant 16 : i32
        %shift_left3A_631 = vector.broadcast %shift_left3A_630 : i32 to vector<16xi32>
        %shift_left3A_632 = arith.shli %get3A_387, %shift_left3A_631 : vector<16xi32>
        %bitcast_convert_type3A_633 = tpu.bitcast %shift_left3A_632 : vector<16xi32> -> vector<16xf32>
        %and3A_634 = arith.constant -65536 : i32
        %and3A_635 = vector.broadcast %and3A_634 : i32 to vector<16xi32>
        %and3A_636 = arith.andi %get3A_387, %and3A_635 : vector<16xi32>
        %bitcast_convert_type3A_637 = tpu.bitcast %and3A_636 : vector<16xi32> -> vector<16xf32>
        %mul3A_638 = arith.constant 3.200000e+01 : f32
        %mul3A_639 = vector.broadcast %mul3A_638 : f32 to vector<16xf32>
        %mul3A_640 = arith.mulf %get3A_391, %mul3A_639 : vector<16xf32>
        %add3A_641 = arith.addf %mul3A_640, %bitcast_convert_type3A_633 : vector<16xf32>
        %swap3A_642 = arith.index_cast %scan3A_263 : i32 to index
        %swap3A_643 = arith.constant 224 : index
        %swap3A_644 = tpu.vector_load %arg10[%swap3A_642, %swap3A_643] {strides = array<i32>} : memref<16x1024xf32, #tpu.memory_space<vmem>>, vector<1x16xf32>,
        %swap3A_645 = vector.shape_cast %swap3A_644 : vector<1x16xf32> to vector<16xf32>
        %swap3A_646 = vector.shape_cast %add3A_641 : vector<16xf32> to vector<1x16xf32>
        tpu.vector_store %arg10[%swap3A_642, %swap3A_643], %swap3A_646 {strides = array<i32>} : memref<16x1024xf32, #tpu.memory_space<vmem>>, vector<1x16xf32>,
        %mul3A_647 = arith.constant 3.200000e+01 : f32
        %mul3A_648 = vector.broadcast %mul3A_647 : f32 to vector<16xf32>
        %mul3A_649 = arith.mulf %get3A_395, %mul3A_648 : vector<16xf32>
        %add3A_650 = arith.addf %mul3A_649, %bitcast_convert_type3A_637 : vector<16xf32>
        %swap3A_651 = arith.index_cast %scan3A_263 : i32 to index
        %swap3A_652 = arith.constant 240 : index
        %swap3A_653 = tpu.vector_load %arg10[%swap3A_651, %swap3A_652] {strides = array<i32>} : memref<16x1024xf32, #tpu.memory_space<vmem>>, vector<1x16xf32>,
        %swap3A_654 = vector.shape_cast %swap3A_653 : vector<1x16xf32> to vector<16xf32>
        %swap3A_655 = vector.shape_cast %add3A_650 : vector<16xf32> to vector<1x16xf32>
        tpu.vector_store %arg10[%swap3A_651, %swap3A_652], %swap3A_655 {strides = array<i32>} : memref<16x1024xf32, #tpu.memory_space<vmem>>, vector<1x16xf32>,
        %add3A_656 = arith.constant 224 : i32
        %add3A_657 = arith.addi %mul3A_269, %add3A_656 : i32
        %get3A_658 = arith.index_cast %add3A_657 : i32 to index
        %get3A_659 = tpu.vector_load %arg7[%get3A_658] {strides = array<i32>} : memref<32768xi32, #tpu.memory_space<vmem>>, vector<16xi32>,
        %get3A_660 = vector.shape_cast %get3A_659 : vector<16xi32> to vector<16xi32>
        %get3A_661 = arith.index_cast %scan3A_263 : i32 to index
        %get3A_662 = arith.constant 448 : index
        %get3A_663 = tpu.vector_load %arg8[%get3A_661, %get3A_662] {strides = array<i32>} : memref<16x1024xf32, #tpu.memory_space<vmem>>, vector<1x16xf32>,
        %get3A_664 = vector.shape_cast %get3A_663 : vector<1x16xf32> to vector<16xf32>
        %get3A_665 = arith.index_cast %scan3A_263 : i32 to index
        %get3A_666 = arith.constant 464 : index
        %get3A_667 = tpu.vector_load %arg8[%get3A_665, %get3A_666] {strides = array<i32>} : memref<16x1024xf32, #tpu.memory_space<vmem>>, vector<1x16xf32>,
        %get3A_668 = vector.shape_cast %get3A_667 : vector<1x16xf32> to vector<16xf32>
        %shift_left3A_669 = arith.constant 16 : i32
        %shift_left3A_670 = vector.broadcast %shift_left3A_669 : i32 to vector<16xi32>
        %shift_left3A_671 = arith.shli %get3A_426, %shift_left3A_670 : vector<16xi32>
        %bitcast_convert_type3A_672 = tpu.bitcast %shift_left3A_671 : vector<16xi32> -> vector<16xf32>
        %and3A_673 = arith.constant -65536 : i32
        %and3A_674 = vector.broadcast %and3A_673 : i32 to vector<16xi32>
        %and3A_675 = arith.andi %get3A_426, %and3A_674 : vector<16xi32>
        %bitcast_convert_type3A_676 = tpu.bitcast %and3A_675 : vector<16xi32> -> vector<16xf32>
        %mul3A_677 = arith.constant 3.200000e+01 : f32
        %mul3A_678 = vector.broadcast %mul3A_677 : f32 to vector<16xf32>
        %mul3A_679 = arith.mulf %get3A_430, %mul3A_678 : vector<16xf32>
        %add3A_680 = arith.addf %mul3A_679, %bitcast_convert_type3A_672 : vector<16xf32>
        %swap3A_681 = arith.index_cast %scan3A_263 : i32 to index
        %swap3A_682 = arith.constant 256 : index
        %swap3A_683 = tpu.vector_load %arg10[%swap3A_681, %swap3A_682] {strides = array<i32>} : memref<16x1024xf32, #tpu.memory_space<vmem>>, vector<1x16xf32>,
        %swap3A_684 = vector.shape_cast %swap3A_683 : vector<1x16xf32> to vector<16xf32>
        %swap3A_685 = vector.shape_cast %add3A_680 : vector<16xf32> to vector<1x16xf32>
        tpu.vector_store %arg10[%swap3A_681, %swap3A_682], %swap3A_685 {strides = array<i32>} : memref<16x1024xf32, #tpu.memory_space<vmem>>, vector<1x16xf32>,
        %mul3A_686 = arith.constant 3.200000e+01 : f32
        %mul3A_687 = vector.broadcast %mul3A_686 : f32 to vector<16xf32>
        %mul3A_688 = arith.mulf %get3A_434, %mul3A_687 : vector<16xf32>
        %add3A_689 = arith.addf %mul3A_688, %bitcast_convert_type3A_676 : vector<16xf32>
        %swap3A_690 = arith.index_cast %scan3A_263 : i32 to index
        %swap3A_691 = arith.constant 272 : index
        %swap3A_692 = tpu.vector_load %arg10[%swap3A_690, %swap3A_691] {strides = array<i32>} : memref<16x1024xf32, #tpu.memory_space<vmem>>, vector<1x16xf32>,
        %swap3A_693 = vector.shape_cast %swap3A_692 : vector<1x16xf32> to vector<16xf32>
        %swap3A_694 = vector.shape_cast %add3A_689 : vector<16xf32> to vector<1x16xf32>
        tpu.vector_store %arg10[%swap3A_690, %swap3A_691], %swap3A_694 {strides = array<i32>} : memref<16x1024xf32, #tpu.memory_space<vmem>>, vector<1x16xf32>,
        %add3A_695 = arith.constant 240 : i32
        %add3A_696 = arith.addi %mul3A_269, %add3A_695 : i32
        %get3A_697 = arith.index_cast %add3A_696 : i32 to index
        %get3A_698 = tpu.vector_load %arg7[%get3A_697] {strides = array<i32>} : memref<32768xi32, #tpu.memory_space<vmem>>, vector<16xi32>,
        %get3A_699 = vector.shape_cast %get3A_698 : vector<16xi32> to vector<16xi32>
        %get3A_700 = arith.index_cast %scan3A_263 : i32 to index
        %get3A_701 = arith.constant 480 : index
        %get3A_702 = tpu.vector_load %arg8[%get3A_700, %get3A_701] {strides = array<i32>} : memref<16x1024xf32, #tpu.memory_space<vmem>>, vector<1x16xf32>,
        %get3A_703 = vector.shape_cast %get3A_702 : vector<1x16xf32> to vector<16xf32>
        %get3A_704 = arith.index_cast %scan3A_263 : i32 to index
        %get3A_705 = arith.constant 496 : index
        %get3A_706 = tpu.vector_load %arg8[%get3A_704, %get3A_705] {strides = array<i32>} : memref<16x1024xf32, #tpu.memory_space<vmem>>, vector<1x16xf32>,
        %get3A_707 = vector.shape_cast %get3A_706 : vector<1x16xf32> to vector<16xf32>
        %shift_left3A_708 = arith.constant 16 : i32
        %shift_left3A_709 = vector.broadcast %shift_left3A_708 : i32 to vector<16xi32>
        %shift_left3A_710 = arith.shli %get3A_465, %shift_left3A_709 : vector<16xi32>
        %bitcast_convert_type3A_711 = tpu.bitcast %shift_left3A_710 : vector<16xi32> -> vector<16xf32>
        %and3A_712 = arith.constant -65536 : i32
        %and3A_713 = vector.broadcast %and3A_712 : i32 to vector<16xi32>
        %and3A_714 = arith.andi %get3A_465, %and3A_713 : vector<16xi32>
        %bitcast_convert_type3A_715 = tpu.bitcast %and3A_714 : vector<16xi32> -> vector<16xf32>
        %mul3A_716 = arith.constant 3.200000e+01 : f32
        %mul3A_717 = vector.broadcast %mul3A_716 : f32 to vector<16xf32>
        %mul3A_718 = arith.mulf %get3A_469, %mul3A_717 : vector<16xf32>
        %add3A_719 = arith.addf %mul3A_718, %bitcast_convert_type3A_711 : vector<16xf32>
        %swap3A_720 = arith.index_cast %scan3A_263 : i32 to index
        %swap3A_721 = arith.constant 288 : index
        %swap3A_722 = tpu.vector_load %arg10[%swap3A_720, %swap3A_721] {strides = array<i32>} : memref<16x1024xf32, #tpu.memory_space<vmem>>, vector<1x16xf32>,
        %swap3A_723 = vector.shape_cast %swap3A_722 : vector<1x16xf32> to vector<16xf32>
        %swap3A_724 = vector.shape_cast %add3A_719 : vector<16xf32> to vector<1x16xf32>
        tpu.vector_store %arg10[%swap3A_720, %swap3A_721], %swap3A_724 {strides = array<i32>} : memref<16x1024xf32, #tpu.memory_space<vmem>>, vector<1x16xf32>,
        %mul3A_725 = arith.constant 3.200000e+01 : f32
        %mul3A_726 = vector.broadcast %mul3A_725 : f32 to vector<16xf32>
        %mul3A_727 = arith.mulf %get3A_473, %mul3A_726 : vector<16xf32>
        %add3A_728 = arith.addf %mul3A_727, %bitcast_convert_type3A_715 : vector<16xf32>
        %swap3A_729 = arith.index_cast %scan3A_263 : i32 to index
        %swap3A_730 = arith.constant 304 : index
        %swap3A_731 = tpu.vector_load %arg10[%swap3A_729, %swap3A_730] {strides = array<i32>} : memref<16x1024xf32, #tpu.memory_space<vmem>>, vector<1x16xf32>,
        %swap3A_732 = vector.shape_cast %swap3A_731 : vector<1x16xf32> to vector<16xf32>
        %swap3A_733 = vector.shape_cast %add3A_728 : vector<16xf32> to vector<1x16xf32>
        tpu.vector_store %arg10[%swap3A_729, %swap3A_730], %swap3A_733 {strides = array<i32>} : memref<16x1024xf32, #tpu.memory_space<vmem>>, vector<1x16xf32>,
        %add3A_734 = arith.constant 256 : i32
        %add3A_735 = arith.addi %mul3A_269, %add3A_734 : i32
        %get3A_736 = arith.index_cast %add3A_735 : i32 to index
        %get3A_737 = tpu.vector_load %arg7[%get3A_736] {strides = array<i32>} : memref<32768xi32, #tpu.memory_space<vmem>>, vector<16xi32>,
        %get3A_738 = vector.shape_cast %get3A_737 : vector<16xi32> to vector<16xi32>
        %get3A_739 = arith.index_cast %scan3A_263 : i32 to index
        %get3A_740 = arith.constant 512 : index
        %get3A_741 = tpu.vector_load %arg8[%get3A_739, %get3A_740] {strides = array<i32>} : memref<16x1024xf32, #tpu.memory_space<vmem>>, vector<1x16xf32>,
        %get3A_742 = vector.shape_cast %get3A_741 : vector<1x16xf32> to vector<16xf32>
        %get3A_743 = arith.index_cast %scan3A_263 : i32 to index
        %get3A_744 = arith.constant 528 : index
        %get3A_745 = tpu.vector_load %arg8[%get3A_743, %get3A_744] {strides = array<i32>} : memref<16x1024xf32, #tpu.memory_space<vmem>>, vector<1x16xf32>,
        %get3A_746 = vector.shape_cast %get3A_745 : vector<1x16xf32> to vector<16xf32>
        %shift_left3A_747 = arith.constant 16 : i32
        %shift_left3A_748 = vector.broadcast %shift_left3A_747 : i32 to vector<16xi32>
        %shift_left3A_749 = arith.shli %get3A_504, %shift_left3A_748 : vector<16xi32>
        %bitcast_convert_type3A_750 = tpu.bitcast %shift_left3A_749 : vector<16xi32> -> vector<16xf32>
        %and3A_751 = arith.constant -65536 : i32
        %and3A_752 = vector.broadcast %and3A_751 : i32 to vector<16xi32>
        %and3A_753 = arith.andi %get3A_504, %and3A_752 : vector<16xi32>
        %bitcast_convert_type3A_754 = tpu.bitcast %and3A_753 : vector<16xi32> -> vector<16xf32>
        %mul3A_755 = arith.constant 3.200000e+01 : f32
        %mul3A_756 = vector.broadcast %mul3A_755 : f32 to vector<16xf32>
        %mul3A_757 = arith.mulf %get3A_508, %mul3A_756 : vector<16xf32>
        %add3A_758 = arith.addf %mul3A_757, %bitcast_convert_type3A_750 : vector<16xf32>
        %swap3A_759 = arith.index_cast %scan3A_263 : i32 to index
        %swap3A_760 = arith.constant 320 : index
        %swap3A_761 = tpu.vector_load %arg10[%swap3A_759, %swap3A_760] {strides = array<i32>} : memref<16x1024xf32, #tpu.memory_space<vmem>>, vector<1x16xf32>,
        %swap3A_762 = vector.shape_cast %swap3A_761 : vector<1x16xf32> to vector<16xf32>
        %swap3A_763 = vector.shape_cast %add3A_758 : vector<16xf32> to vector<1x16xf32>
        tpu.vector_store %arg10[%swap3A_759, %swap3A_760], %swap3A_763 {strides = array<i32>} : memref<16x1024xf32, #tpu.memory_space<vmem>>, vector<1x16xf32>,
        %mul3A_764 = arith.constant 3.200000e+01 : f32
        %mul3A_765 = vector.broadcast %mul3A_764 : f32 to vector<16xf32>
        %mul3A_766 = arith.mulf %get3A_512, %mul3A_765 : vector<16xf32>
        %add3A_767 = arith.addf %mul3A_766, %bitcast_convert_type3A_754 : vector<16xf32>
        %swap3A_768 = arith.index_cast %scan3A_263 : i32 to index
        %swap3A_769 = arith.constant 336 : index
        %swap3A_770 = tpu.vector_load %arg10[%swap3A_768, %swap3A_769] {strides = array<i32>} : memref<16x1024xf32, #tpu.memory_space<vmem>>, vector<1x16xf32>,
        %swap3A_771 = vector.shape_cast %swap3A_770 : vector<1x16xf32> to vector<16xf32>
        %swap3A_772 = vector.shape_cast %add3A_767 : vector<16xf32> to vector<1x16xf32>
        tpu.vector_store %arg10[%swap3A_768, %swap3A_769], %swap3A_772 {strides = array<i32>} : memref<16x1024xf32, #tpu.memory_space<vmem>>, vector<1x16xf32>,
        %add3A_773 = arith.constant 272 : i32
        %add3A_774 = arith.addi %mul3A_269, %add3A_773 : i32
        %get3A_775 = arith.index_cast %add3A_774 : i32 to index
        %get3A_776 = tpu.vector_load %arg7[%get3A_775] {strides = array<i32>} : memref<32768xi32, #tpu.memory_space<vmem>>, vector<16xi32>,
        %get3A_777 = vector.shape_cast %get3A_776 : vector<16xi32> to vector<16xi32>
        %get3A_778 = arith.index_cast %scan3A_263 : i32 to index
        %get3A_779 = arith.constant 544 : index
        %get3A_780 = tpu.vector_load %arg8[%get3A_778, %get3A_779] {strides = array<i32>} : memref<16x1024xf32, #tpu.memory_space<vmem>>, vector<1x16xf32>,
        %get3A_781 = vector.shape_cast %get3A_780 : vector<1x16xf32> to vector<16xf32>
        %get3A_782 = arith.index_cast %scan3A_263 : i32 to index
        %get3A_783 = arith.constant 560 : index
        %get3A_784 = tpu.vector_load %arg8[%get3A_782, %get3A_783] {strides = array<i32>} : memref<16x1024xf32, #tpu.memory_space<vmem>>, vector<1x16xf32>,
        %get3A_785 = vector.shape_cast %get3A_784 : vector<1x16xf32> to vector<16xf32>
        %shift_left3A_786 = arith.constant 16 : i32
        %shift_left3A_787 = vector.broadcast %shift_left3A_786 : i32 to vector<16xi32>
        %shift_left3A_788 = arith.shli %get3A_543, %shift_left3A_787 : vector<16xi32>
        %bitcast_convert_type3A_789 = tpu.bitcast %shift_left3A_788 : vector<16xi32> -> vector<16xf32>
        %and3A_790 = arith.constant -65536 : i32
        %and3A_791 = vector.broadcast %and3A_790 : i32 to vector<16xi32>
        %and3A_792 = arith.andi %get3A_543, %and3A_791 : vector<16xi32>
        %bitcast_convert_type3A_793 = tpu.bitcast %and3A_792 : vector<16xi32> -> vector<16xf32>
        %mul3A_794 = arith.constant 3.200000e+01 : f32
        %mul3A_795 = vector.broadcast %mul3A_794 : f32 to vector<16xf32>
        %mul3A_796 = arith.mulf %get3A_547, %mul3A_795 : vector<16xf32>
        %add3A_797 = arith.addf %mul3A_796, %bitcast_convert_type3A_789 : vector<16xf32>
        %swap3A_798 = arith.index_cast %scan3A_263 : i32 to index
        %swap3A_799 = arith.constant 352 : index
        %swap3A_800 = tpu.vector_load %arg10[%swap3A_798, %swap3A_799] {strides = array<i32>} : memref<16x1024xf32, #tpu.memory_space<vmem>>, vector<1x16xf32>,
        %swap3A_801 = vector.shape_cast %swap3A_800 : vector<1x16xf32> to vector<16xf32>
        %swap3A_802 = vector.shape_cast %add3A_797 : vector<16xf32> to vector<1x16xf32>
        tpu.vector_store %arg10[%swap3A_798, %swap3A_799], %swap3A_802 {strides = array<i32>} : memref<16x1024xf32, #tpu.memory_space<vmem>>, vector<1x16xf32>,
        %mul3A_803 = arith.constant 3.200000e+01 : f32
        %mul3A_804 = vector.broadcast %mul3A_803 : f32 to vector<16xf32>
        %mul3A_805 = arith.mulf %get3A_551, %mul3A_804 : vector<16xf32>
        %add3A_806 = arith.addf %mul3A_805, %bitcast_convert_type3A_793 : vector<16xf32>
        %swap3A_807 = arith.index_cast %scan3A_263 : i32 to index
        %swap3A_808 = arith.constant 368 : index
        %swap3A_809 = tpu.vector_load %arg10[%swap3A_807, %swap3A_808] {strides = array<i32>} : memref<16x1024xf32, #tpu.memory_space<vmem>>, vector<1x16xf32>,
        %swap3A_810 = vector.shape_cast %swap3A_809 : vector<1x16xf32> to vector<16xf32>
        %swap3A_811 = vector.shape_cast %add3A_806 : vector<16xf32> to vector<1x16xf32>
        tpu.vector_store %arg10[%swap3A_807, %swap3A_808], %swap3A_811 {strides = array<i32>} : memref<16x1024xf32, #tpu.memory_space<vmem>>, vector<1x16xf32>,
        %add3A_812 = arith.constant 288 : i32
        %add3A_813 = arith.addi %mul3A_269, %add3A_812 : i32
        %get3A_814 = arith.index_cast %add3A_813 : i32 to index
        %get3A_815 = tpu.vector_load %arg7[%get3A_814] {strides = array<i32>} : memref<32768xi32, #tpu.memory_space<vmem>>, vector<16xi32>,
        %get3A_816 = vector.shape_cast %get3A_815 : vector<16xi32> to vector<16xi32>
        %get3A_817 = arith.index_cast %scan3A_263 : i32 to index
        %get3A_818 = arith.constant 576 : index
        %get3A_819 = tpu.vector_load %arg8[%get3A_817, %get3A_818] {strides = array<i32>} : memref<16x1024xf32, #tpu.memory_space<vmem>>, vector<1x16xf32>,
        %get3A_820 = vector.shape_cast %get3A_819 : vector<1x16xf32> to vector<16xf32>
        %get3A_821 = arith.index_cast %scan3A_263 : i32 to index
        %get3A_822 = arith.constant 592 : index
        %get3A_823 = tpu.vector_load %arg8[%get3A_821, %get3A_822] {strides = array<i32>} : memref<16x1024xf32, #tpu.memory_space<vmem>>, vector<1x16xf32>,
        %get3A_824 = vector.shape_cast %get3A_823 : vector<1x16xf32> to vector<16xf32>
        %shift_left3A_825 = arith.constant 16 : i32
        %shift_left3A_826 = vector.broadcast %shift_left3A_825 : i32 to vector<16xi32>
        %shift_left3A_827 = arith.shli %get3A_582, %shift_left3A_826 : vector<16xi32>
        %bitcast_convert_type3A_828 = tpu.bitcast %shift_left3A_827 : vector<16xi32> -> vector<16xf32>
        %and3A_829 = arith.constant -65536 : i32
        %and3A_830 = vector.broadcast %and3A_829 : i32 to vector<16xi32>
        %and3A_831 = arith.andi %get3A_582, %and3A_830 : vector<16xi32>
        %bitcast_convert_type3A_832 = tpu.bitcast %and3A_831 : vector<16xi32> -> vector<16xf32>
        %mul3A_833 = arith.constant 3.200000e+01 : f32
        %mul3A_834 = vector.broadcast %mul3A_833 : f32 to vector<16xf32>
        %mul3A_835 = arith.mulf %get3A_586, %mul3A_834 : vector<16xf32>
        %add3A_836 = arith.addf %mul3A_835, %bitcast_convert_type3A_828 : vector<16xf32>
        %swap3A_837 = arith.index_cast %scan3A_263 : i32 to index
        %swap3A_838 = arith.constant 384 : index
        %swap3A_839 = tpu.vector_load %arg10[%swap3A_837, %swap3A_838] {strides = array<i32>} : memref<16x1024xf32, #tpu.memory_space<vmem>>, vector<1x16xf32>,
        %swap3A_840 = vector.shape_cast %swap3A_839 : vector<1x16xf32> to vector<16xf32>
        %swap3A_841 = vector.shape_cast %add3A_836 : vector<16xf32> to vector<1x16xf32>
        tpu.vector_store %arg10[%swap3A_837, %swap3A_838], %swap3A_841 {strides = array<i32>} : memref<16x1024xf32, #tpu.memory_space<vmem>>, vector<1x16xf32>,
        %mul3A_842 = arith.constant 3.200000e+01 : f32
        %mul3A_843 = vector.broadcast %mul3A_842 : f32 to vector<16xf32>
        %mul3A_844 = arith.mulf %get3A_590, %mul3A_843 : vector<16xf32>
        %add3A_845 = arith.addf %mul3A_844, %bitcast_convert_type3A_832 : vector<16xf32>
        %swap3A_846 = arith.index_cast %scan3A_263 : i32 to index
        %swap3A_847 = arith.constant 400 : index
        %swap3A_848 = tpu.vector_load %arg10[%swap3A_846, %swap3A_847] {strides = array<i32>} : memref<16x1024xf32, #tpu.memory_space<vmem>>, vector<1x16xf32>,
        %swap3A_849 = vector.shape_cast %swap3A_848 : vector<1x16xf32> to vector<16xf32>
        %swap3A_850 = vector.shape_cast %add3A_845 : vector<16xf32> to vector<1x16xf32>
        tpu.vector_store %arg10[%swap3A_846, %swap3A_847], %swap3A_850 {strides = array<i32>} : memref<16x1024xf32, #tpu.memory_space<vmem>>, vector<1x16xf32>,
        %add3A_851 = arith.constant 304 : i32
        %add3A_852 = arith.addi %mul3A_269, %add3A_851 : i32
        %get3A_853 = arith.index_cast %add3A_852 : i32 to index
        %get3A_854 = tpu.vector_load %arg7[%get3A_853] {strides = array<i32>} : memref<32768xi32, #tpu.memory_space<vmem>>, vector<16xi32>,
        %get3A_855 = vector.shape_cast %get3A_854 : vector<16xi32> to vector<16xi32>
        %get3A_856 = arith.index_cast %scan3A_263 : i32 to index
        %get3A_857 = arith.constant 608 : index
        %get3A_858 = tpu.vector_load %arg8[%get3A_856, %get3A_857] {strides = array<i32>} : memref<16x1024xf32, #tpu.memory_space<vmem>>, vector<1x16xf32>,
        %get3A_859 = vector.shape_cast %get3A_858 : vector<1x16xf32> to vector<16xf32>
        %get3A_860 = arith.index_cast %scan3A_263 : i32 to index
        %get3A_861 = arith.constant 624 : index
        %get3A_862 = tpu.vector_load %arg8[%get3A_860, %get3A_861] {strides = array<i32>} : memref<16x1024xf32, #tpu.memory_space<vmem>>, vector<1x16xf32>,
        %get3A_863 = vector.shape_cast %get3A_862 : vector<1x16xf32> to vector<16xf32>
        %shift_left3A_864 = arith.constant 16 : i32
        %shift_left3A_865 = vector.broadcast %shift_left3A_864 : i32 to vector<16xi32>
        %shift_left3A_866 = arith.shli %get3A_621, %shift_left3A_865 : vector<16xi32>
        %bitcast_convert_type3A_867 = tpu.bitcast %shift_left3A_866 : vector<16xi32> -> vector<16xf32>
        %and3A_868 = arith.constant -65536 : i32
        %and3A_869 = vector.broadcast %and3A_868 : i32 to vector<16xi32>
        %and3A_870 = arith.andi %get3A_621, %and3A_869 : vector<16xi32>
        %bitcast_convert_type3A_871 = tpu.bitcast %and3A_870 : vector<16xi32> -> vector<16xf32>
        %mul3A_872 = arith.constant 3.200000e+01 : f32
        %mul3A_873 = vector.broadcast %mul3A_872 : f32 to vector<16xf32>
        %mul3A_874 = arith.mulf %get3A_625, %mul3A_873 : vector<16xf32>
        %add3A_875 = arith.addf %mul3A_874, %bitcast_convert_type3A_867 : vector<16xf32>
        %swap3A_876 = arith.index_cast %scan3A_263 : i32 to index
        %swap3A_877 = arith.constant 416 : index
        %swap3A_878 = tpu.vector_load %arg10[%swap3A_876, %swap3A_877] {strides = array<i32>} : memref<16x1024xf32, #tpu.memory_space<vmem>>, vector<1x16xf32>,
        %swap3A_879 = vector.shape_cast %swap3A_878 : vector<1x16xf32> to vector<16xf32>
        %swap3A_880 = vector.shape_cast %add3A_875 : vector<16xf32> to vector<1x16xf32>
        tpu.vector_store %arg10[%swap3A_876, %swap3A_877], %swap3A_880 {strides = array<i32>} : memref<16x1024xf32, #tpu.memory_space<vmem>>, vector<1x16xf32>,
        %mul3A_881 = arith.constant 3.200000e+01 : f32
        %mul3A_882 = vector.broadcast %mul3A_881 : f32 to vector<16xf32>
        %mul3A_883 = arith.mulf %get3A_629, %mul3A_882 : vector<16xf32>
        %add3A_884 = arith.addf %mul3A_883, %bitcast_convert_type3A_871 : vector<16xf32>
        %swap3A_885 = arith.index_cast %scan3A_263 : i32 to index
        %swap3A_886 = arith.constant 432 : index
        %swap3A_887 = tpu.vector_load %arg10[%swap3A_885, %swap3A_886] {strides = array<i32>} : memref<16x1024xf32, #tpu.memory_space<vmem>>, vector<1x16xf32>,
        %swap3A_888 = vector.shape_cast %swap3A_887 : vector<1x16xf32> to vector<16xf32>
        %swap3A_889 = vector.shape_cast %add3A_884 : vector<16xf32> to vector<1x16xf32>
        tpu.vector_store %arg10[%swap3A_885, %swap3A_886], %swap3A_889 {strides = array<i32>} : memref<16x1024xf32, #tpu.memory_space<vmem>>, vector<1x16xf32>,
        %add3A_890 = arith.constant 320 : i32
        %add3A_891 = arith.addi %mul3A_269, %add3A_890 : i32
        %get3A_892 = arith.index_cast %add3A_891 : i32 to index
        %get3A_893 = tpu.vector_load %arg7[%get3A_892] {strides = array<i32>} : memref<32768xi32, #tpu.memory_space<vmem>>, vector<16xi32>,
        %get3A_894 = vector.shape_cast %get3A_893 : vector<16xi32> to vector<16xi32>
        %get3A_895 = arith.index_cast %scan3A_263 : i32 to index
        %get3A_896 = arith.constant 640 : index
        %get3A_897 = tpu.vector_load %arg8[%get3A_895, %get3A_896] {strides = array<i32>} : memref<16x1024xf32, #tpu.memory_space<vmem>>, vector<1x16xf32>,
        %get3A_898 = vector.shape_cast %get3A_897 : vector<1x16xf32> to vector<16xf32>
        %get3A_899 = arith.index_cast %scan3A_263 : i32 to index
        %get3A_900 = arith.constant 656 : index
        %get3A_901 = tpu.vector_load %arg8[%get3A_899, %get3A_900] {strides = array<i32>} : memref<16x1024xf32, #tpu.memory_space<vmem>>, vector<1x16xf32>,
        %get3A_902 = vector.shape_cast %get3A_901 : vector<1x16xf32> to vector<16xf32>
        %shift_left3A_903 = arith.constant 16 : i32
        %shift_left3A_904 = vector.broadcast %shift_left3A_903 : i32 to vector<16xi32>
        %shift_left3A_905 = arith.shli %get3A_660, %shift_left3A_904 : vector<16xi32>
        %bitcast_convert_type3A_906 = tpu.bitcast %shift_left3A_905 : vector<16xi32> -> vector<16xf32>
        %and3A_907 = arith.constant -65536 : i32
        %and3A_908 = vector.broadcast %and3A_907 : i32 to vector<16xi32>
        %and3A_909 = arith.andi %get3A_660, %and3A_908 : vector<16xi32>
        %bitcast_convert_type3A_910 = tpu.bitcast %and3A_909 : vector<16xi32> -> vector<16xf32>
        %mul3A_911 = arith.constant 3.200000e+01 : f32
        %mul3A_912 = vector.broadcast %mul3A_911 : f32 to vector<16xf32>
        %mul3A_913 = arith.mulf %get3A_664, %mul3A_912 : vector<16xf32>
        %add3A_914 = arith.addf %mul3A_913, %bitcast_convert_type3A_906 : vector<16xf32>
        %swap3A_915 = arith.index_cast %scan3A_263 : i32 to index
        %swap3A_916 = arith.constant 448 : index
        %swap3A_917 = tpu.vector_load %arg10[%swap3A_915, %swap3A_916] {strides = array<i32>} : memref<16x1024xf32, #tpu.memory_space<vmem>>, vector<1x16xf32>,
        %swap3A_918 = vector.shape_cast %swap3A_917 : vector<1x16xf32> to vector<16xf32>
        %swap3A_919 = vector.shape_cast %add3A_914 : vector<16xf32> to vector<1x16xf32>
        tpu.vector_store %arg10[%swap3A_915, %swap3A_916], %swap3A_919 {strides = array<i32>} : memref<16x1024xf32, #tpu.memory_space<vmem>>, vector<1x16xf32>,
        %mul3A_920 = arith.constant 3.200000e+01 : f32
        %mul3A_921 = vector.broadcast %mul3A_920 : f32 to vector<16xf32>
        %mul3A_922 = arith.mulf %get3A_668, %mul3A_921 : vector<16xf32>
        %add3A_923 = arith.addf %mul3A_922, %bitcast_convert_type3A_910 : vector<16xf32>
        %swap3A_924 = arith.index_cast %scan3A_263 : i32 to index
        %swap3A_925 = arith.constant 464 : index
        %swap3A_926 = tpu.vector_load %arg10[%swap3A_924, %swap3A_925] {strides = array<i32>} : memref<16x1024xf32, #tpu.memory_space<vmem>>, vector<1x16xf32>,
        %swap3A_927 = vector.shape_cast %swap3A_926 : vector<1x16xf32> to vector<16xf32>
        %swap3A_928 = vector.shape_cast %add3A_923 : vector<16xf32> to vector<1x16xf32>
        tpu.vector_store %arg10[%swap3A_924, %swap3A_925], %swap3A_928 {strides = array<i32>} : memref<16x1024xf32, #tpu.memory_space<vmem>>, vector<1x16xf32>,
        %add3A_929 = arith.constant 336 : i32
        %add3A_930 = arith.addi %mul3A_269, %add3A_929 : i32
        %get3A_931 = arith.index_cast %add3A_930 : i32 to index
        %get3A_932 = tpu.vector_load %arg7[%get3A_931] {strides = array<i32>} : memref<32768xi32, #tpu.memory_space<vmem>>, vector<16xi32>,
        %get3A_933 = vector.shape_cast %get3A_932 : vector<16xi32> to vector<16xi32>
        %get3A_934 = arith.index_cast %scan3A_263 : i32 to index
        %get3A_935 = arith.constant 672 : index
        %get3A_936 = tpu.vector_load %arg8[%get3A_934, %get3A_935] {strides = array<i32>} : memref<16x1024xf32, #tpu.memory_space<vmem>>, vector<1x16xf32>,
        %get3A_937 = vector.shape_cast %get3A_936 : vector<1x16xf32> to vector<16xf32>
        %get3A_938 = arith.index_cast %scan3A_263 : i32 to index
        %get3A_939 = arith.constant 688 : index
        %get3A_940 = tpu.vector_load %arg8[%get3A_938, %get3A_939] {strides = array<i32>} : memref<16x1024xf32, #tpu.memory_space<vmem>>, vector<1x16xf32>,
        %get3A_941 = vector.shape_cast %get3A_940 : vector<1x16xf32> to vector<16xf32>
        %shift_left3A_942 = arith.constant 16 : i32
        %shift_left3A_943 = vector.broadcast %shift_left3A_942 : i32 to vector<16xi32>
        %shift_left3A_944 = arith.shli %get3A_699, %shift_left3A_943 : vector<16xi32>
        %bitcast_convert_type3A_945 = tpu.bitcast %shift_left3A_944 : vector<16xi32> -> vector<16xf32>
        %and3A_946 = arith.constant -65536 : i32
        %and3A_947 = vector.broadcast %and3A_946 : i32 to vector<16xi32>
        %and3A_948 = arith.andi %get3A_699, %and3A_947 : vector<16xi32>
        %bitcast_convert_type3A_949 = tpu.bitcast %and3A_948 : vector<16xi32> -> vector<16xf32>
        %mul3A_950 = arith.constant 3.200000e+01 : f32
        %mul3A_951 = vector.broadcast %mul3A_950 : f32 to vector<16xf32>
        %mul3A_952 = arith.mulf %get3A_703, %mul3A_951 : vector<16xf32>
        %add3A_953 = arith.addf %mul3A_952, %bitcast_convert_type3A_945 : vector<16xf32>
        %swap3A_954 = arith.index_cast %scan3A_263 : i32 to index
        %swap3A_955 = arith.constant 480 : index
        %swap3A_956 = tpu.vector_load %arg10[%swap3A_954, %swap3A_955] {strides = array<i32>} : memref<16x1024xf32, #tpu.memory_space<vmem>>, vector<1x16xf32>,
        %swap3A_957 = vector.shape_cast %swap3A_956 : vector<1x16xf32> to vector<16xf32>
        %swap3A_958 = vector.shape_cast %add3A_953 : vector<16xf32> to vector<1x16xf32>
        tpu.vector_store %arg10[%swap3A_954, %swap3A_955], %swap3A_958 {strides = array<i32>} : memref<16x1024xf32, #tpu.memory_space<vmem>>, vector<1x16xf32>,
        %mul3A_959 = arith.constant 3.200000e+01 : f32
        %mul3A_960 = vector.broadcast %mul3A_959 : f32 to vector<16xf32>
        %mul3A_961 = arith.mulf %get3A_707, %mul3A_960 : vector<16xf32>
        %add3A_962 = arith.addf %mul3A_961, %bitcast_convert_type3A_949 : vector<16xf32>
        %swap3A_963 = arith.index_cast %scan3A_263 : i32 to index
        %swap3A_964 = arith.constant 496 : index
        %swap3A_965 = tpu.vector_load %arg10[%swap3A_963, %swap3A_964] {strides = array<i32>} : memref<16x1024xf32, #tpu.memory_space<vmem>>, vector<1x16xf32>,
        %swap3A_966 = vector.shape_cast %swap3A_965 : vector<1x16xf32> to vector<16xf32>
        %swap3A_967 = vector.shape_cast %add3A_962 : vector<16xf32> to vector<1x16xf32>
        tpu.vector_store %arg10[%swap3A_963, %swap3A_964], %swap3A_967 {strides = array<i32>} : memref<16x1024xf32, #tpu.memory_space<vmem>>, vector<1x16xf32>,
        %add3A_968 = arith.constant 352 : i32
        %add3A_969 = arith.addi %mul3A_269, %add3A_968 : i32
        %get3A_970 = arith.index_cast %add3A_969 : i32 to index
        %get3A_971 = tpu.vector_load %arg7[%get3A_970] {strides = array<i32>} : memref<32768xi32, #tpu.memory_space<vmem>>, vector<16xi32>,
        %get3A_972 = vector.shape_cast %get3A_971 : vector<16xi32> to vector<16xi32>
        %get3A_973 = arith.index_cast %scan3A_263 : i32 to index
        %get3A_974 = arith.constant 704 : index
        %get3A_975 = tpu.vector_load %arg8[%get3A_973, %get3A_974] {strides = array<i32>} : memref<16x1024xf32, #tpu.memory_space<vmem>>, vector<1x16xf32>,
        %get3A_976 = vector.shape_cast %get3A_975 : vector<1x16xf32> to vector<16xf32>
        %get3A_977 = arith.index_cast %scan3A_263 : i32 to index
        %get3A_978 = arith.constant 720 : index
        %get3A_979 = tpu.vector_load %arg8[%get3A_977, %get3A_978] {strides = array<i32>} : memref<16x1024xf32, #tpu.memory_space<vmem>>, vector<1x16xf32>,
        %get3A_980 = vector.shape_cast %get3A_979 : vector<1x16xf32> to vector<16xf32>
        %shift_left3A_981 = arith.constant 16 : i32
        %shift_left3A_982 = vector.broadcast %shift_left3A_981 : i32 to vector<16xi32>
        %shift_left3A_983 = arith.shli %get3A_738, %shift_left3A_982 : vector<16xi32>
        %bitcast_convert_type3A_984 = tpu.bitcast %shift_left3A_983 : vector<16xi32> -> vector<16xf32>
        %and3A_985 = arith.constant -65536 : i32
        %and3A_986 = vector.broadcast %and3A_985 : i32 to vector<16xi32>
        %and3A_987 = arith.andi %get3A_738, %and3A_986 : vector<16xi32>
        %bitcast_convert_type3A_988 = tpu.bitcast %and3A_987 : vector<16xi32> -> vector<16xf32>
        %mul3A_989 = arith.constant 3.200000e+01 : f32
        %mul3A_990 = vector.broadcast %mul3A_989 : f32 to vector<16xf32>
        %mul3A_991 = arith.mulf %get3A_742, %mul3A_990 : vector<16xf32>
        %add3A_992 = arith.addf %mul3A_991, %bitcast_convert_type3A_984 : vector<16xf32>
        %swap3A_993 = arith.index_cast %scan3A_263 : i32 to index
        %swap3A_994 = arith.constant 512 : index
        %swap3A_995 = tpu.vector_load %arg10[%swap3A_993, %swap3A_994] {strides = array<i32>} : memref<16x1024xf32, #tpu.memory_space<vmem>>, vector<1x16xf32>,
        %swap3A_996 = vector.shape_cast %swap3A_995 : vector<1x16xf32> to vector<16xf32>
        %swap3A_997 = vector.shape_cast %add3A_992 : vector<16xf32> to vector<1x16xf32>
        tpu.vector_store %arg10[%swap3A_993, %swap3A_994], %swap3A_997 {strides = array<i32>} : memref<16x1024xf32, #tpu.memory_space<vmem>>, vector<1x16xf32>,
        %mul3A_998 = arith.constant 3.200000e+01 : f32
        %mul3A_999 = vector.broadcast %mul3A_998 : f32 to vector<16xf32>
        %mul3A_1000 = arith.mulf %get3A_746, %mul3A_999 : vector<16xf32>
        %add3A_1001 = arith.addf %mul3A_1000, %bitcast_convert_type3A_988 : vector<16xf32>
        %swap3A_1002 = arith.index_cast %scan3A_263 : i32 to index
        %swap3A_1003 = arith.constant 528 : index
        %swap3A_1004 = tpu.vector_load %arg10[%swap3A_1002, %swap3A_1003] {strides = array<i32>} : memref<16x1024xf32, #tpu.memory_space<vmem>>, vector<1x16xf32>,
        %swap3A_1005 = vector.shape_cast %swap3A_1004 : vector<1x16xf32> to vector<16xf32>
        %swap3A_1006 = vector.shape_cast %add3A_1001 : vector<16xf32> to vector<1x16xf32>
        tpu.vector_store %arg10[%swap3A_1002, %swap3A_1003], %swap3A_1006 {strides = array<i32>} : memref<16x1024xf32, #tpu.memory_space<vmem>>, vector<1x16xf32>,
        %add3A_1007 = arith.constant 368 : i32
        %add3A_1008 = arith.addi %mul3A_269, %add3A_1007 : i32
        %get3A_1009 = arith.index_cast %add3A_1008 : i32 to index
        %get3A_1010 = tpu.vector_load %arg7[%get3A_1009] {strides = array<i32>} : memref<32768xi32, #tpu.memory_space<vmem>>, vector<16xi32>,
        %get3A_1011 = vector.shape_cast %get3A_1010 : vector<16xi32> to vector<16xi32>
        %get3A_1012 = arith.index_cast %scan3A_263 : i32 to index
        %get3A_1013 = arith.constant 736 : index
        %get3A_1014 = tpu.vector_load %arg8[%get3A_1012, %get3A_1013] {strides = array<i32>} : memref<16x1024xf32, #tpu.memory_space<vmem>>, vector<1x16xf32>,
        %get3A_1015 = vector.shape_cast %get3A_1014 : vector<1x16xf32> to vector<16xf32>
        %get3A_1016 = arith.index_cast %scan3A_263 : i32 to index
        %get3A_1017 = arith.constant 752 : index
        %get3A_1018 = tpu.vector_load %arg8[%get3A_1016, %get3A_1017] {strides = array<i32>} : memref<16x1024xf32, #tpu.memory_space<vmem>>, vector<1x16xf32>,
        %get3A_1019 = vector.shape_cast %get3A_1018 : vector<1x16xf32> to vector<16xf32>
        %shift_left3A_1020 = arith.constant 16 : i32
        %shift_left3A_1021 = vector.broadcast %shift_left3A_1020 : i32 to vector<16xi32>
        %shift_left3A_1022 = arith.shli %get3A_777, %shift_left3A_1021 : vector<16xi32>
        %bitcast_convert_type3A_1023 = tpu.bitcast %shift_left3A_1022 : vector<16xi32> -> vector<16xf32>
        %and3A_1024 = arith.constant -65536 : i32
        %and3A_1025 = vector.broadcast %and3A_1024 : i32 to vector<16xi32>
        %and3A_1026 = arith.andi %get3A_777, %and3A_1025 : vector<16xi32>
        %bitcast_convert_type3A_1027 = tpu.bitcast %and3A_1026 : vector<16xi32> -> vector<16xf32>
        %mul3A_1028 = arith.constant 3.200000e+01 : f32
        %mul3A_1029 = vector.broadcast %mul3A_1028 : f32 to vector<16xf32>
        %mul3A_1030 = arith.mulf %get3A_781, %mul3A_1029 : vector<16xf32>
        %add3A_1031 = arith.addf %mul3A_1030, %bitcast_convert_type3A_1023 : vector<16xf32>
        %swap3A_1032 = arith.index_cast %scan3A_263 : i32 to index
        %swap3A_1033 = arith.constant 544 : index
        %swap3A_1034 = tpu.vector_load %arg10[%swap3A_1032, %swap3A_1033] {strides = array<i32>} : memref<16x1024xf32, #tpu.memory_space<vmem>>, vector<1x16xf32>,
        %swap3A_1035 = vector.shape_cast %swap3A_1034 : vector<1x16xf32> to vector<16xf32>
        %swap3A_1036 = vector.shape_cast %add3A_1031 : vector<16xf32> to vector<1x16xf32>
        tpu.vector_store %arg10[%swap3A_1032, %swap3A_1033], %swap3A_1036 {strides = array<i32>} : memref<16x1024xf32, #tpu.memory_space<vmem>>, vector<1x16xf32>,
        %mul3A_1037 = arith.constant 3.200000e+01 : f32
        %mul3A_1038 = vector.broadcast %mul3A_1037 : f32 to vector<16xf32>
        %mul3A_1039 = arith.mulf %get3A_785, %mul3A_1038 : vector<16xf32>
        %add3A_1040 = arith.addf %mul3A_1039, %bitcast_convert_type3A_1027 : vector<16xf32>
        %swap3A_1041 = arith.index_cast %scan3A_263 : i32 to index
        %swap3A_1042 = arith.constant 560 : index
        %swap3A_1043 = tpu.vector_load %arg10[%swap3A_1041, %swap3A_1042] {strides = array<i32>} : memref<16x1024xf32, #tpu.memory_space<vmem>>, vector<1x16xf32>,
        %swap3A_1044 = vector.shape_cast %swap3A_1043 : vector<1x16xf32> to vector<16xf32>
        %swap3A_1045 = vector.shape_cast %add3A_1040 : vector<16xf32> to vector<1x16xf32>
        tpu.vector_store %arg10[%swap3A_1041, %swap3A_1042], %swap3A_1045 {strides = array<i32>} : memref<16x1024xf32, #tpu.memory_space<vmem>>, vector<1x16xf32>,
        %add3A_1046 = arith.constant 384 : i32
        %add3A_1047 = arith.addi %mul3A_269, %add3A_1046 : i32
        %get3A_1048 = arith.index_cast %add3A_1047 : i32 to index
        %get3A_1049 = tpu.vector_load %arg7[%get3A_1048] {strides = array<i32>} : memref<32768xi32, #tpu.memory_space<vmem>>, vector<16xi32>,
        %get3A_1050 = vector.shape_cast %get3A_1049 : vector<16xi32> to vector<16xi32>
        %get3A_1051 = arith.index_cast %scan3A_263 : i32 to index
        %get3A_1052 = arith.constant 768 : index
        %get3A_1053 = tpu.vector_load %arg8[%get3A_1051, %get3A_1052] {strides = array<i32>} : memref<16x1024xf32, #tpu.memory_space<vmem>>, vector<1x16xf32>,
        %get3A_1054 = vector.shape_cast %get3A_1053 : vector<1x16xf32> to vector<16xf32>
        %get3A_1055 = arith.index_cast %scan3A_263 : i32 to index
        %get3A_1056 = arith.constant 784 : index
        %get3A_1057 = tpu.vector_load %arg8[%get3A_1055, %get3A_1056] {strides = array<i32>} : memref<16x1024xf32, #tpu.memory_space<vmem>>, vector<1x16xf32>,
        %get3A_1058 = vector.shape_cast %get3A_1057 : vector<1x16xf32> to vector<16xf32>
        %shift_left3A_1059 = arith.constant 16 : i32
        %shift_left3A_1060 = vector.broadcast %shift_left3A_1059 : i32 to vector<16xi32>
        %shift_left3A_1061 = arith.shli %get3A_816, %shift_left3A_1060 : vector<16xi32>
        %bitcast_convert_type3A_1062 = tpu.bitcast %shift_left3A_1061 : vector<16xi32> -> vector<16xf32>
        %and3A_1063 = arith.constant -65536 : i32
        %and3A_1064 = vector.broadcast %and3A_1063 : i32 to vector<16xi32>
        %and3A_1065 = arith.andi %get3A_816, %and3A_1064 : vector<16xi32>
        %bitcast_convert_type3A_1066 = tpu.bitcast %and3A_1065 : vector<16xi32> -> vector<16xf32>
        %mul3A_1067 = arith.constant 3.200000e+01 : f32
        %mul3A_1068 = vector.broadcast %mul3A_1067 : f32 to vector<16xf32>
        %mul3A_1069 = arith.mulf %get3A_820, %mul3A_1068 : vector<16xf32>
        %add3A_1070 = arith.addf %mul3A_1069, %bitcast_convert_type3A_1062 : vector<16xf32>
        %swap3A_1071 = arith.index_cast %scan3A_263 : i32 to index
        %swap3A_1072 = arith.constant 576 : index
        %swap3A_1073 = tpu.vector_load %arg10[%swap3A_1071, %swap3A_1072] {strides = array<i32>} : memref<16x1024xf32, #tpu.memory_space<vmem>>, vector<1x16xf32>,
        %swap3A_1074 = vector.shape_cast %swap3A_1073 : vector<1x16xf32> to vector<16xf32>
        %swap3A_1075 = vector.shape_cast %add3A_1070 : vector<16xf32> to vector<1x16xf32>
        tpu.vector_store %arg10[%swap3A_1071, %swap3A_1072], %swap3A_1075 {strides = array<i32>} : memref<16x1024xf32, #tpu.memory_space<vmem>>, vector<1x16xf32>,
        %mul3A_1076 = arith.constant 3.200000e+01 : f32
        %mul3A_1077 = vector.broadcast %mul3A_1076 : f32 to vector<16xf32>
        %mul3A_1078 = arith.mulf %get3A_824, %mul3A_1077 : vector<16xf32>
        %add3A_1079 = arith.addf %mul3A_1078, %bitcast_convert_type3A_1066 : vector<16xf32>
        %swap3A_1080 = arith.index_cast %scan3A_263 : i32 to index
        %swap3A_1081 = arith.constant 592 : index
        %swap3A_1082 = tpu.vector_load %arg10[%swap3A_1080, %swap3A_1081] {strides = array<i32>} : memref<16x1024xf32, #tpu.memory_space<vmem>>, vector<1x16xf32>,
        %swap3A_1083 = vector.shape_cast %swap3A_1082 : vector<1x16xf32> to vector<16xf32>
        %swap3A_1084 = vector.shape_cast %add3A_1079 : vector<16xf32> to vector<1x16xf32>
        tpu.vector_store %arg10[%swap3A_1080, %swap3A_1081], %swap3A_1084 {strides = array<i32>} : memref<16x1024xf32, #tpu.memory_space<vmem>>, vector<1x16xf32>,
        %add3A_1085 = arith.constant 400 : i32
        %add3A_1086 = arith.addi %mul3A_269, %add3A_1085 : i32
        %get3A_1087 = arith.index_cast %add3A_1086 : i32 to index
        %get3A_1088 = tpu.vector_load %arg7[%get3A_1087] {strides = array<i32>} : memref<32768xi32, #tpu.memory_space<vmem>>, vector<16xi32>,
        %get3A_1089 = vector.shape_cast %get3A_1088 : vector<16xi32> to vector<16xi32>
        %get3A_1090 = arith.index_cast %scan3A_263 : i32 to index
        %get3A_1091 = arith.constant 800 : index
        %get3A_1092 = tpu.vector_load %arg8[%get3A_1090, %get3A_1091] {strides = array<i32>} : memref<16x1024xf32, #tpu.memory_space<vmem>>, vector<1x16xf32>,
        %get3A_1093 = vector.shape_cast %get3A_1092 : vector<1x16xf32> to vector<16xf32>
        %get3A_1094 = arith.index_cast %scan3A_263 : i32 to index
        %get3A_1095 = arith.constant 816 : index
        %get3A_1096 = tpu.vector_load %arg8[%get3A_1094, %get3A_1095] {strides = array<i32>} : memref<16x1024xf32, #tpu.memory_space<vmem>>, vector<1x16xf32>,
        %get3A_1097 = vector.shape_cast %get3A_1096 : vector<1x16xf32> to vector<16xf32>
        %shift_left3A_1098 = arith.constant 16 : i32
        %shift_left3A_1099 = vector.broadcast %shift_left3A_1098 : i32 to vector<16xi32>
        %shift_left3A_1100 = arith.shli %get3A_855, %shift_left3A_1099 : vector<16xi32>
        %bitcast_convert_type3A_1101 = tpu.bitcast %shift_left3A_1100 : vector<16xi32> -> vector<16xf32>
        %and3A_1102 = arith.constant -65536 : i32
        %and3A_1103 = vector.broadcast %and3A_1102 : i32 to vector<16xi32>
        %and3A_1104 = arith.andi %get3A_855, %and3A_1103 : vector<16xi32>
        %bitcast_convert_type3A_1105 = tpu.bitcast %and3A_1104 : vector<16xi32> -> vector<16xf32>
        %mul3A_1106 = arith.constant 3.200000e+01 : f32
        %mul3A_1107 = vector.broadcast %mul3A_1106 : f32 to vector<16xf32>
        %mul3A_1108 = arith.mulf %get3A_859, %mul3A_1107 : vector<16xf32>
        %add3A_1109 = arith.addf %mul3A_1108, %bitcast_convert_type3A_1101 : vector<16xf32>
        %swap3A_1110 = arith.index_cast %scan3A_263 : i32 to index
        %swap3A_1111 = arith.constant 608 : index
        %swap3A_1112 = tpu.vector_load %arg10[%swap3A_1110, %swap3A_1111] {strides = array<i32>} : memref<16x1024xf32, #tpu.memory_space<vmem>>, vector<1x16xf32>,
        %swap3A_1113 = vector.shape_cast %swap3A_1112 : vector<1x16xf32> to vector<16xf32>
        %swap3A_1114 = vector.shape_cast %add3A_1109 : vector<16xf32> to vector<1x16xf32>
        tpu.vector_store %arg10[%swap3A_1110, %swap3A_1111], %swap3A_1114 {strides = array<i32>} : memref<16x1024xf32, #tpu.memory_space<vmem>>, vector<1x16xf32>,
        %mul3A_1115 = arith.constant 3.200000e+01 : f32
        %mul3A_1116 = vector.broadcast %mul3A_1115 : f32 to vector<16xf32>
        %mul3A_1117 = arith.mulf %get3A_863, %mul3A_1116 : vector<16xf32>
        %add3A_1118 = arith.addf %mul3A_1117, %bitcast_convert_type3A_1105 : vector<16xf32>
        %swap3A_1119 = arith.index_cast %scan3A_263 : i32 to index
        %swap3A_1120 = arith.constant 624 : index
        %swap3A_1121 = tpu.vector_load %arg10[%swap3A_1119, %swap3A_1120] {strides = array<i32>} : memref<16x1024xf32, #tpu.memory_space<vmem>>, vector<1x16xf32>,
        %swap3A_1122 = vector.shape_cast %swap3A_1121 : vector<1x16xf32> to vector<16xf32>
        %swap3A_1123 = vector.shape_cast %add3A_1118 : vector<16xf32> to vector<1x16xf32>
        tpu.vector_store %arg10[%swap3A_1119, %swap3A_1120], %swap3A_1123 {strides = array<i32>} : memref<16x1024xf32, #tpu.memory_space<vmem>>, vector<1x16xf32>,
        %add3A_1124 = arith.constant 416 : i32
        %add3A_1125 = arith.addi %mul3A_269, %add3A_1124 : i32
        %get3A_1126 = arith.index_cast %add3A_1125 : i32 to index
        %get3A_1127 = tpu.vector_load %arg7[%get3A_1126] {strides = array<i32>} : memref<32768xi32, #tpu.memory_space<vmem>>, vector<16xi32>,
        %get3A_1128 = vector.shape_cast %get3A_1127 : vector<16xi32> to vector<16xi32>
        %get3A_1129 = arith.index_cast %scan3A_263 : i32 to index
        %get3A_1130 = arith.constant 832 : index
        %get3A_1131 = tpu.vector_load %arg8[%get3A_1129, %get3A_1130] {strides = array<i32>} : memref<16x1024xf32, #tpu.memory_space<vmem>>, vector<1x16xf32>,
        %get3A_1132 = vector.shape_cast %get3A_1131 : vector<1x16xf32> to vector<16xf32>
        %get3A_1133 = arith.index_cast %scan3A_263 : i32 to index
        %get3A_1134 = arith.constant 848 : index
        %get3A_1135 = tpu.vector_load %arg8[%get3A_1133, %get3A_1134] {strides = array<i32>} : memref<16x1024xf32, #tpu.memory_space<vmem>>, vector<1x16xf32>,
        %get3A_1136 = vector.shape_cast %get3A_1135 : vector<1x16xf32> to vector<16xf32>
        %shift_left3A_1137 = arith.constant 16 : i32
        %shift_left3A_1138 = vector.broadcast %shift_left3A_1137 : i32 to vector<16xi32>
        %shift_left3A_1139 = arith.shli %get3A_894, %shift_left3A_1138 : vector<16xi32>
        %bitcast_convert_type3A_1140 = tpu.bitcast %shift_left3A_1139 : vector<16xi32> -> vector<16xf32>
        %and3A_1141 = arith.constant -65536 : i32
        %and3A_1142 = vector.broadcast %and3A_1141 : i32 to vector<16xi32>
        %and3A_1143 = arith.andi %get3A_894, %and3A_1142 : vector<16xi32>
        %bitcast_convert_type3A_1144 = tpu.bitcast %and3A_1143 : vector<16xi32> -> vector<16xf32>
        %mul3A_1145 = arith.constant 3.200000e+01 : f32
        %mul3A_1146 = vector.broadcast %mul3A_1145 : f32 to vector<16xf32>
        %mul3A_1147 = arith.mulf %get3A_898, %mul3A_1146 : vector<16xf32>
        %add3A_1148 = arith.addf %mul3A_1147, %bitcast_convert_type3A_1140 : vector<16xf32>
        %swap3A_1149 = arith.index_cast %scan3A_263 : i32 to index
        %swap3A_1150 = arith.constant 640 : index
        %swap3A_1151 = tpu.vector_load %arg10[%swap3A_1149, %swap3A_1150] {strides = array<i32>} : memref<16x1024xf32, #tpu.memory_space<vmem>>, vector<1x16xf32>,
        %swap3A_1152 = vector.shape_cast %swap3A_1151 : vector<1x16xf32> to vector<16xf32>
        %swap3A_1153 = vector.shape_cast %add3A_1148 : vector<16xf32> to vector<1x16xf32>
        tpu.vector_store %arg10[%swap3A_1149, %swap3A_1150], %swap3A_1153 {strides = array<i32>} : memref<16x1024xf32, #tpu.memory_space<vmem>>, vector<1x16xf32>,
        %mul3A_1154 = arith.constant 3.200000e+01 : f32
        %mul3A_1155 = vector.broadcast %mul3A_1154 : f32 to vector<16xf32>
        %mul3A_1156 = arith.mulf %get3A_902, %mul3A_1155 : vector<16xf32>
        %add3A_1157 = arith.addf %mul3A_1156, %bitcast_convert_type3A_1144 : vector<16xf32>
        %swap3A_1158 = arith.index_cast %scan3A_263 : i32 to index
        %swap3A_1159 = arith.constant 656 : index
        %swap3A_1160 = tpu.vector_load %arg10[%swap3A_1158, %swap3A_1159] {strides = array<i32>} : memref<16x1024xf32, #tpu.memory_space<vmem>>, vector<1x16xf32>,
        %swap3A_1161 = vector.shape_cast %swap3A_1160 : vector<1x16xf32> to vector<16xf32>
        %swap3A_1162 = vector.shape_cast %add3A_1157 : vector<16xf32> to vector<1x16xf32>
        tpu.vector_store %arg10[%swap3A_1158, %swap3A_1159], %swap3A_1162 {strides = array<i32>} : memref<16x1024xf32, #tpu.memory_space<vmem>>, vector<1x16xf32>,
        %add3A_1163 = arith.constant 432 : i32
        %add3A_1164 = arith.addi %mul3A_269, %add3A_1163 : i32
        %get3A_1165 = arith.index_cast %add3A_1164 : i32 to index
        %get3A_1166 = tpu.vector_load %arg7[%get3A_1165] {strides = array<i32>} : memref<32768xi32, #tpu.memory_space<vmem>>, vector<16xi32>,
        %get3A_1167 = vector.shape_cast %get3A_1166 : vector<16xi32> to vector<16xi32>
        %get3A_1168 = arith.index_cast %scan3A_263 : i32 to index
        %get3A_1169 = arith.constant 864 : index
        %get3A_1170 = tpu.vector_load %arg8[%get3A_1168, %get3A_1169] {strides = array<i32>} : memref<16x1024xf32, #tpu.memory_space<vmem>>, vector<1x16xf32>,
        %get3A_1171 = vector.shape_cast %get3A_1170 : vector<1x16xf32> to vector<16xf32>
        %get3A_1172 = arith.index_cast %scan3A_263 : i32 to index
        %get3A_1173 = arith.constant 880 : index
        %get3A_1174 = tpu.vector_load %arg8[%get3A_1172, %get3A_1173] {strides = array<i32>} : memref<16x1024xf32, #tpu.memory_space<vmem>>, vector<1x16xf32>,
        %get3A_1175 = vector.shape_cast %get3A_1174 : vector<1x16xf32> to vector<16xf32>
        %shift_left3A_1176 = arith.constant 16 : i32
        %shift_left3A_1177 = vector.broadcast %shift_left3A_1176 : i32 to vector<16xi32>
        %shift_left3A_1178 = arith.shli %get3A_933, %shift_left3A_1177 : vector<16xi32>
        %bitcast_convert_type3A_1179 = tpu.bitcast %shift_left3A_1178 : vector<16xi32> -> vector<16xf32>
        %and3A_1180 = arith.constant -65536 : i32
        %and3A_1181 = vector.broadcast %and3A_1180 : i32 to vector<16xi32>
        %and3A_1182 = arith.andi %get3A_933, %and3A_1181 : vector<16xi32>
        %bitcast_convert_type3A_1183 = tpu.bitcast %and3A_1182 : vector<16xi32> -> vector<16xf32>
        %mul3A_1184 = arith.constant 3.200000e+01 : f32
        %mul3A_1185 = vector.broadcast %mul3A_1184 : f32 to vector<16xf32>
        %mul3A_1186 = arith.mulf %get3A_937, %mul3A_1185 : vector<16xf32>
        %add3A_1187 = arith.addf %mul3A_1186, %bitcast_convert_type3A_1179 : vector<16xf32>
        %swap3A_1188 = arith.index_cast %scan3A_263 : i32 to index
        %swap3A_1189 = arith.constant 672 : index
        %swap3A_1190 = tpu.vector_load %arg10[%swap3A_1188, %swap3A_1189] {strides = array<i32>} : memref<16x1024xf32, #tpu.memory_space<vmem>>, vector<1x16xf32>,
        %swap3A_1191 = vector.shape_cast %swap3A_1190 : vector<1x16xf32> to vector<16xf32>
        %swap3A_1192 = vector.shape_cast %add3A_1187 : vector<16xf32> to vector<1x16xf32>
        tpu.vector_store %arg10[%swap3A_1188, %swap3A_1189], %swap3A_1192 {strides = array<i32>} : memref<16x1024xf32, #tpu.memory_space<vmem>>, vector<1x16xf32>,
        %mul3A_1193 = arith.constant 3.200000e+01 : f32
        %mul3A_1194 = vector.broadcast %mul3A_1193 : f32 to vector<16xf32>
        %mul3A_1195 = arith.mulf %get3A_941, %mul3A_1194 : vector<16xf32>
        %add3A_1196 = arith.addf %mul3A_1195, %bitcast_convert_type3A_1183 : vector<16xf32>
        %swap3A_1197 = arith.index_cast %scan3A_263 : i32 to index
        %swap3A_1198 = arith.constant 688 : index
        %swap3A_1199 = tpu.vector_load %arg10[%swap3A_1197, %swap3A_1198] {strides = array<i32>} : memref<16x1024xf32, #tpu.memory_space<vmem>>, vector<1x16xf32>,
        %swap3A_1200 = vector.shape_cast %swap3A_1199 : vector<1x16xf32> to vector<16xf32>
        %swap3A_1201 = vector.shape_cast %add3A_1196 : vector<16xf32> to vector<1x16xf32>
        tpu.vector_store %arg10[%swap3A_1197, %swap3A_1198], %swap3A_1201 {strides = array<i32>} : memref<16x1024xf32, #tpu.memory_space<vmem>>, vector<1x16xf32>,
        %add3A_1202 = arith.constant 448 : i32
        %add3A_1203 = arith.addi %mul3A_269, %add3A_1202 : i32
        %get3A_1204 = arith.index_cast %add3A_1203 : i32 to index
        %get3A_1205 = tpu.vector_load %arg7[%get3A_1204] {strides = array<i32>} : memref<32768xi32, #tpu.memory_space<vmem>>, vector<16xi32>,
        %get3A_1206 = vector.shape_cast %get3A_1205 : vector<16xi32> to vector<16xi32>
        %get3A_1207 = arith.index_cast %scan3A_263 : i32 to index
        %get3A_1208 = arith.constant 896 : index
        %get3A_1209 = tpu.vector_load %arg8[%get3A_1207, %get3A_1208] {strides = array<i32>} : memref<16x1024xf32, #tpu.memory_space<vmem>>, vector<1x16xf32>,
        %get3A_1210 = vector.shape_cast %get3A_1209 : vector<1x16xf32> to vector<16xf32>
        %get3A_1211 = arith.index_cast %scan3A_263 : i32 to index
        %get3A_1212 = arith.constant 912 : index
        %get3A_1213 = tpu.vector_load %arg8[%get3A_1211, %get3A_1212] {strides = array<i32>} : memref<16x1024xf32, #tpu.memory_space<vmem>>, vector<1x16xf32>,
        %get3A_1214 = vector.shape_cast %get3A_1213 : vector<1x16xf32> to vector<16xf32>
        %shift_left3A_1215 = arith.constant 16 : i32
        %shift_left3A_1216 = vector.broadcast %shift_left3A_1215 : i32 to vector<16xi32>
        %shift_left3A_1217 = arith.shli %get3A_972, %shift_left3A_1216 : vector<16xi32>
        %bitcast_convert_type3A_1218 = tpu.bitcast %shift_left3A_1217 : vector<16xi32> -> vector<16xf32>
        %and3A_1219 = arith.constant -65536 : i32
        %and3A_1220 = vector.broadcast %and3A_1219 : i32 to vector<16xi32>
        %and3A_1221 = arith.andi %get3A_972, %and3A_1220 : vector<16xi32>
        %bitcast_convert_type3A_1222 = tpu.bitcast %and3A_1221 : vector<16xi32> -> vector<16xf32>
        %mul3A_1223 = arith.constant 3.200000e+01 : f32
        %mul3A_1224 = vector.broadcast %mul3A_1223 : f32 to vector<16xf32>
        %mul3A_1225 = arith.mulf %get3A_976, %mul3A_1224 : vector<16xf32>
        %add3A_1226 = arith.addf %mul3A_1225, %bitcast_convert_type3A_1218 : vector<16xf32>
        %swap3A_1227 = arith.index_cast %scan3A_263 : i32 to index
        %swap3A_1228 = arith.constant 704 : index
        %swap3A_1229 = tpu.vector_load %arg10[%swap3A_1227, %swap3A_1228] {strides = array<i32>} : memref<16x1024xf32, #tpu.memory_space<vmem>>, vector<1x16xf32>,
        %swap3A_1230 = vector.shape_cast %swap3A_1229 : vector<1x16xf32> to vector<16xf32>
        %swap3A_1231 = vector.shape_cast %add3A_1226 : vector<16xf32> to vector<1x16xf32>
        tpu.vector_store %arg10[%swap3A_1227, %swap3A_1228], %swap3A_1231 {strides = array<i32>} : memref<16x1024xf32, #tpu.memory_space<vmem>>, vector<1x16xf32>,
        %mul3A_1232 = arith.constant 3.200000e+01 : f32
        %mul3A_1233 = vector.broadcast %mul3A_1232 : f32 to vector<16xf32>
        %mul3A_1234 = arith.mulf %get3A_980, %mul3A_1233 : vector<16xf32>
        %add3A_1235 = arith.addf %mul3A_1234, %bitcast_convert_type3A_1222 : vector<16xf32>
        %swap3A_1236 = arith.index_cast %scan3A_263 : i32 to index
        %swap3A_1237 = arith.constant 720 : index
        %swap3A_1238 = tpu.vector_load %arg10[%swap3A_1236, %swap3A_1237] {strides = array<i32>} : memref<16x1024xf32, #tpu.memory_space<vmem>>, vector<1x16xf32>,
        %swap3A_1239 = vector.shape_cast %swap3A_1238 : vector<1x16xf32> to vector<16xf32>
        %swap3A_1240 = vector.shape_cast %add3A_1235 : vector<16xf32> to vector<1x16xf32>
        tpu.vector_store %arg10[%swap3A_1236, %swap3A_1237], %swap3A_1240 {strides = array<i32>} : memref<16x1024xf32, #tpu.memory_space<vmem>>, vector<1x16xf32>,
        %add3A_1241 = arith.constant 464 : i32
        %add3A_1242 = arith.addi %mul3A_269, %add3A_1241 : i32
        %get3A_1243 = arith.index_cast %add3A_1242 : i32 to index
        %get3A_1244 = tpu.vector_load %arg7[%get3A_1243] {strides = array<i32>} : memref<32768xi32, #tpu.memory_space<vmem>>, vector<16xi32>,
        %get3A_1245 = vector.shape_cast %get3A_1244 : vector<16xi32> to vector<16xi32>
        %get3A_1246 = arith.index_cast %scan3A_263 : i32 to index
        %get3A_1247 = arith.constant 928 : index
        %get3A_1248 = tpu.vector_load %arg8[%get3A_1246, %get3A_1247] {strides = array<i32>} : memref<16x1024xf32, #tpu.memory_space<vmem>>, vector<1x16xf32>,
        %get3A_1249 = vector.shape_cast %get3A_1248 : vector<1x16xf32> to vector<16xf32>
        %get3A_1250 = arith.index_cast %scan3A_263 : i32 to index
        %get3A_1251 = arith.constant 944 : index
        %get3A_1252 = tpu.vector_load %arg8[%get3A_1250, %get3A_1251] {strides = array<i32>} : memref<16x1024xf32, #tpu.memory_space<vmem>>, vector<1x16xf32>,
        %get3A_1253 = vector.shape_cast %get3A_1252 : vector<1x16xf32> to vector<16xf32>
        %shift_left3A_1254 = arith.constant 16 : i32
        %shift_left3A_1255 = vector.broadcast %shift_left3A_1254 : i32 to vector<16xi32>
        %shift_left3A_1256 = arith.shli %get3A_1011, %shift_left3A_1255 : vector<16xi32>
        %bitcast_convert_type3A_1257 = tpu.bitcast %shift_left3A_1256 : vector<16xi32> -> vector<16xf32>
        %and3A_1258 = arith.constant -65536 : i32
        %and3A_1259 = vector.broadcast %and3A_1258 : i32 to vector<16xi32>
        %and3A_1260 = arith.andi %get3A_1011, %and3A_1259 : vector<16xi32>
        %bitcast_convert_type3A_1261 = tpu.bitcast %and3A_1260 : vector<16xi32> -> vector<16xf32>
        %mul3A_1262 = arith.constant 3.200000e+01 : f32
        %mul3A_1263 = vector.broadcast %mul3A_1262 : f32 to vector<16xf32>
        %mul3A_1264 = arith.mulf %get3A_1015, %mul3A_1263 : vector<16xf32>
        %add3A_1265 = arith.addf %mul3A_1264, %bitcast_convert_type3A_1257 : vector<16xf32>
        %swap3A_1266 = arith.index_cast %scan3A_263 : i32 to index
        %swap3A_1267 = arith.constant 736 : index
        %swap3A_1268 = tpu.vector_load %arg10[%swap3A_1266, %swap3A_1267] {strides = array<i32>} : memref<16x1024xf32, #tpu.memory_space<vmem>>, vector<1x16xf32>,
        %swap3A_1269 = vector.shape_cast %swap3A_1268 : vector<1x16xf32> to vector<16xf32>
        %swap3A_1270 = vector.shape_cast %add3A_1265 : vector<16xf32> to vector<1x16xf32>
        tpu.vector_store %arg10[%swap3A_1266, %swap3A_1267], %swap3A_1270 {strides = array<i32>} : memref<16x1024xf32, #tpu.memory_space<vmem>>, vector<1x16xf32>,
        %mul3A_1271 = arith.constant 3.200000e+01 : f32
        %mul3A_1272 = vector.broadcast %mul3A_1271 : f32 to vector<16xf32>
        %mul3A_1273 = arith.mulf %get3A_1019, %mul3A_1272 : vector<16xf32>
        %add3A_1274 = arith.addf %mul3A_1273, %bitcast_convert_type3A_1261 : vector<16xf32>
        %swap3A_1275 = arith.index_cast %scan3A_263 : i32 to index
        %swap3A_1276 = arith.constant 752 : index
        %swap3A_1277 = tpu.vector_load %arg10[%swap3A_1275, %swap3A_1276] {strides = array<i32>} : memref<16x1024xf32, #tpu.memory_space<vmem>>, vector<1x16xf32>,
        %swap3A_1278 = vector.shape_cast %swap3A_1277 : vector<1x16xf32> to vector<16xf32>
        %swap3A_1279 = vector.shape_cast %add3A_1274 : vector<16xf32> to vector<1x16xf32>
        tpu.vector_store %arg10[%swap3A_1275, %swap3A_1276], %swap3A_1279 {strides = array<i32>} : memref<16x1024xf32, #tpu.memory_space<vmem>>, vector<1x16xf32>,
        %add3A_1280 = arith.constant 480 : i32
        %add3A_1281 = arith.addi %mul3A_269, %add3A_1280 : i32
        %get3A_1282 = arith.index_cast %add3A_1281 : i32 to index
        %get3A_1283 = tpu.vector_load %arg7[%get3A_1282] {strides = array<i32>} : memref<32768xi32, #tpu.memory_space<vmem>>, vector<16xi32>,
        %get3A_1284 = vector.shape_cast %get3A_1283 : vector<16xi32> to vector<16xi32>
        %get3A_1285 = arith.index_cast %scan3A_263 : i32 to index
        %get3A_1286 = arith.constant 960 : index
        %get3A_1287 = tpu.vector_load %arg8[%get3A_1285, %get3A_1286] {strides = array<i32>} : memref<16x1024xf32, #tpu.memory_space<vmem>>, vector<1x16xf32>,
        %get3A_1288 = vector.shape_cast %get3A_1287 : vector<1x16xf32> to vector<16xf32>
        %get3A_1289 = arith.index_cast %scan3A_263 : i32 to index
        %get3A_1290 = arith.constant 976 : index
        %get3A_1291 = tpu.vector_load %arg8[%get3A_1289, %get3A_1290] {strides = array<i32>} : memref<16x1024xf32, #tpu.memory_space<vmem>>, vector<1x16xf32>,
        %get3A_1292 = vector.shape_cast %get3A_1291 : vector<1x16xf32> to vector<16xf32>
        %shift_left3A_1293 = arith.constant 16 : i32
        %shift_left3A_1294 = vector.broadcast %shift_left3A_1293 : i32 to vector<16xi32>
        %shift_left3A_1295 = arith.shli %get3A_1050, %shift_left3A_1294 : vector<16xi32>
        %bitcast_convert_type3A_1296 = tpu.bitcast %shift_left3A_1295 : vector<16xi32> -> vector<16xf32>
        %and3A_1297 = arith.constant -65536 : i32
        %and3A_1298 = vector.broadcast %and3A_1297 : i32 to vector<16xi32>
        %and3A_1299 = arith.andi %get3A_1050, %and3A_1298 : vector<16xi32>
        %bitcast_convert_type3A_1300 = tpu.bitcast %and3A_1299 : vector<16xi32> -> vector<16xf32>
        %mul3A_1301 = arith.constant 3.200000e+01 : f32
        %mul3A_1302 = vector.broadcast %mul3A_1301 : f32 to vector<16xf32>
        %mul3A_1303 = arith.mulf %get3A_1054, %mul3A_1302 : vector<16xf32>
        %add3A_1304 = arith.addf %mul3A_1303, %bitcast_convert_type3A_1296 : vector<16xf32>
        %swap3A_1305 = arith.index_cast %scan3A_263 : i32 to index
        %swap3A_1306 = arith.constant 768 : index
        %swap3A_1307 = tpu.vector_load %arg10[%swap3A_1305, %swap3A_1306] {strides = array<i32>} : memref<16x1024xf32, #tpu.memory_space<vmem>>, vector<1x16xf32>,
        %swap3A_1308 = vector.shape_cast %swap3A_1307 : vector<1x16xf32> to vector<16xf32>
        %swap3A_1309 = vector.shape_cast %add3A_1304 : vector<16xf32> to vector<1x16xf32>
        tpu.vector_store %arg10[%swap3A_1305, %swap3A_1306], %swap3A_1309 {strides = array<i32>} : memref<16x1024xf32, #tpu.memory_space<vmem>>, vector<1x16xf32>,
        %mul3A_1310 = arith.constant 3.200000e+01 : f32
        %mul3A_1311 = vector.broadcast %mul3A_1310 : f32 to vector<16xf32>
        %mul3A_1312 = arith.mulf %get3A_1058, %mul3A_1311 : vector<16xf32>
        %add3A_1313 = arith.addf %mul3A_1312, %bitcast_convert_type3A_1300 : vector<16xf32>
        %swap3A_1314 = arith.index_cast %scan3A_263 : i32 to index
        %swap3A_1315 = arith.constant 784 : index
        %swap3A_1316 = tpu.vector_load %arg10[%swap3A_1314, %swap3A_1315] {strides = array<i32>} : memref<16x1024xf32, #tpu.memory_space<vmem>>, vector<1x16xf32>,
        %swap3A_1317 = vector.shape_cast %swap3A_1316 : vector<1x16xf32> to vector<16xf32>
        %swap3A_1318 = vector.shape_cast %add3A_1313 : vector<16xf32> to vector<1x16xf32>
        tpu.vector_store %arg10[%swap3A_1314, %swap3A_1315], %swap3A_1318 {strides = array<i32>} : memref<16x1024xf32, #tpu.memory_space<vmem>>, vector<1x16xf32>,
        %add3A_1319 = arith.constant 496 : i32
        %add3A_1320 = arith.addi %mul3A_269, %add3A_1319 : i32
        %get3A_1321 = arith.index_cast %add3A_1320 : i32 to index
        %get3A_1322 = tpu.vector_load %arg7[%get3A_1321] {strides = array<i32>} : memref<32768xi32, #tpu.memory_space<vmem>>, vector<16xi32>,
        %get3A_1323 = vector.shape_cast %get3A_1322 : vector<16xi32> to vector<16xi32>
        %get3A_1324 = arith.index_cast %scan3A_263 : i32 to index
        %get3A_1325 = arith.constant 992 : index
        %get3A_1326 = tpu.vector_load %arg8[%get3A_1324, %get3A_1325] {strides = array<i32>} : memref<16x1024xf32, #tpu.memory_space<vmem>>, vector<1x16xf32>,
        %get3A_1327 = vector.shape_cast %get3A_1326 : vector<1x16xf32> to vector<16xf32>
        %get3A_1328 = arith.index_cast %scan3A_263 : i32 to index
        %get3A_1329 = arith.constant 1008 : index
        %get3A_1330 = tpu.vector_load %arg8[%get3A_1328, %get3A_1329] {strides = array<i32>} : memref<16x1024xf32, #tpu.memory_space<vmem>>, vector<1x16xf32>,
        %get3A_1331 = vector.shape_cast %get3A_1330 : vector<1x16xf32> to vector<16xf32>
        %shift_left3A_1332 = arith.constant 16 : i32
        %shift_left3A_1333 = vector.broadcast %shift_left3A_1332 : i32 to vector<16xi32>
        %shift_left3A_1334 = arith.shli %get3A_1089, %shift_left3A_1333 : vector<16xi32>
        %bitcast_convert_type3A_1335 = tpu.bitcast %shift_left3A_1334 : vector<16xi32> -> vector<16xf32>
        %and3A_1336 = arith.constant -65536 : i32
        %and3A_1337 = vector.broadcast %and3A_1336 : i32 to vector<16xi32>
        %and3A_1338 = arith.andi %get3A_1089, %and3A_1337 : vector<16xi32>
        %bitcast_convert_type3A_1339 = tpu.bitcast %and3A_1338 : vector<16xi32> -> vector<16xf32>
        %mul3A_1340 = arith.constant 3.200000e+01 : f32
        %mul3A_1341 = vector.broadcast %mul3A_1340 : f32 to vector<16xf32>
        %mul3A_1342 = arith.mulf %get3A_1093, %mul3A_1341 : vector<16xf32>
        %add3A_1343 = arith.addf %mul3A_1342, %bitcast_convert_type3A_1335 : vector<16xf32>
        %swap3A_1344 = arith.index_cast %scan3A_263 : i32 to index
        %swap3A_1345 = arith.constant 800 : index
        %swap3A_1346 = tpu.vector_load %arg10[%swap3A_1344, %swap3A_1345] {strides = array<i32>} : memref<16x1024xf32, #tpu.memory_space<vmem>>, vector<1x16xf32>,
        %swap3A_1347 = vector.shape_cast %swap3A_1346 : vector<1x16xf32> to vector<16xf32>
        %swap3A_1348 = vector.shape_cast %add3A_1343 : vector<16xf32> to vector<1x16xf32>
        tpu.vector_store %arg10[%swap3A_1344, %swap3A_1345], %swap3A_1348 {strides = array<i32>} : memref<16x1024xf32, #tpu.memory_space<vmem>>, vector<1x16xf32>,
        %mul3A_1349 = arith.constant 3.200000e+01 : f32
        %mul3A_1350 = vector.broadcast %mul3A_1349 : f32 to vector<16xf32>
        %mul3A_1351 = arith.mulf %get3A_1097, %mul3A_1350 : vector<16xf32>
        %add3A_1352 = arith.addf %mul3A_1351, %bitcast_convert_type3A_1339 : vector<16xf32>
        %swap3A_1353 = arith.index_cast %scan3A_263 : i32 to index
        %swap3A_1354 = arith.constant 816 : index
        %swap3A_1355 = tpu.vector_load %arg10[%swap3A_1353, %swap3A_1354] {strides = array<i32>} : memref<16x1024xf32, #tpu.memory_space<vmem>>, vector<1x16xf32>,
        %swap3A_1356 = vector.shape_cast %swap3A_1355 : vector<1x16xf32> to vector<16xf32>
        %swap3A_1357 = vector.shape_cast %add3A_1352 : vector<16xf32> to vector<1x16xf32>
        tpu.vector_store %arg10[%swap3A_1353, %swap3A_1354], %swap3A_1357 {strides = array<i32>} : memref<16x1024xf32, #tpu.memory_space<vmem>>, vector<1x16xf32>,
        %shift_left3A_1358 = arith.constant 16 : i32
        %shift_left3A_1359 = vector.broadcast %shift_left3A_1358 : i32 to vector<16xi32>
        %shift_left3A_1360 = arith.shli %get3A_1128, %shift_left3A_1359 : vector<16xi32>
        %bitcast_convert_type3A_1361 = tpu.bitcast %shift_left3A_1360 : vector<16xi32> -> vector<16xf32>
        %and3A_1362 = arith.constant -65536 : i32
        %and3A_1363 = vector.broadcast %and3A_1362 : i32 to vector<16xi32>
        %and3A_1364 = arith.andi %get3A_1128, %and3A_1363 : vector<16xi32>
        %bitcast_convert_type3A_1365 = tpu.bitcast %and3A_1364 : vector<16xi32> -> vector<16xf32>
        %mul3A_1366 = arith.constant 3.200000e+01 : f32
        %mul3A_1367 = vector.broadcast %mul3A_1366 : f32 to vector<16xf32>
        %mul3A_1368 = arith.mulf %get3A_1132, %mul3A_1367 : vector<16xf32>
        %add3A_1369 = arith.addf %mul3A_1368, %bitcast_convert_type3A_1361 : vector<16xf32>
        %swap3A_1370 = arith.index_cast %scan3A_263 : i32 to index
        %swap3A_1371 = arith.constant 832 : index
        %swap3A_1372 = tpu.vector_load %arg10[%swap3A_1370, %swap3A_1371] {strides = array<i32>} : memref<16x1024xf32, #tpu.memory_space<vmem>>, vector<1x16xf32>,
        %swap3A_1373 = vector.shape_cast %swap3A_1372 : vector<1x16xf32> to vector<16xf32>
        %swap3A_1374 = vector.shape_cast %add3A_1369 : vector<16xf32> to vector<1x16xf32>
        tpu.vector_store %arg10[%swap3A_1370, %swap3A_1371], %swap3A_1374 {strides = array<i32>} : memref<16x1024xf32, #tpu.memory_space<vmem>>, vector<1x16xf32>,
        %mul3A_1375 = arith.constant 3.200000e+01 : f32
        %mul3A_1376 = vector.broadcast %mul3A_1375 : f32 to vector<16xf32>
        %mul3A_1377 = arith.mulf %get3A_1136, %mul3A_1376 : vector<16xf32>
        %add3A_1378 = arith.addf %mul3A_1377, %bitcast_convert_type3A_1365 : vector<16xf32>
        %swap3A_1379 = arith.index_cast %scan3A_263 : i32 to index
        %swap3A_1380 = arith.constant 848 : index
        %swap3A_1381 = tpu.vector_load %arg10[%swap3A_1379, %swap3A_1380] {strides = array<i32>} : memref<16x1024xf32, #tpu.memory_space<vmem>>, vector<1x16xf32>,
        %swap3A_1382 = vector.shape_cast %swap3A_1381 : vector<1x16xf32> to vector<16xf32>
        %swap3A_1383 = vector.shape_cast %add3A_1378 : vector<16xf32> to vector<1x16xf32>
        tpu.vector_store %arg10[%swap3A_1379, %swap3A_1380], %swap3A_1383 {strides = array<i32>} : memref<16x1024xf32, #tpu.memory_space<vmem>>, vector<1x16xf32>,
        %shift_left3A_1384 = arith.constant 16 : i32
        %shift_left3A_1385 = vector.broadcast %shift_left3A_1384 : i32 to vector<16xi32>
        %shift_left3A_1386 = arith.shli %get3A_1167, %shift_left3A_1385 : vector<16xi32>
        %bitcast_convert_type3A_1387 = tpu.bitcast %shift_left3A_1386 : vector<16xi32> -> vector<16xf32>
        %and3A_1388 = arith.constant -65536 : i32
        %and3A_1389 = vector.broadcast %and3A_1388 : i32 to vector<16xi32>
        %and3A_1390 = arith.andi %get3A_1167, %and3A_1389 : vector<16xi32>
        %bitcast_convert_type3A_1391 = tpu.bitcast %and3A_1390 : vector<16xi32> -> vector<16xf32>
        %mul3A_1392 = arith.constant 3.200000e+01 : f32
        %mul3A_1393 = vector.broadcast %mul3A_1392 : f32 to vector<16xf32>
        %mul3A_1394 = arith.mulf %get3A_1171, %mul3A_1393 : vector<16xf32>
        %add3A_1395 = arith.addf %mul3A_1394, %bitcast_convert_type3A_1387 : vector<16xf32>
        %swap3A_1396 = arith.index_cast %scan3A_263 : i32 to index
        %swap3A_1397 = arith.constant 864 : index
        %swap3A_1398 = tpu.vector_load %arg10[%swap3A_1396, %swap3A_1397] {strides = array<i32>} : memref<16x1024xf32, #tpu.memory_space<vmem>>, vector<1x16xf32>,
        %swap3A_1399 = vector.shape_cast %swap3A_1398 : vector<1x16xf32> to vector<16xf32>
        %swap3A_1400 = vector.shape_cast %add3A_1395 : vector<16xf32> to vector<1x16xf32>
        tpu.vector_store %arg10[%swap3A_1396, %swap3A_1397], %swap3A_1400 {strides = array<i32>} : memref<16x1024xf32, #tpu.memory_space<vmem>>, vector<1x16xf32>,
        %mul3A_1401 = arith.constant 3.200000e+01 : f32
        %mul3A_1402 = vector.broadcast %mul3A_1401 : f32 to vector<16xf32>
        %mul3A_1403 = arith.mulf %get3A_1175, %mul3A_1402 : vector<16xf32>
        %add3A_1404 = arith.addf %mul3A_1403, %bitcast_convert_type3A_1391 : vector<16xf32>
        %swap3A_1405 = arith.index_cast %scan3A_263 : i32 to index
        %swap3A_1406 = arith.constant 880 : index
        %swap3A_1407 = tpu.vector_load %arg10[%swap3A_1405, %swap3A_1406] {strides = array<i32>} : memref<16x1024xf32, #tpu.memory_space<vmem>>, vector<1x16xf32>,
        %swap3A_1408 = vector.shape_cast %swap3A_1407 : vector<1x16xf32> to vector<16xf32>
        %swap3A_1409 = vector.shape_cast %add3A_1404 : vector<16xf32> to vector<1x16xf32>
        tpu.vector_store %arg10[%swap3A_1405, %swap3A_1406], %swap3A_1409 {strides = array<i32>} : memref<16x1024xf32, #tpu.memory_space<vmem>>, vector<1x16xf32>,
        %shift_left3A_1410 = arith.constant 16 : i32
        %shift_left3A_1411 = vector.broadcast %shift_left3A_1410 : i32 to vector<16xi32>
        %shift_left3A_1412 = arith.shli %get3A_1206, %shift_left3A_1411 : vector<16xi32>
        %bitcast_convert_type3A_1413 = tpu.bitcast %shift_left3A_1412 : vector<16xi32> -> vector<16xf32>
        %and3A_1414 = arith.constant -65536 : i32
        %and3A_1415 = vector.broadcast %and3A_1414 : i32 to vector<16xi32>
        %and3A_1416 = arith.andi %get3A_1206, %and3A_1415 : vector<16xi32>
        %bitcast_convert_type3A_1417 = tpu.bitcast %and3A_1416 : vector<16xi32> -> vector<16xf32>
        %mul3A_1418 = arith.constant 3.200000e+01 : f32
        %mul3A_1419 = vector.broadcast %mul3A_1418 : f32 to vector<16xf32>
        %mul3A_1420 = arith.mulf %get3A_1210, %mul3A_1419 : vector<16xf32>
        %add3A_1421 = arith.addf %mul3A_1420, %bitcast_convert_type3A_1413 : vector<16xf32>
        %swap3A_1422 = arith.index_cast %scan3A_263 : i32 to index
        %swap3A_1423 = arith.constant 896 : index
        %swap3A_1424 = tpu.vector_load %arg10[%swap3A_1422, %swap3A_1423] {strides = array<i32>} : memref<16x1024xf32, #tpu.memory_space<vmem>>, vector<1x16xf32>,
        %swap3A_1425 = vector.shape_cast %swap3A_1424 : vector<1x16xf32> to vector<16xf32>
        %swap3A_1426 = vector.shape_cast %add3A_1421 : vector<16xf32> to vector<1x16xf32>
        tpu.vector_store %arg10[%swap3A_1422, %swap3A_1423], %swap3A_1426 {strides = array<i32>} : memref<16x1024xf32, #tpu.memory_space<vmem>>, vector<1x16xf32>,
        %mul3A_1427 = arith.constant 3.200000e+01 : f32
        %mul3A_1428 = vector.broadcast %mul3A_1427 : f32 to vector<16xf32>
        %mul3A_1429 = arith.mulf %get3A_1214, %mul3A_1428 : vector<16xf32>
        %add3A_1430 = arith.addf %mul3A_1429, %bitcast_convert_type3A_1417 : vector<16xf32>
        %swap3A_1431 = arith.index_cast %scan3A_263 : i32 to index
        %swap3A_1432 = arith.constant 912 : index
        %swap3A_1433 = tpu.vector_load %arg10[%swap3A_1431, %swap3A_1432] {strides = array<i32>} : memref<16x1024xf32, #tpu.memory_space<vmem>>, vector<1x16xf32>,
        %swap3A_1434 = vector.shape_cast %swap3A_1433 : vector<1x16xf32> to vector<16xf32>
        %swap3A_1435 = vector.shape_cast %add3A_1430 : vector<16xf32> to vector<1x16xf32>
        tpu.vector_store %arg10[%swap3A_1431, %swap3A_1432], %swap3A_1435 {strides = array<i32>} : memref<16x1024xf32, #tpu.memory_space<vmem>>, vector<1x16xf32>,
        %shift_left3A_1436 = arith.constant 16 : i32
        %shift_left3A_1437 = vector.broadcast %shift_left3A_1436 : i32 to vector<16xi32>
        %shift_left3A_1438 = arith.shli %get3A_1245, %shift_left3A_1437 : vector<16xi32>
        %bitcast_convert_type3A_1439 = tpu.bitcast %shift_left3A_1438 : vector<16xi32> -> vector<16xf32>
        %and3A_1440 = arith.constant -65536 : i32
        %and3A_1441 = vector.broadcast %and3A_1440 : i32 to vector<16xi32>
        %and3A_1442 = arith.andi %get3A_1245, %and3A_1441 : vector<16xi32>
        %bitcast_convert_type3A_1443 = tpu.bitcast %and3A_1442 : vector<16xi32> -> vector<16xf32>
        %mul3A_1444 = arith.constant 3.200000e+01 : f32
        %mul3A_1445 = vector.broadcast %mul3A_1444 : f32 to vector<16xf32>
        %mul3A_1446 = arith.mulf %get3A_1249, %mul3A_1445 : vector<16xf32>
        %add3A_1447 = arith.addf %mul3A_1446, %bitcast_convert_type3A_1439 : vector<16xf32>
        %swap3A_1448 = arith.index_cast %scan3A_263 : i32 to index
        %swap3A_1449 = arith.constant 928 : index
        %swap3A_1450 = tpu.vector_load %arg10[%swap3A_1448, %swap3A_1449] {strides = array<i32>} : memref<16x1024xf32, #tpu.memory_space<vmem>>, vector<1x16xf32>,
        %swap3A_1451 = vector.shape_cast %swap3A_1450 : vector<1x16xf32> to vector<16xf32>
        %swap3A_1452 = vector.shape_cast %add3A_1447 : vector<16xf32> to vector<1x16xf32>
        tpu.vector_store %arg10[%swap3A_1448, %swap3A_1449], %swap3A_1452 {strides = array<i32>} : memref<16x1024xf32, #tpu.memory_space<vmem>>, vector<1x16xf32>,
        %mul3A_1453 = arith.constant 3.200000e+01 : f32
        %mul3A_1454 = vector.broadcast %mul3A_1453 : f32 to vector<16xf32>
        %mul3A_1455 = arith.mulf %get3A_1253, %mul3A_1454 : vector<16xf32>
        %add3A_1456 = arith.addf %mul3A_1455, %bitcast_convert_type3A_1443 : vector<16xf32>
        %swap3A_1457 = arith.index_cast %scan3A_263 : i32 to index
        %swap3A_1458 = arith.constant 944 : index
        %swap3A_1459 = tpu.vector_load %arg10[%swap3A_1457, %swap3A_1458] {strides = array<i32>} : memref<16x1024xf32, #tpu.memory_space<vmem>>, vector<1x16xf32>,
        %swap3A_1460 = vector.shape_cast %swap3A_1459 : vector<1x16xf32> to vector<16xf32>
        %swap3A_1461 = vector.shape_cast %add3A_1456 : vector<16xf32> to vector<1x16xf32>
        tpu.vector_store %arg10[%swap3A_1457, %swap3A_1458], %swap3A_1461 {strides = array<i32>} : memref<16x1024xf32, #tpu.memory_space<vmem>>, vector<1x16xf32>,
        %shift_left3A_1462 = arith.constant 16 : i32
        %shift_left3A_1463 = vector.broadcast %shift_left3A_1462 : i32 to vector<16xi32>
        %shift_left3A_1464 = arith.shli %get3A_1284, %shift_left3A_1463 : vector<16xi32>
        %bitcast_convert_type3A_1465 = tpu.bitcast %shift_left3A_1464 : vector<16xi32> -> vector<16xf32>
        %and3A_1466 = arith.constant -65536 : i32
        %and3A_1467 = vector.broadcast %and3A_1466 : i32 to vector<16xi32>
        %and3A_1468 = arith.andi %get3A_1284, %and3A_1467 : vector<16xi32>
        %bitcast_convert_type3A_1469 = tpu.bitcast %and3A_1468 : vector<16xi32> -> vector<16xf32>
        %mul3A_1470 = arith.constant 3.200000e+01 : f32
        %mul3A_1471 = vector.broadcast %mul3A_1470 : f32 to vector<16xf32>
        %mul3A_1472 = arith.mulf %get3A_1288, %mul3A_1471 : vector<16xf32>
        %add3A_1473 = arith.addf %mul3A_1472, %bitcast_convert_type3A_1465 : vector<16xf32>
        %swap3A_1474 = arith.index_cast %scan3A_263 : i32 to index
        %swap3A_1475 = arith.constant 960 : index
        %swap3A_1476 = tpu.vector_load %arg10[%swap3A_1474, %swap3A_1475] {strides = array<i32>} : memref<16x1024xf32, #tpu.memory_space<vmem>>, vector<1x16xf32>,
        %swap3A_1477 = vector.shape_cast %swap3A_1476 : vector<1x16xf32> to vector<16xf32>
        %swap3A_1478 = vector.shape_cast %add3A_1473 : vector<16xf32> to vector<1x16xf32>
        tpu.vector_store %arg10[%swap3A_1474, %swap3A_1475], %swap3A_1478 {strides = array<i32>} : memref<16x1024xf32, #tpu.memory_space<vmem>>, vector<1x16xf32>,
        %mul3A_1479 = arith.constant 3.200000e+01 : f32
        %mul3A_1480 = vector.broadcast %mul3A_1479 : f32 to vector<16xf32>
        %mul3A_1481 = arith.mulf %get3A_1292, %mul3A_1480 : vector<16xf32>
        %add3A_1482 = arith.addf %mul3A_1481, %bitcast_convert_type3A_1469 : vector<16xf32>
        %swap3A_1483 = arith.index_cast %scan3A_263 : i32 to index
        %swap3A_1484 = arith.constant 976 : index
        %swap3A_1485 = tpu.vector_load %arg10[%swap3A_1483, %swap3A_1484] {strides = array<i32>} : memref<16x1024xf32, #tpu.memory_space<vmem>>, vector<1x16xf32>,
        %swap3A_1486 = vector.shape_cast %swap3A_1485 : vector<1x16xf32> to vector<16xf32>
        %swap3A_1487 = vector.shape_cast %add3A_1482 : vector<16xf32> to vector<1x16xf32>
        tpu.vector_store %arg10[%swap3A_1483, %swap3A_1484], %swap3A_1487 {strides = array<i32>} : memref<16x1024xf32, #tpu.memory_space<vmem>>, vector<1x16xf32>,
        %shift_left3A_1488 = arith.constant 16 : i32
        %shift_left3A_1489 = vector.broadcast %shift_left3A_1488 : i32 to vector<16xi32>
        %shift_left3A_1490 = arith.shli %get3A_1323, %shift_left3A_1489 : vector<16xi32>
        %bitcast_convert_type3A_1491 = tpu.bitcast %shift_left3A_1490 : vector<16xi32> -> vector<16xf32>
        %and3A_1492 = arith.constant -65536 : i32
        %and3A_1493 = vector.broadcast %and3A_1492 : i32 to vector<16xi32>
        %and3A_1494 = arith.andi %get3A_1323, %and3A_1493 : vector<16xi32>
        %bitcast_convert_type3A_1495 = tpu.bitcast %and3A_1494 : vector<16xi32> -> vector<16xf32>
        %mul3A_1496 = arith.constant 3.200000e+01 : f32
        %mul3A_1497 = vector.broadcast %mul3A_1496 : f32 to vector<16xf32>
        %mul3A_1498 = arith.mulf %get3A_1327, %mul3A_1497 : vector<16xf32>
        %add3A_1499 = arith.addf %mul3A_1498, %bitcast_convert_type3A_1491 : vector<16xf32>
        %swap3A_1500 = arith.index_cast %scan3A_263 : i32 to index
        %swap3A_1501 = arith.constant 992 : index
        %swap3A_1502 = tpu.vector_load %arg10[%swap3A_1500, %swap3A_1501] {strides = array<i32>} : memref<16x1024xf32, #tpu.memory_space<vmem>>, vector<1x16xf32>,
        %swap3A_1503 = vector.shape_cast %swap3A_1502 : vector<1x16xf32> to vector<16xf32>
        %swap3A_1504 = vector.shape_cast %add3A_1499 : vector<16xf32> to vector<1x16xf32>
        tpu.vector_store %arg10[%swap3A_1500, %swap3A_1501], %swap3A_1504 {strides = array<i32>} : memref<16x1024xf32, #tpu.memory_space<vmem>>, vector<1x16xf32>,
        %mul3A_1505 = arith.constant 3.200000e+01 : f32
        %mul3A_1506 = vector.broadcast %mul3A_1505 : f32 to vector<16xf32>
        %mul3A_1507 = arith.mulf %get3A_1331, %mul3A_1506 : vector<16xf32>
        %add3A_1508 = arith.addf %mul3A_1507, %bitcast_convert_type3A_1495 : vector<16xf32>
        %swap3A_1509 = arith.index_cast %scan3A_263 : i32 to index
        %swap3A_1510 = arith.constant 1008 : index
        %swap3A_1511 = tpu.vector_load %arg10[%swap3A_1509, %swap3A_1510] {strides = array<i32>} : memref<16x1024xf32, #tpu.memory_space<vmem>>, vector<1x16xf32>,
        %swap3A_1512 = vector.shape_cast %swap3A_1511 : vector<1x16xf32> to vector<16xf32>
        %swap3A_1513 = vector.shape_cast %add3A_1508 : vector<16xf32> to vector<1x16xf32>
        tpu.vector_store %arg10[%swap3A_1509, %swap3A_1510], %swap3A_1513 {strides = array<i32>} : memref<16x1024xf32, #tpu.memory_space<vmem>>, vector<1x16xf32>,
        %scan3A_1514 = arith.constant 0 : i32
        scf.yield %scan3A_1514 : i32
      }
      %scan3A_171 = arith.constant 16 : i32
      %mul3A_172 = arith.constant 16 : i32
      %mul3A_173 = arith.muli %select_n3A_156, %mul3A_172 : i32
      %add3A_174 = arith.addi %mul3A_2, %mul3A_173 : i32
      %dma_start3A_175 = arith.constant 0 : i32
      %dma_start3A_176 = tpu.memref_slice %arg5[%select_n3A, %add3A_174, %dma_start3A_175] : memref<4x2048x1024xf32, #tpu.memory_space<hbm>> -> memref<1x16x1024xf32, #tpu.memory_space<hbm>>
      %dma_start3A_177 = tpu.memref_squeeze %dma_start3A_176 : memref<1x16x1024xf32, #tpu.memory_space<hbm>> -> memref<16x1024xf32, #tpu.memory_space<hbm>>
      %dma_start3A_178 = arith.constant 0 : i32
      %dma_start3A_179 = tpu.memref_slice %arg5[%select_n3A, %add3A_174, %dma_start3A_178] : memref<4x2048x1024xf32, #tpu.memory_space<hbm>> -> memref<1x16x1024xf32, #tpu.memory_space<hbm>>
      %dma_start3A_180 = tpu.memref_squeeze %dma_start3A_179 : memref<1x16x1024xf32, #tpu.memory_space<hbm>> -> memref<16x1024xf32, #tpu.memory_space<hbm>>
      tpu.enqueue_dma source(%arg10 : memref<16x1024xf32, #tpu.memory_space<vmem>>) target(%dma_start3A_180 : memref<16x1024xf32, #tpu.memory_space<hbm>>) target_semaphore(%arg14 : memref<!tpu.dma_semaphore, #tpu.memory_space<semaphore_mem>>)
      %lt3A_181 = arith.constant 14 : i32
      %lt3A_182 = arith.cmpi slt, %add3A_126, %lt3A_181 : i32
      %convert_element_type3A_183 = arith.extui %lt3A_182 : i1 to i32
      %cond3A_184 = arith.constant 0 : i32
      %cond3A_185 = arith.cmpi ne, %convert_element_type3A_183, %cond3A_184 : i32
      scf.if %cond3A_185 {
        %add3A_263 = arith.constant 2 : i32
        %add3A_264 = arith.addi %add3A_126, %add3A_263 : i32
        %mul3A_265 = arith.constant 16 : i32
        %mul3A_266 = arith.muli %add3A_264, %mul3A_265 : i32
        %dma_start3A_267 = tpu.memref_slice %arg6[%mul3A_266] : memref<256xi32, #tpu.memory_space<vmem>> -> memref<16xi32, #tpu.memory_space<vmem>>
        %dma_start3A_268 = arith.constant 0 : i32
        %dma_start3A_269 = arith.constant 0 : i32
        %dma_start3A_270 = tpu.memref_slice %arg4[%dma_start3A_268, %dma_start3A_269] : memref<100000x1024xf32, #tpu.memory_space<hbm>> -> memref<100000x1024xf32, #tpu.memory_space<hbm>>
        tpu.enqueue_indirect_dma source(%dma_start3A_270 : memref<100000x1024xf32, #tpu.memory_space<hbm>>) target(%arg8 : memref<16x1024xf32, #tpu.memory_space<vmem>>) offsets(%dma_start3A_267 : memref<16xi32, #tpu.memory_space<vmem>>) semaphore(%arg12 : memref<!tpu.dma_semaphore, #tpu.memory_space<semaphore_mem>>)
      } else {
      }
      %mul3A_186 = arith.constant 2 : i32
      %mul3A_187 = arith.muli %mul3A_186, %scan3A_121 : i32
      %add3A_188 = arith.constant 1 : i32
      %add3A_189 = arith.addi %mul3A_187, %add3A_188 : i32
      %jit3A_190 = arith.constant 4 : i32
      %div3A_191 = arith.divsi %add3A_189, %jit3A_190 : i32
      %sign3A_192 = arith.constant 0 : i32
      %sign3A_193 = arith.cmpi sgt, %add3A_189, %sign3A_192 : i32
      %sign3A_194 = arith.extui %sign3A_193 : i1 to i32
      %sign3A_195 = arith.constant 0 : i32
      %sign3A_196 = arith.cmpi slt, %add3A_189, %sign3A_195 : i32
      %sign3A_197 = arith.extui %sign3A_196 : i1 to i32
      %sign3A_198 = arith.subi %sign3A_194, %sign3A_197 : i32
      %sign3A_199 = arith.constant 0 : i32
      %sign3A_200 = arith.cmpi sgt, %jit3A_190, %sign3A_199 : i32
      %sign3A_201 = arith.extui %sign3A_200 : i1 to i32
      %sign3A_202 = arith.constant 0 : i32
      %sign3A_203 = arith.cmpi slt, %jit3A_190, %sign3A_202 : i32
      %sign3A_204 = arith.extui %sign3A_203 : i1 to i32
      %sign3A_205 = arith.subi %sign3A_201, %sign3A_204 : i32
      %ne3A_206 = arith.cmpi ne, %sign3A_198, %sign3A_205 : i32
      %rem3A_207 = arith.remsi %add3A_189, %jit3A_190 : i32
      %ne3A_208 = arith.constant 0 : i32
      %ne3A_209 = arith.cmpi ne, %rem3A_207, %ne3A_208 : i32
      %and3A_210 = arith.andi %ne3A_206, %ne3A_209 : i1
      %sub3A_211 = arith.constant 1 : i32
      %sub3A_212 = arith.subi %div3A_191, %sub3A_211 : i32
      %select_n3A_213 = arith.select %and3A_210, %sub3A_212, %div3A_191 : i32
      %jit3A_214 = arith.constant 4 : i32
      %eq3A_215 = arith.constant 0 : i32
      %eq3A_216 = arith.cmpi eq, %jit3A_214, %eq3A_215 : i32
      %jit3A_217 = arith.constant 1 : i32
      %select_n3A_218 = arith.select %eq3A_216, %jit3A_217, %jit3A_214 : i32
      %rem3A_219 = arith.remsi %add3A_189, %select_n3A_218 : i32
      %ne3A_220 = arith.constant 0 : i32
      %ne3A_221 = arith.cmpi ne, %rem3A_219, %ne3A_220 : i32
      %lt3A_222 = arith.constant 0 : i32
      %lt3A_223 = arith.cmpi slt, %rem3A_219, %lt3A_222 : i32
      %lt3A_224 = arith.constant 0 : i32
      %lt3A_225 = arith.cmpi slt, %select_n3A_218, %lt3A_224 : i32
      %ne3A_226 = arith.xori %lt3A_223, %lt3A_225 : i1
      %and3A_227 = arith.andi %ne3A_226, %ne3A_221 : i1
      %add3A_228 = arith.addi %rem3A_219, %select_n3A_218 : i32
      %select_n3A_229 = arith.select %and3A_227, %add3A_228, %rem3A_219 : i32
      %dma_wait3A_230 = arith.constant 0 : i32
      %dma_wait3A_231 = arith.constant 0 : i32
      %dma_wait3A_232 = tpu.memref_slice %arg4[%dma_wait3A_230, %dma_wait3A_231] : memref<100000x1024xf32, #tpu.memory_space<hbm>> -> memref<16x1024xf32, #tpu.memory_space<hbm>>
      %dma_wait3A_233 = arith.constant 0 : i32
      %dma_wait3A_234 = arith.constant 0 : i32
      %dma_wait3A_235 = tpu.memref_slice %arg4[%dma_wait3A_233, %dma_wait3A_234] : memref<100000x1024xf32, #tpu.memory_space<hbm>> -> memref<16x1024xf32, #tpu.memory_space<hbm>>
      tpu.wait_dma2 semaphore(%arg13 : memref<!tpu.dma_semaphore, #tpu.memory_space<semaphore_mem>>) src(%dma_wait3A_235 : memref<16x1024xf32, #tpu.memory_space<hbm>>) dst(%arg9 : memref<16x1024xf32, #tpu.memory_space<vmem>>)
      %ge3A_236 = arith.constant 1 : i32
      %ge3A_237 = arith.cmpi sge, %scan3A_121, %ge3A_236 : i32
      %convert_element_type3A_238 = arith.extui %ge3A_237 : i1 to i32
      %cond3A_239 = arith.constant 0 : i32
      %cond3A_240 = arith.cmpi ne, %convert_element_type3A_238, %cond3A_239 : i32
      scf.if %cond3A_240 {
        %dma_wait3A_263 = arith.constant 0 : i32
        %dma_wait3A_264 = arith.constant 0 : i32
        %dma_wait3A_265 = arith.constant 0 : i32
        %dma_wait3A_266 = tpu.memref_slice %arg5[%dma_wait3A_263, %dma_wait3A_264, %dma_wait3A_265] : memref<4x2048x1024xf32, #tpu.memory_space<hbm>> -> memref<1x16x1024xf32, #tpu.memory_space<hbm>>
        %dma_wait3A_267 = tpu.memref_squeeze %dma_wait3A_266 : memref<1x16x1024xf32, #tpu.memory_space<hbm>> -> memref<16x1024xf32, #tpu.memory_space<hbm>>
        %dma_wait3A_268 = arith.constant 0 : i32
        %dma_wait3A_269 = arith.constant 0 : i32
        %dma_wait3A_270 = tpu.memref_slice %arg5[%dma_wait3A_263, %dma_wait3A_268, %dma_wait3A_269] : memref<4x2048x1024xf32, #tpu.memory_space<hbm>> -> memref<1x16x1024xf32, #tpu.memory_space<hbm>>
        %dma_wait3A_271 = tpu.memref_squeeze %dma_wait3A_270 : memref<1x16x1024xf32, #tpu.memory_space<hbm>> -> memref<16x1024xf32, #tpu.memory_space<hbm>>
        tpu.wait_dma2 semaphore(%arg15 : memref<!tpu.dma_semaphore, #tpu.memory_space<semaphore_mem>>) src(%arg11 : memref<16x1024xf32, #tpu.memory_space<vmem>>) dst(%dma_wait3A_271 : memref<16x1024xf32, #tpu.memory_space<hbm>>)
      } else {
      }
      %scan3A_241 = arith.constant 0 : i32
      %scan3A_242 = arith.constant 0 : i32
      %scan3A_243 = arith.constant 16 : i32
      %scan3A_244 = arith.addi %scan3A_242, %scan3A_243 : i32
      %scan3A_245 = arith.constant 1 : i32
      %scan3A_246 = scf.for %scan3A_263 = %scan3A_242 to %scan3A_244 step %scan3A_245 iter_args(%scan3A_264 = %scan3A_241) -> (i32)  : i32 {
        %mul3A_265 = arith.constant 16 : i32
        %mul3A_266 = arith.muli %select_n3A_229, %mul3A_265 : i32
        %add3A_267 = arith.addi %mul3A_266, %scan3A_263 : i32
        %mul3A_268 = arith.constant 512 : i32
        %mul3A_269 = arith.muli %add3A_267, %mul3A_268 : i32
        %add3A_270 = arith.constant 0 : i32
        %add3A_271 = arith.addi %mul3A_269, %add3A_270 : i32
        %get3A = arith.index_cast %add3A_271 : i32 to index
        %get3A_272 = tpu.vector_load %arg7[%get3A] {strides = array<i32>} : memref<32768xi32, #tpu.memory_space<vmem>>, vector<16xi32>,
        %get3A_273 = vector.shape_cast %get3A_272 : vector<16xi32> to vector<16xi32>
        %get3A_274 = arith.index_cast %scan3A_263 : i32 to index
        %get3A_275 = arith.constant 0 : index
        %get3A_276 = tpu.vector_load %arg9[%get3A_274, %get3A_275] {strides = array<i32>} : memref<16x1024xf32, #tpu.memory_space<vmem>>, vector<1x16xf32>,
        %get3A_277 = vector.shape_cast %get3A_276 : vector<1x16xf32> to vector<16xf32>
        %get3A_278 = arith.index_cast %scan3A_263 : i32 to index
        %get3A_279 = arith.constant 16 : index
        %get3A_280 = tpu.vector_load %arg9[%get3A_278, %get3A_279] {strides = array<i32>} : memref<16x1024xf32, #tpu.memory_space<vmem>>, vector<1x16xf32>,
        %get3A_281 = vector.shape_cast %get3A_280 : vector<1x16xf32> to vector<16xf32>
        %add3A_282 = arith.constant 16 : i32
        %add3A_283 = arith.addi %mul3A_269, %add3A_282 : i32
        %get3A_284 = arith.index_cast %add3A_283 : i32 to index
        %get3A_285 = tpu.vector_load %arg7[%get3A_284] {strides = array<i32>} : memref<32768xi32, #tpu.memory_space<vmem>>, vector<16xi32>,
        %get3A_286 = vector.shape_cast %get3A_285 : vector<16xi32> to vector<16xi32>
        %get3A_287 = arith.index_cast %scan3A_263 : i32 to index
        %get3A_288 = arith.constant 32 : index
        %get3A_289 = tpu.vector_load %arg9[%get3A_287, %get3A_288] {strides = array<i32>} : memref<16x1024xf32, #tpu.memory_space<vmem>>, vector<1x16xf32>,
        %get3A_290 = vector.shape_cast %get3A_289 : vector<1x16xf32> to vector<16xf32>
        %get3A_291 = arith.index_cast %scan3A_263 : i32 to index
        %get3A_292 = arith.constant 48 : index
        %get3A_293 = tpu.vector_load %arg9[%get3A_291, %get3A_292] {strides = array<i32>} : memref<16x1024xf32, #tpu.memory_space<vmem>>, vector<1x16xf32>,
        %get3A_294 = vector.shape_cast %get3A_293 : vector<1x16xf32> to vector<16xf32>
        %add3A_295 = arith.constant 32 : i32
        %add3A_296 = arith.addi %mul3A_269, %add3A_295 : i32
        %get3A_297 = arith.index_cast %add3A_296 : i32 to index
        %get3A_298 = tpu.vector_load %arg7[%get3A_297] {strides = array<i32>} : memref<32768xi32, #tpu.memory_space<vmem>>, vector<16xi32>,
        %get3A_299 = vector.shape_cast %get3A_298 : vector<16xi32> to vector<16xi32>
        %get3A_300 = arith.index_cast %scan3A_263 : i32 to index
        %get3A_301 = arith.constant 64 : index
        %get3A_302 = tpu.vector_load %arg9[%get3A_300, %get3A_301] {strides = array<i32>} : memref<16x1024xf32, #tpu.memory_space<vmem>>, vector<1x16xf32>,
        %get3A_303 = vector.shape_cast %get3A_302 : vector<1x16xf32> to vector<16xf32>
        %get3A_304 = arith.index_cast %scan3A_263 : i32 to index
        %get3A_305 = arith.constant 80 : index
        %get3A_306 = tpu.vector_load %arg9[%get3A_304, %get3A_305] {strides = array<i32>} : memref<16x1024xf32, #tpu.memory_space<vmem>>, vector<1x16xf32>,
        %get3A_307 = vector.shape_cast %get3A_306 : vector<1x16xf32> to vector<16xf32>
        %add3A_308 = arith.constant 48 : i32
        %add3A_309 = arith.addi %mul3A_269, %add3A_308 : i32
        %get3A_310 = arith.index_cast %add3A_309 : i32 to index
        %get3A_311 = tpu.vector_load %arg7[%get3A_310] {strides = array<i32>} : memref<32768xi32, #tpu.memory_space<vmem>>, vector<16xi32>,
        %get3A_312 = vector.shape_cast %get3A_311 : vector<16xi32> to vector<16xi32>
        %get3A_313 = arith.index_cast %scan3A_263 : i32 to index
        %get3A_314 = arith.constant 96 : index
        %get3A_315 = tpu.vector_load %arg9[%get3A_313, %get3A_314] {strides = array<i32>} : memref<16x1024xf32, #tpu.memory_space<vmem>>, vector<1x16xf32>,
        %get3A_316 = vector.shape_cast %get3A_315 : vector<1x16xf32> to vector<16xf32>
        %get3A_317 = arith.index_cast %scan3A_263 : i32 to index
        %get3A_318 = arith.constant 112 : index
        %get3A_319 = tpu.vector_load %arg9[%get3A_317, %get3A_318] {strides = array<i32>} : memref<16x1024xf32, #tpu.memory_space<vmem>>, vector<1x16xf32>,
        %get3A_320 = vector.shape_cast %get3A_319 : vector<1x16xf32> to vector<16xf32>
        %add3A_321 = arith.constant 64 : i32
        %add3A_322 = arith.addi %mul3A_269, %add3A_321 : i32
        %get3A_323 = arith.index_cast %add3A_322 : i32 to index
        %get3A_324 = tpu.vector_load %arg7[%get3A_323] {strides = array<i32>} : memref<32768xi32, #tpu.memory_space<vmem>>, vector<16xi32>,
        %get3A_325 = vector.shape_cast %get3A_324 : vector<16xi32> to vector<16xi32>
        %get3A_326 = arith.index_cast %scan3A_263 : i32 to index
        %get3A_327 = arith.constant 128 : index
        %get3A_328 = tpu.vector_load %arg9[%get3A_326, %get3A_327] {strides = array<i32>} : memref<16x1024xf32, #tpu.memory_space<vmem>>, vector<1x16xf32>,
        %get3A_329 = vector.shape_cast %get3A_328 : vector<1x16xf32> to vector<16xf32>
        %get3A_330 = arith.index_cast %scan3A_263 : i32 to index
        %get3A_331 = arith.constant 144 : index
        %get3A_332 = tpu.vector_load %arg9[%get3A_330, %get3A_331] {strides = array<i32>} : memref<16x1024xf32, #tpu.memory_space<vmem>>, vector<1x16xf32>,
        %get3A_333 = vector.shape_cast %get3A_332 : vector<1x16xf32> to vector<16xf32>
        %add3A_334 = arith.constant 80 : i32
        %add3A_335 = arith.addi %mul3A_269, %add3A_334 : i32
        %get3A_336 = arith.index_cast %add3A_335 : i32 to index
        %get3A_337 = tpu.vector_load %arg7[%get3A_336] {strides = array<i32>} : memref<32768xi32, #tpu.memory_space<vmem>>, vector<16xi32>,
        %get3A_338 = vector.shape_cast %get3A_337 : vector<16xi32> to vector<16xi32>
        %get3A_339 = arith.index_cast %scan3A_263 : i32 to index
        %get3A_340 = arith.constant 160 : index
        %get3A_341 = tpu.vector_load %arg9[%get3A_339, %get3A_340] {strides = array<i32>} : memref<16x1024xf32, #tpu.memory_space<vmem>>, vector<1x16xf32>,
        %get3A_342 = vector.shape_cast %get3A_341 : vector<1x16xf32> to vector<16xf32>
        %get3A_343 = arith.index_cast %scan3A_263 : i32 to index
        %get3A_344 = arith.constant 176 : index
        %get3A_345 = tpu.vector_load %arg9[%get3A_343, %get3A_344] {strides = array<i32>} : memref<16x1024xf32, #tpu.memory_space<vmem>>, vector<1x16xf32>,
        %get3A_346 = vector.shape_cast %get3A_345 : vector<1x16xf32> to vector<16xf32>
        %add3A_347 = arith.constant 96 : i32
        %add3A_348 = arith.addi %mul3A_269, %add3A_347 : i32
        %get3A_349 = arith.index_cast %add3A_348 : i32 to index
        %get3A_350 = tpu.vector_load %arg7[%get3A_349] {strides = array<i32>} : memref<32768xi32, #tpu.memory_space<vmem>>, vector<16xi32>,
        %get3A_351 = vector.shape_cast %get3A_350 : vector<16xi32> to vector<16xi32>
        %get3A_352 = arith.index_cast %scan3A_263 : i32 to index
        %get3A_353 = arith.constant 192 : index
        %get3A_354 = tpu.vector_load %arg9[%get3A_352, %get3A_353] {strides = array<i32>} : memref<16x1024xf32, #tpu.memory_space<vmem>>, vector<1x16xf32>,
        %get3A_355 = vector.shape_cast %get3A_354 : vector<1x16xf32> to vector<16xf32>
        %get3A_356 = arith.index_cast %scan3A_263 : i32 to index
        %get3A_357 = arith.constant 208 : index
        %get3A_358 = tpu.vector_load %arg9[%get3A_356, %get3A_357] {strides = array<i32>} : memref<16x1024xf32, #tpu.memory_space<vmem>>, vector<1x16xf32>,
        %get3A_359 = vector.shape_cast %get3A_358 : vector<1x16xf32> to vector<16xf32>
        %shift_left3A = arith.constant 16 : i32
        %shift_left3A_360 = vector.broadcast %shift_left3A : i32 to vector<16xi32>
        %shift_left3A_361 = arith.shli %get3A_273, %shift_left3A_360 : vector<16xi32>
        %bitcast_convert_type3A = tpu.bitcast %shift_left3A_361 : vector<16xi32> -> vector<16xf32>
        %and3A_362 = arith.constant -65536 : i32
        %and3A_363 = vector.broadcast %and3A_362 : i32 to vector<16xi32>
        %and3A_364 = arith.andi %get3A_273, %and3A_363 : vector<16xi32>
        %bitcast_convert_type3A_365 = tpu.bitcast %and3A_364 : vector<16xi32> -> vector<16xf32>
        %mul3A_366 = arith.constant 3.200000e+01 : f32
        %mul3A_367 = vector.broadcast %mul3A_366 : f32 to vector<16xf32>
        %mul3A_368 = arith.mulf %get3A_277, %mul3A_367 : vector<16xf32>
        %add3A_369 = arith.addf %mul3A_368, %bitcast_convert_type3A : vector<16xf32>
        %swap3A = arith.index_cast %scan3A_263 : i32 to index
        %swap3A_370 = arith.constant 0 : index
        %swap3A_371 = tpu.vector_load %arg11[%swap3A, %swap3A_370] {strides = array<i32>} : memref<16x1024xf32, #tpu.memory_space<vmem>>, vector<1x16xf32>,
        %swap3A_372 = vector.shape_cast %swap3A_371 : vector<1x16xf32> to vector<16xf32>
        %swap3A_373 = vector.shape_cast %add3A_369 : vector<16xf32> to vector<1x16xf32>
        tpu.vector_store %arg11[%swap3A, %swap3A_370], %swap3A_373 {strides = array<i32>} : memref<16x1024xf32, #tpu.memory_space<vmem>>, vector<1x16xf32>,
        %mul3A_374 = arith.constant 3.200000e+01 : f32
        %mul3A_375 = vector.broadcast %mul3A_374 : f32 to vector<16xf32>
        %mul3A_376 = arith.mulf %get3A_281, %mul3A_375 : vector<16xf32>
        %add3A_377 = arith.addf %mul3A_376, %bitcast_convert_type3A_365 : vector<16xf32>
        %swap3A_378 = arith.index_cast %scan3A_263 : i32 to index
        %swap3A_379 = arith.constant 16 : index
        %swap3A_380 = tpu.vector_load %arg11[%swap3A_378, %swap3A_379] {strides = array<i32>} : memref<16x1024xf32, #tpu.memory_space<vmem>>, vector<1x16xf32>,
        %swap3A_381 = vector.shape_cast %swap3A_380 : vector<1x16xf32> to vector<16xf32>
        %swap3A_382 = vector.shape_cast %add3A_377 : vector<16xf32> to vector<1x16xf32>
        tpu.vector_store %arg11[%swap3A_378, %swap3A_379], %swap3A_382 {strides = array<i32>} : memref<16x1024xf32, #tpu.memory_space<vmem>>, vector<1x16xf32>,
        %add3A_383 = arith.constant 112 : i32
        %add3A_384 = arith.addi %mul3A_269, %add3A_383 : i32
        %get3A_385 = arith.index_cast %add3A_384 : i32 to index
        %get3A_386 = tpu.vector_load %arg7[%get3A_385] {strides = array<i32>} : memref<32768xi32, #tpu.memory_space<vmem>>, vector<16xi32>,
        %get3A_387 = vector.shape_cast %get3A_386 : vector<16xi32> to vector<16xi32>
        %get3A_388 = arith.index_cast %scan3A_263 : i32 to index
        %get3A_389 = arith.constant 224 : index
        %get3A_390 = tpu.vector_load %arg9[%get3A_388, %get3A_389] {strides = array<i32>} : memref<16x1024xf32, #tpu.memory_space<vmem>>, vector<1x16xf32>,
        %get3A_391 = vector.shape_cast %get3A_390 : vector<1x16xf32> to vector<16xf32>
        %get3A_392 = arith.index_cast %scan3A_263 : i32 to index
        %get3A_393 = arith.constant 240 : index
        %get3A_394 = tpu.vector_load %arg9[%get3A_392, %get3A_393] {strides = array<i32>} : memref<16x1024xf32, #tpu.memory_space<vmem>>, vector<1x16xf32>,
        %get3A_395 = vector.shape_cast %get3A_394 : vector<1x16xf32> to vector<16xf32>
        %shift_left3A_396 = arith.constant 16 : i32
        %shift_left3A_397 = vector.broadcast %shift_left3A_396 : i32 to vector<16xi32>
        %shift_left3A_398 = arith.shli %get3A_286, %shift_left3A_397 : vector<16xi32>
        %bitcast_convert_type3A_399 = tpu.bitcast %shift_left3A_398 : vector<16xi32> -> vector<16xf32>
        %and3A_400 = arith.constant -65536 : i32
        %and3A_401 = vector.broadcast %and3A_400 : i32 to vector<16xi32>
        %and3A_402 = arith.andi %get3A_286, %and3A_401 : vector<16xi32>
        %bitcast_convert_type3A_403 = tpu.bitcast %and3A_402 : vector<16xi32> -> vector<16xf32>
        %mul3A_404 = arith.constant 3.200000e+01 : f32
        %mul3A_405 = vector.broadcast %mul3A_404 : f32 to vector<16xf32>
        %mul3A_406 = arith.mulf %get3A_290, %mul3A_405 : vector<16xf32>
        %add3A_407 = arith.addf %mul3A_406, %bitcast_convert_type3A_399 : vector<16xf32>
        %swap3A_408 = arith.index_cast %scan3A_263 : i32 to index
        %swap3A_409 = arith.constant 32 : index
        %swap3A_410 = tpu.vector_load %arg11[%swap3A_408, %swap3A_409] {strides = array<i32>} : memref<16x1024xf32, #tpu.memory_space<vmem>>, vector<1x16xf32>,
        %swap3A_411 = vector.shape_cast %swap3A_410 : vector<1x16xf32> to vector<16xf32>
        %swap3A_412 = vector.shape_cast %add3A_407 : vector<16xf32> to vector<1x16xf32>
        tpu.vector_store %arg11[%swap3A_408, %swap3A_409], %swap3A_412 {strides = array<i32>} : memref<16x1024xf32, #tpu.memory_space<vmem>>, vector<1x16xf32>,
        %mul3A_413 = arith.constant 3.200000e+01 : f32
        %mul3A_414 = vector.broadcast %mul3A_413 : f32 to vector<16xf32>
        %mul3A_415 = arith.mulf %get3A_294, %mul3A_414 : vector<16xf32>
        %add3A_416 = arith.addf %mul3A_415, %bitcast_convert_type3A_403 : vector<16xf32>
        %swap3A_417 = arith.index_cast %scan3A_263 : i32 to index
        %swap3A_418 = arith.constant 48 : index
        %swap3A_419 = tpu.vector_load %arg11[%swap3A_417, %swap3A_418] {strides = array<i32>} : memref<16x1024xf32, #tpu.memory_space<vmem>>, vector<1x16xf32>,
        %swap3A_420 = vector.shape_cast %swap3A_419 : vector<1x16xf32> to vector<16xf32>
        %swap3A_421 = vector.shape_cast %add3A_416 : vector<16xf32> to vector<1x16xf32>
        tpu.vector_store %arg11[%swap3A_417, %swap3A_418], %swap3A_421 {strides = array<i32>} : memref<16x1024xf32, #tpu.memory_space<vmem>>, vector<1x16xf32>,
        %add3A_422 = arith.constant 128 : i32
        %add3A_423 = arith.addi %mul3A_269, %add3A_422 : i32
        %get3A_424 = arith.index_cast %add3A_423 : i32 to index
        %get3A_425 = tpu.vector_load %arg7[%get3A_424] {strides = array<i32>} : memref<32768xi32, #tpu.memory_space<vmem>>, vector<16xi32>,
        %get3A_426 = vector.shape_cast %get3A_425 : vector<16xi32> to vector<16xi32>
        %get3A_427 = arith.index_cast %scan3A_263 : i32 to index
        %get3A_428 = arith.constant 256 : index
        %get3A_429 = tpu.vector_load %arg9[%get3A_427, %get3A_428] {strides = array<i32>} : memref<16x1024xf32, #tpu.memory_space<vmem>>, vector<1x16xf32>,
        %get3A_430 = vector.shape_cast %get3A_429 : vector<1x16xf32> to vector<16xf32>
        %get3A_431 = arith.index_cast %scan3A_263 : i32 to index
        %get3A_432 = arith.constant 272 : index
        %get3A_433 = tpu.vector_load %arg9[%get3A_431, %get3A_432] {strides = array<i32>} : memref<16x1024xf32, #tpu.memory_space<vmem>>, vector<1x16xf32>,
        %get3A_434 = vector.shape_cast %get3A_433 : vector<1x16xf32> to vector<16xf32>
        %shift_left3A_435 = arith.constant 16 : i32
        %shift_left3A_436 = vector.broadcast %shift_left3A_435 : i32 to vector<16xi32>
        %shift_left3A_437 = arith.shli %get3A_299, %shift_left3A_436 : vector<16xi32>
        %bitcast_convert_type3A_438 = tpu.bitcast %shift_left3A_437 : vector<16xi32> -> vector<16xf32>
        %and3A_439 = arith.constant -65536 : i32
        %and3A_440 = vector.broadcast %and3A_439 : i32 to vector<16xi32>
        %and3A_441 = arith.andi %get3A_299, %and3A_440 : vector<16xi32>
        %bitcast_convert_type3A_442 = tpu.bitcast %and3A_441 : vector<16xi32> -> vector<16xf32>
        %mul3A_443 = arith.constant 3.200000e+01 : f32
        %mul3A_444 = vector.broadcast %mul3A_443 : f32 to vector<16xf32>
        %mul3A_445 = arith.mulf %get3A_303, %mul3A_444 : vector<16xf32>
        %add3A_446 = arith.addf %mul3A_445, %bitcast_convert_type3A_438 : vector<16xf32>
        %swap3A_447 = arith.index_cast %scan3A_263 : i32 to index
        %swap3A_448 = arith.constant 64 : index
        %swap3A_449 = tpu.vector_load %arg11[%swap3A_447, %swap3A_448] {strides = array<i32>} : memref<16x1024xf32, #tpu.memory_space<vmem>>, vector<1x16xf32>,
        %swap3A_450 = vector.shape_cast %swap3A_449 : vector<1x16xf32> to vector<16xf32>
        %swap3A_451 = vector.shape_cast %add3A_446 : vector<16xf32> to vector<1x16xf32>
        tpu.vector_store %arg11[%swap3A_447, %swap3A_448], %swap3A_451 {strides = array<i32>} : memref<16x1024xf32, #tpu.memory_space<vmem>>, vector<1x16xf32>,
        %mul3A_452 = arith.constant 3.200000e+01 : f32
        %mul3A_453 = vector.broadcast %mul3A_452 : f32 to vector<16xf32>
        %mul3A_454 = arith.mulf %get3A_307, %mul3A_453 : vector<16xf32>
        %add3A_455 = arith.addf %mul3A_454, %bitcast_convert_type3A_442 : vector<16xf32>
        %swap3A_456 = arith.index_cast %scan3A_263 : i32 to index
        %swap3A_457 = arith.constant 80 : index
        %swap3A_458 = tpu.vector_load %arg11[%swap3A_456, %swap3A_457] {strides = array<i32>} : memref<16x1024xf32, #tpu.memory_space<vmem>>, vector<1x16xf32>,
        %swap3A_459 = vector.shape_cast %swap3A_458 : vector<1x16xf32> to vector<16xf32>
        %swap3A_460 = vector.shape_cast %add3A_455 : vector<16xf32> to vector<1x16xf32>
        tpu.vector_store %arg11[%swap3A_456, %swap3A_457], %swap3A_460 {strides = array<i32>} : memref<16x1024xf32, #tpu.memory_space<vmem>>, vector<1x16xf32>,
        %add3A_461 = arith.constant 144 : i32
        %add3A_462 = arith.addi %mul3A_269, %add3A_461 : i32
        %get3A_463 = arith.index_cast %add3A_462 : i32 to index
        %get3A_464 = tpu.vector_load %arg7[%get3A_463] {strides = array<i32>} : memref<32768xi32, #tpu.memory_space<vmem>>, vector<16xi32>,
        %get3A_465 = vector.shape_cast %get3A_464 : vector<16xi32> to vector<16xi32>
        %get3A_466 = arith.index_cast %scan3A_263 : i32 to index
        %get3A_467 = arith.constant 288 : index
        %get3A_468 = tpu.vector_load %arg9[%get3A_466, %get3A_467] {strides = array<i32>} : memref<16x1024xf32, #tpu.memory_space<vmem>>, vector<1x16xf32>,
        %get3A_469 = vector.shape_cast %get3A_468 : vector<1x16xf32> to vector<16xf32>
        %get3A_470 = arith.index_cast %scan3A_263 : i32 to index
        %get3A_471 = arith.constant 304 : index
        %get3A_472 = tpu.vector_load %arg9[%get3A_470, %get3A_471] {strides = array<i32>} : memref<16x1024xf32, #tpu.memory_space<vmem>>, vector<1x16xf32>,
        %get3A_473 = vector.shape_cast %get3A_472 : vector<1x16xf32> to vector<16xf32>
        %shift_left3A_474 = arith.constant 16 : i32
        %shift_left3A_475 = vector.broadcast %shift_left3A_474 : i32 to vector<16xi32>
        %shift_left3A_476 = arith.shli %get3A_312, %shift_left3A_475 : vector<16xi32>
        %bitcast_convert_type3A_477 = tpu.bitcast %shift_left3A_476 : vector<16xi32> -> vector<16xf32>
        %and3A_478 = arith.constant -65536 : i32
        %and3A_479 = vector.broadcast %and3A_478 : i32 to vector<16xi32>
        %and3A_480 = arith.andi %get3A_312, %and3A_479 : vector<16xi32>
        %bitcast_convert_type3A_481 = tpu.bitcast %and3A_480 : vector<16xi32> -> vector<16xf32>
        %mul3A_482 = arith.constant 3.200000e+01 : f32
        %mul3A_483 = vector.broadcast %mul3A_482 : f32 to vector<16xf32>
        %mul3A_484 = arith.mulf %get3A_316, %mul3A_483 : vector<16xf32>
        %add3A_485 = arith.addf %mul3A_484, %bitcast_convert_type3A_477 : vector<16xf32>
        %swap3A_486 = arith.index_cast %scan3A_263 : i32 to index
        %swap3A_487 = arith.constant 96 : index
        %swap3A_488 = tpu.vector_load %arg11[%swap3A_486, %swap3A_487] {strides = array<i32>} : memref<16x1024xf32, #tpu.memory_space<vmem>>, vector<1x16xf32>,
        %swap3A_489 = vector.shape_cast %swap3A_488 : vector<1x16xf32> to vector<16xf32>
        %swap3A_490 = vector.shape_cast %add3A_485 : vector<16xf32> to vector<1x16xf32>
        tpu.vector_store %arg11[%swap3A_486, %swap3A_487], %swap3A_490 {strides = array<i32>} : memref<16x1024xf32, #tpu.memory_space<vmem>>, vector<1x16xf32>,
        %mul3A_491 = arith.constant 3.200000e+01 : f32
        %mul3A_492 = vector.broadcast %mul3A_491 : f32 to vector<16xf32>
        %mul3A_493 = arith.mulf %get3A_320, %mul3A_492 : vector<16xf32>
        %add3A_494 = arith.addf %mul3A_493, %bitcast_convert_type3A_481 : vector<16xf32>
        %swap3A_495 = arith.index_cast %scan3A_263 : i32 to index
        %swap3A_496 = arith.constant 112 : index
        %swap3A_497 = tpu.vector_load %arg11[%swap3A_495, %swap3A_496] {strides = array<i32>} : memref<16x1024xf32, #tpu.memory_space<vmem>>, vector<1x16xf32>,
        %swap3A_498 = vector.shape_cast %swap3A_497 : vector<1x16xf32> to vector<16xf32>
        %swap3A_499 = vector.shape_cast %add3A_494 : vector<16xf32> to vector<1x16xf32>
        tpu.vector_store %arg11[%swap3A_495, %swap3A_496], %swap3A_499 {strides = array<i32>} : memref<16x1024xf32, #tpu.memory_space<vmem>>, vector<1x16xf32>,
        %add3A_500 = arith.constant 160 : i32
        %add3A_501 = arith.addi %mul3A_269, %add3A_500 : i32
        %get3A_502 = arith.index_cast %add3A_501 : i32 to index
        %get3A_503 = tpu.vector_load %arg7[%get3A_502] {strides = array<i32>} : memref<32768xi32, #tpu.memory_space<vmem>>, vector<16xi32>,
        %get3A_504 = vector.shape_cast %get3A_503 : vector<16xi32> to vector<16xi32>
        %get3A_505 = arith.index_cast %scan3A_263 : i32 to index
        %get3A_506 = arith.constant 320 : index
        %get3A_507 = tpu.vector_load %arg9[%get3A_505, %get3A_506] {strides = array<i32>} : memref<16x1024xf32, #tpu.memory_space<vmem>>, vector<1x16xf32>,
        %get3A_508 = vector.shape_cast %get3A_507 : vector<1x16xf32> to vector<16xf32>
        %get3A_509 = arith.index_cast %scan3A_263 : i32 to index
        %get3A_510 = arith.constant 336 : index
        %get3A_511 = tpu.vector_load %arg9[%get3A_509, %get3A_510] {strides = array<i32>} : memref<16x1024xf32, #tpu.memory_space<vmem>>, vector<1x16xf32>,
        %get3A_512 = vector.shape_cast %get3A_511 : vector<1x16xf32> to vector<16xf32>
        %shift_left3A_513 = arith.constant 16 : i32
        %shift_left3A_514 = vector.broadcast %shift_left3A_513 : i32 to vector<16xi32>
        %shift_left3A_515 = arith.shli %get3A_325, %shift_left3A_514 : vector<16xi32>
        %bitcast_convert_type3A_516 = tpu.bitcast %shift_left3A_515 : vector<16xi32> -> vector<16xf32>
        %and3A_517 = arith.constant -65536 : i32
        %and3A_518 = vector.broadcast %and3A_517 : i32 to vector<16xi32>
        %and3A_519 = arith.andi %get3A_325, %and3A_518 : vector<16xi32>
        %bitcast_convert_type3A_520 = tpu.bitcast %and3A_519 : vector<16xi32> -> vector<16xf32>
        %mul3A_521 = arith.constant 3.200000e+01 : f32
        %mul3A_522 = vector.broadcast %mul3A_521 : f32 to vector<16xf32>
        %mul3A_523 = arith.mulf %get3A_329, %mul3A_522 : vector<16xf32>
        %add3A_524 = arith.addf %mul3A_523, %bitcast_convert_type3A_516 : vector<16xf32>
        %swap3A_525 = arith.index_cast %scan3A_263 : i32 to index
        %swap3A_526 = arith.constant 128 : index
        %swap3A_527 = tpu.vector_load %arg11[%swap3A_525, %swap3A_526] {strides = array<i32>} : memref<16x1024xf32, #tpu.memory_space<vmem>>, vector<1x16xf32>,
        %swap3A_528 = vector.shape_cast %swap3A_527 : vector<1x16xf32> to vector<16xf32>
        %swap3A_529 = vector.shape_cast %add3A_524 : vector<16xf32> to vector<1x16xf32>
        tpu.vector_store %arg11[%swap3A_525, %swap3A_526], %swap3A_529 {strides = array<i32>} : memref<16x1024xf32, #tpu.memory_space<vmem>>, vector<1x16xf32>,
        %mul3A_530 = arith.constant 3.200000e+01 : f32
        %mul3A_531 = vector.broadcast %mul3A_530 : f32 to vector<16xf32>
        %mul3A_532 = arith.mulf %get3A_333, %mul3A_531 : vector<16xf32>
        %add3A_533 = arith.addf %mul3A_532, %bitcast_convert_type3A_520 : vector<16xf32>
        %swap3A_534 = arith.index_cast %scan3A_263 : i32 to index
        %swap3A_535 = arith.constant 144 : index
        %swap3A_536 = tpu.vector_load %arg11[%swap3A_534, %swap3A_535] {strides = array<i32>} : memref<16x1024xf32, #tpu.memory_space<vmem>>, vector<1x16xf32>,
        %swap3A_537 = vector.shape_cast %swap3A_536 : vector<1x16xf32> to vector<16xf32>
        %swap3A_538 = vector.shape_cast %add3A_533 : vector<16xf32> to vector<1x16xf32>
        tpu.vector_store %arg11[%swap3A_534, %swap3A_535], %swap3A_538 {strides = array<i32>} : memref<16x1024xf32, #tpu.memory_space<vmem>>, vector<1x16xf32>,
        %add3A_539 = arith.constant 176 : i32
        %add3A_540 = arith.addi %mul3A_269, %add3A_539 : i32
        %get3A_541 = arith.index_cast %add3A_540 : i32 to index
        %get3A_542 = tpu.vector_load %arg7[%get3A_541] {strides = array<i32>} : memref<32768xi32, #tpu.memory_space<vmem>>, vector<16xi32>,
        %get3A_543 = vector.shape_cast %get3A_542 : vector<16xi32> to vector<16xi32>
        %get3A_544 = arith.index_cast %scan3A_263 : i32 to index
        %get3A_545 = arith.constant 352 : index
        %get3A_546 = tpu.vector_load %arg9[%get3A_544, %get3A_545] {strides = array<i32>} : memref<16x1024xf32, #tpu.memory_space<vmem>>, vector<1x16xf32>,
        %get3A_547 = vector.shape_cast %get3A_546 : vector<1x16xf32> to vector<16xf32>
        %get3A_548 = arith.index_cast %scan3A_263 : i32 to index
        %get3A_549 = arith.constant 368 : index
        %get3A_550 = tpu.vector_load %arg9[%get3A_548, %get3A_549] {strides = array<i32>} : memref<16x1024xf32, #tpu.memory_space<vmem>>, vector<1x16xf32>,
        %get3A_551 = vector.shape_cast %get3A_550 : vector<1x16xf32> to vector<16xf32>
        %shift_left3A_552 = arith.constant 16 : i32
        %shift_left3A_553 = vector.broadcast %shift_left3A_552 : i32 to vector<16xi32>
        %shift_left3A_554 = arith.shli %get3A_338, %shift_left3A_553 : vector<16xi32>
        %bitcast_convert_type3A_555 = tpu.bitcast %shift_left3A_554 : vector<16xi32> -> vector<16xf32>
        %and3A_556 = arith.constant -65536 : i32
        %and3A_557 = vector.broadcast %and3A_556 : i32 to vector<16xi32>
        %and3A_558 = arith.andi %get3A_338, %and3A_557 : vector<16xi32>
        %bitcast_convert_type3A_559 = tpu.bitcast %and3A_558 : vector<16xi32> -> vector<16xf32>
        %mul3A_560 = arith.constant 3.200000e+01 : f32
        %mul3A_561 = vector.broadcast %mul3A_560 : f32 to vector<16xf32>
        %mul3A_562 = arith.mulf %get3A_342, %mul3A_561 : vector<16xf32>
        %add3A_563 = arith.addf %mul3A_562, %bitcast_convert_type3A_555 : vector<16xf32>
        %swap3A_564 = arith.index_cast %scan3A_263 : i32 to index
        %swap3A_565 = arith.constant 160 : index
        %swap3A_566 = tpu.vector_load %arg11[%swap3A_564, %swap3A_565] {strides = array<i32>} : memref<16x1024xf32, #tpu.memory_space<vmem>>, vector<1x16xf32>,
        %swap3A_567 = vector.shape_cast %swap3A_566 : vector<1x16xf32> to vector<16xf32>
        %swap3A_568 = vector.shape_cast %add3A_563 : vector<16xf32> to vector<1x16xf32>
        tpu.vector_store %arg11[%swap3A_564, %swap3A_565], %swap3A_568 {strides = array<i32>} : memref<16x1024xf32, #tpu.memory_space<vmem>>, vector<1x16xf32>,
        %mul3A_569 = arith.constant 3.200000e+01 : f32
        %mul3A_570 = vector.broadcast %mul3A_569 : f32 to vector<16xf32>
        %mul3A_571 = arith.mulf %get3A_346, %mul3A_570 : vector<16xf32>
        %add3A_572 = arith.addf %mul3A_571, %bitcast_convert_type3A_559 : vector<16xf32>
        %swap3A_573 = arith.index_cast %scan3A_263 : i32 to index
        %swap3A_574 = arith.constant 176 : index
        %swap3A_575 = tpu.vector_load %arg11[%swap3A_573, %swap3A_574] {strides = array<i32>} : memref<16x1024xf32, #tpu.memory_space<vmem>>, vector<1x16xf32>,
        %swap3A_576 = vector.shape_cast %swap3A_575 : vector<1x16xf32> to vector<16xf32>
        %swap3A_577 = vector.shape_cast %add3A_572 : vector<16xf32> to vector<1x16xf32>
        tpu.vector_store %arg11[%swap3A_573, %swap3A_574], %swap3A_577 {strides = array<i32>} : memref<16x1024xf32, #tpu.memory_space<vmem>>, vector<1x16xf32>,
        %add3A_578 = arith.constant 192 : i32
        %add3A_579 = arith.addi %mul3A_269, %add3A_578 : i32
        %get3A_580 = arith.index_cast %add3A_579 : i32 to index
        %get3A_581 = tpu.vector_load %arg7[%get3A_580] {strides = array<i32>} : memref<32768xi32, #tpu.memory_space<vmem>>, vector<16xi32>,
        %get3A_582 = vector.shape_cast %get3A_581 : vector<16xi32> to vector<16xi32>
        %get3A_583 = arith.index_cast %scan3A_263 : i32 to index
        %get3A_584 = arith.constant 384 : index
        %get3A_585 = tpu.vector_load %arg9[%get3A_583, %get3A_584] {strides = array<i32>} : memref<16x1024xf32, #tpu.memory_space<vmem>>, vector<1x16xf32>,
        %get3A_586 = vector.shape_cast %get3A_585 : vector<1x16xf32> to vector<16xf32>
        %get3A_587 = arith.index_cast %scan3A_263 : i32 to index
        %get3A_588 = arith.constant 400 : index
        %get3A_589 = tpu.vector_load %arg9[%get3A_587, %get3A_588] {strides = array<i32>} : memref<16x1024xf32, #tpu.memory_space<vmem>>, vector<1x16xf32>,
        %get3A_590 = vector.shape_cast %get3A_589 : vector<1x16xf32> to vector<16xf32>
        %shift_left3A_591 = arith.constant 16 : i32
        %shift_left3A_592 = vector.broadcast %shift_left3A_591 : i32 to vector<16xi32>
        %shift_left3A_593 = arith.shli %get3A_351, %shift_left3A_592 : vector<16xi32>
        %bitcast_convert_type3A_594 = tpu.bitcast %shift_left3A_593 : vector<16xi32> -> vector<16xf32>
        %and3A_595 = arith.constant -65536 : i32
        %and3A_596 = vector.broadcast %and3A_595 : i32 to vector<16xi32>
        %and3A_597 = arith.andi %get3A_351, %and3A_596 : vector<16xi32>
        %bitcast_convert_type3A_598 = tpu.bitcast %and3A_597 : vector<16xi32> -> vector<16xf32>
        %mul3A_599 = arith.constant 3.200000e+01 : f32
        %mul3A_600 = vector.broadcast %mul3A_599 : f32 to vector<16xf32>
        %mul3A_601 = arith.mulf %get3A_355, %mul3A_600 : vector<16xf32>
        %add3A_602 = arith.addf %mul3A_601, %bitcast_convert_type3A_594 : vector<16xf32>
        %swap3A_603 = arith.index_cast %scan3A_263 : i32 to index
        %swap3A_604 = arith.constant 192 : index
        %swap3A_605 = tpu.vector_load %arg11[%swap3A_603, %swap3A_604] {strides = array<i32>} : memref<16x1024xf32, #tpu.memory_space<vmem>>, vector<1x16xf32>,
        %swap3A_606 = vector.shape_cast %swap3A_605 : vector<1x16xf32> to vector<16xf32>
        %swap3A_607 = vector.shape_cast %add3A_602 : vector<16xf32> to vector<1x16xf32>
        tpu.vector_store %arg11[%swap3A_603, %swap3A_604], %swap3A_607 {strides = array<i32>} : memref<16x1024xf32, #tpu.memory_space<vmem>>, vector<1x16xf32>,
        %mul3A_608 = arith.constant 3.200000e+01 : f32
        %mul3A_609 = vector.broadcast %mul3A_608 : f32 to vector<16xf32>
        %mul3A_610 = arith.mulf %get3A_359, %mul3A_609 : vector<16xf32>
        %add3A_611 = arith.addf %mul3A_610, %bitcast_convert_type3A_598 : vector<16xf32>
        %swap3A_612 = arith.index_cast %scan3A_263 : i32 to index
        %swap3A_613 = arith.constant 208 : index
        %swap3A_614 = tpu.vector_load %arg11[%swap3A_612, %swap3A_613] {strides = array<i32>} : memref<16x1024xf32, #tpu.memory_space<vmem>>, vector<1x16xf32>,
        %swap3A_615 = vector.shape_cast %swap3A_614 : vector<1x16xf32> to vector<16xf32>
        %swap3A_616 = vector.shape_cast %add3A_611 : vector<16xf32> to vector<1x16xf32>
        tpu.vector_store %arg11[%swap3A_612, %swap3A_613], %swap3A_616 {strides = array<i32>} : memref<16x1024xf32, #tpu.memory_space<vmem>>, vector<1x16xf32>,
        %add3A_617 = arith.constant 208 : i32
        %add3A_618 = arith.addi %mul3A_269, %add3A_617 : i32
        %get3A_619 = arith.index_cast %add3A_618 : i32 to index
        %get3A_620 = tpu.vector_load %arg7[%get3A_619] {strides = array<i32>} : memref<32768xi32, #tpu.memory_space<vmem>>, vector<16xi32>,
        %get3A_621 = vector.shape_cast %get3A_620 : vector<16xi32> to vector<16xi32>
        %get3A_622 = arith.index_cast %scan3A_263 : i32 to index
        %get3A_623 = arith.constant 416 : index
        %get3A_624 = tpu.vector_load %arg9[%get3A_622, %get3A_623] {strides = array<i32>} : memref<16x1024xf32, #tpu.memory_space<vmem>>, vector<1x16xf32>,
        %get3A_625 = vector.shape_cast %get3A_624 : vector<1x16xf32> to vector<16xf32>
        %get3A_626 = arith.index_cast %scan3A_263 : i32 to index
        %get3A_627 = arith.constant 432 : index
        %get3A_628 = tpu.vector_load %arg9[%get3A_626, %get3A_627] {strides = array<i32>} : memref<16x1024xf32, #tpu.memory_space<vmem>>, vector<1x16xf32>,
        %get3A_629 = vector.shape_cast %get3A_628 : vector<1x16xf32> to vector<16xf32>
        %shift_left3A_630 = arith.constant 16 : i32
        %shift_left3A_631 = vector.broadcast %shift_left3A_630 : i32 to vector<16xi32>
        %shift_left3A_632 = arith.shli %get3A_387, %shift_left3A_631 : vector<16xi32>
        %bitcast_convert_type3A_633 = tpu.bitcast %shift_left3A_632 : vector<16xi32> -> vector<16xf32>
        %and3A_634 = arith.constant -65536 : i32
        %and3A_635 = vector.broadcast %and3A_634 : i32 to vector<16xi32>
        %and3A_636 = arith.andi %get3A_387, %and3A_635 : vector<16xi32>
        %bitcast_convert_type3A_637 = tpu.bitcast %and3A_636 : vector<16xi32> -> vector<16xf32>
        %mul3A_638 = arith.constant 3.200000e+01 : f32
        %mul3A_639 = vector.broadcast %mul3A_638 : f32 to vector<16xf32>
        %mul3A_640 = arith.mulf %get3A_391, %mul3A_639 : vector<16xf32>
        %add3A_641 = arith.addf %mul3A_640, %bitcast_convert_type3A_633 : vector<16xf32>
        %swap3A_642 = arith.index_cast %scan3A_263 : i32 to index
        %swap3A_643 = arith.constant 224 : index
        %swap3A_644 = tpu.vector_load %arg11[%swap3A_642, %swap3A_643] {strides = array<i32>} : memref<16x1024xf32, #tpu.memory_space<vmem>>, vector<1x16xf32>,
        %swap3A_645 = vector.shape_cast %swap3A_644 : vector<1x16xf32> to vector<16xf32>
        %swap3A_646 = vector.shape_cast %add3A_641 : vector<16xf32> to vector<1x16xf32>
        tpu.vector_store %arg11[%swap3A_642, %swap3A_643], %swap3A_646 {strides = array<i32>} : memref<16x1024xf32, #tpu.memory_space<vmem>>, vector<1x16xf32>,
        %mul3A_647 = arith.constant 3.200000e+01 : f32
        %mul3A_648 = vector.broadcast %mul3A_647 : f32 to vector<16xf32>
        %mul3A_649 = arith.mulf %get3A_395, %mul3A_648 : vector<16xf32>
        %add3A_650 = arith.addf %mul3A_649, %bitcast_convert_type3A_637 : vector<16xf32>
        %swap3A_651 = arith.index_cast %scan3A_263 : i32 to index
        %swap3A_652 = arith.constant 240 : index
        %swap3A_653 = tpu.vector_load %arg11[%swap3A_651, %swap3A_652] {strides = array<i32>} : memref<16x1024xf32, #tpu.memory_space<vmem>>, vector<1x16xf32>,
        %swap3A_654 = vector.shape_cast %swap3A_653 : vector<1x16xf32> to vector<16xf32>
        %swap3A_655 = vector.shape_cast %add3A_650 : vector<16xf32> to vector<1x16xf32>
        tpu.vector_store %arg11[%swap3A_651, %swap3A_652], %swap3A_655 {strides = array<i32>} : memref<16x1024xf32, #tpu.memory_space<vmem>>, vector<1x16xf32>,
        %add3A_656 = arith.constant 224 : i32
        %add3A_657 = arith.addi %mul3A_269, %add3A_656 : i32
        %get3A_658 = arith.index_cast %add3A_657 : i32 to index
        %get3A_659 = tpu.vector_load %arg7[%get3A_658] {strides = array<i32>} : memref<32768xi32, #tpu.memory_space<vmem>>, vector<16xi32>,
        %get3A_660 = vector.shape_cast %get3A_659 : vector<16xi32> to vector<16xi32>
        %get3A_661 = arith.index_cast %scan3A_263 : i32 to index
        %get3A_662 = arith.constant 448 : index
        %get3A_663 = tpu.vector_load %arg9[%get3A_661, %get3A_662] {strides = array<i32>} : memref<16x1024xf32, #tpu.memory_space<vmem>>, vector<1x16xf32>,
        %get3A_664 = vector.shape_cast %get3A_663 : vector<1x16xf32> to vector<16xf32>
        %get3A_665 = arith.index_cast %scan3A_263 : i32 to index
        %get3A_666 = arith.constant 464 : index
        %get3A_667 = tpu.vector_load %arg9[%get3A_665, %get3A_666] {strides = array<i32>} : memref<16x1024xf32, #tpu.memory_space<vmem>>, vector<1x16xf32>,
        %get3A_668 = vector.shape_cast %get3A_667 : vector<1x16xf32> to vector<16xf32>
        %shift_left3A_669 = arith.constant 16 : i32
        %shift_left3A_670 = vector.broadcast %shift_left3A_669 : i32 to vector<16xi32>
        %shift_left3A_671 = arith.shli %get3A_426, %shift_left3A_670 : vector<16xi32>
        %bitcast_convert_type3A_672 = tpu.bitcast %shift_left3A_671 : vector<16xi32> -> vector<16xf32>
        %and3A_673 = arith.constant -65536 : i32
        %and3A_674 = vector.broadcast %and3A_673 : i32 to vector<16xi32>
        %and3A_675 = arith.andi %get3A_426, %and3A_674 : vector<16xi32>
        %bitcast_convert_type3A_676 = tpu.bitcast %and3A_675 : vector<16xi32> -> vector<16xf32>
        %mul3A_677 = arith.constant 3.200000e+01 : f32
        %mul3A_678 = vector.broadcast %mul3A_677 : f32 to vector<16xf32>
        %mul3A_679 = arith.mulf %get3A_430, %mul3A_678 : vector<16xf32>
        %add3A_680 = arith.addf %mul3A_679, %bitcast_convert_type3A_672 : vector<16xf32>
        %swap3A_681 = arith.index_cast %scan3A_263 : i32 to index
        %swap3A_682 = arith.constant 256 : index
        %swap3A_683 = tpu.vector_load %arg11[%swap3A_681, %swap3A_682] {strides = array<i32>} : memref<16x1024xf32, #tpu.memory_space<vmem>>, vector<1x16xf32>,
        %swap3A_684 = vector.shape_cast %swap3A_683 : vector<1x16xf32> to vector<16xf32>
        %swap3A_685 = vector.shape_cast %add3A_680 : vector<16xf32> to vector<1x16xf32>
        tpu.vector_store %arg11[%swap3A_681, %swap3A_682], %swap3A_685 {strides = array<i32>} : memref<16x1024xf32, #tpu.memory_space<vmem>>, vector<1x16xf32>,
        %mul3A_686 = arith.constant 3.200000e+01 : f32
        %mul3A_687 = vector.broadcast %mul3A_686 : f32 to vector<16xf32>
        %mul3A_688 = arith.mulf %get3A_434, %mul3A_687 : vector<16xf32>
        %add3A_689 = arith.addf %mul3A_688, %bitcast_convert_type3A_676 : vector<16xf32>
        %swap3A_690 = arith.index_cast %scan3A_263 : i32 to index
        %swap3A_691 = arith.constant 272 : index
        %swap3A_692 = tpu.vector_load %arg11[%swap3A_690, %swap3A_691] {strides = array<i32>} : memref<16x1024xf32, #tpu.memory_space<vmem>>, vector<1x16xf32>,
        %swap3A_693 = vector.shape_cast %swap3A_692 : vector<1x16xf32> to vector<16xf32>
        %swap3A_694 = vector.shape_cast %add3A_689 : vector<16xf32> to vector<1x16xf32>
        tpu.vector_store %arg11[%swap3A_690, %swap3A_691], %swap3A_694 {strides = array<i32>} : memref<16x1024xf32, #tpu.memory_space<vmem>>, vector<1x16xf32>,
        %add3A_695 = arith.constant 240 : i32
        %add3A_696 = arith.addi %mul3A_269, %add3A_695 : i32
        %get3A_697 = arith.index_cast %add3A_696 : i32 to index
        %get3A_698 = tpu.vector_load %arg7[%get3A_697] {strides = array<i32>} : memref<32768xi32, #tpu.memory_space<vmem>>, vector<16xi32>,
        %get3A_699 = vector.shape_cast %get3A_698 : vector<16xi32> to vector<16xi32>
        %get3A_700 = arith.index_cast %scan3A_263 : i32 to index
        %get3A_701 = arith.constant 480 : index
        %get3A_702 = tpu.vector_load %arg9[%get3A_700, %get3A_701] {strides = array<i32>} : memref<16x1024xf32, #tpu.memory_space<vmem>>, vector<1x16xf32>,
        %get3A_703 = vector.shape_cast %get3A_702 : vector<1x16xf32> to vector<16xf32>
        %get3A_704 = arith.index_cast %scan3A_263 : i32 to index
        %get3A_705 = arith.constant 496 : index
        %get3A_706 = tpu.vector_load %arg9[%get3A_704, %get3A_705] {strides = array<i32>} : memref<16x1024xf32, #tpu.memory_space<vmem>>, vector<1x16xf32>,
        %get3A_707 = vector.shape_cast %get3A_706 : vector<1x16xf32> to vector<16xf32>
        %shift_left3A_708 = arith.constant 16 : i32
        %shift_left3A_709 = vector.broadcast %shift_left3A_708 : i32 to vector<16xi32>
        %shift_left3A_710 = arith.shli %get3A_465, %shift_left3A_709 : vector<16xi32>
        %bitcast_convert_type3A_711 = tpu.bitcast %shift_left3A_710 : vector<16xi32> -> vector<16xf32>
        %and3A_712 = arith.constant -65536 : i32
        %and3A_713 = vector.broadcast %and3A_712 : i32 to vector<16xi32>
        %and3A_714 = arith.andi %get3A_465, %and3A_713 : vector<16xi32>
        %bitcast_convert_type3A_715 = tpu.bitcast %and3A_714 : vector<16xi32> -> vector<16xf32>
        %mul3A_716 = arith.constant 3.200000e+01 : f32
        %mul3A_717 = vector.broadcast %mul3A_716 : f32 to vector<16xf32>
        %mul3A_718 = arith.mulf %get3A_469, %mul3A_717 : vector<16xf32>
        %add3A_719 = arith.addf %mul3A_718, %bitcast_convert_type3A_711 : vector<16xf32>
        %swap3A_720 = arith.index_cast %scan3A_263 : i32 to index
        %swap3A_721 = arith.constant 288 : index
        %swap3A_722 = tpu.vector_load %arg11[%swap3A_720, %swap3A_721] {strides = array<i32>} : memref<16x1024xf32, #tpu.memory_space<vmem>>, vector<1x16xf32>,
        %swap3A_723 = vector.shape_cast %swap3A_722 : vector<1x16xf32> to vector<16xf32>
        %swap3A_724 = vector.shape_cast %add3A_719 : vector<16xf32> to vector<1x16xf32>
        tpu.vector_store %arg11[%swap3A_720, %swap3A_721], %swap3A_724 {strides = array<i32>} : memref<16x1024xf32, #tpu.memory_space<vmem>>, vector<1x16xf32>,
        %mul3A_725 = arith.constant 3.200000e+01 : f32
        %mul3A_726 = vector.broadcast %mul3A_725 : f32 to vector<16xf32>
        %mul3A_727 = arith.mulf %get3A_473, %mul3A_726 : vector<16xf32>
        %add3A_728 = arith.addf %mul3A_727, %bitcast_convert_type3A_715 : vector<16xf32>
        %swap3A_729 = arith.index_cast %scan3A_263 : i32 to index
        %swap3A_730 = arith.constant 304 : index
        %swap3A_731 = tpu.vector_load %arg11[%swap3A_729, %swap3A_730] {strides = array<i32>} : memref<16x1024xf32, #tpu.memory_space<vmem>>, vector<1x16xf32>,
        %swap3A_732 = vector.shape_cast %swap3A_731 : vector<1x16xf32> to vector<16xf32>
        %swap3A_733 = vector.shape_cast %add3A_728 : vector<16xf32> to vector<1x16xf32>
        tpu.vector_store %arg11[%swap3A_729, %swap3A_730], %swap3A_733 {strides = array<i32>} : memref<16x1024xf32, #tpu.memory_space<vmem>>, vector<1x16xf32>,
        %add3A_734 = arith.constant 256 : i32
        %add3A_735 = arith.addi %mul3A_269, %add3A_734 : i32
        %get3A_736 = arith.index_cast %add3A_735 : i32 to index
        %get3A_737 = tpu.vector_load %arg7[%get3A_736] {strides = array<i32>} : memref<32768xi32, #tpu.memory_space<vmem>>, vector<16xi32>,
        %get3A_738 = vector.shape_cast %get3A_737 : vector<16xi32> to vector<16xi32>
        %get3A_739 = arith.index_cast %scan3A_263 : i32 to index
        %get3A_740 = arith.constant 512 : index
        %get3A_741 = tpu.vector_load %arg9[%get3A_739, %get3A_740] {strides = array<i32>} : memref<16x1024xf32, #tpu.memory_space<vmem>>, vector<1x16xf32>,
        %get3A_742 = vector.shape_cast %get3A_741 : vector<1x16xf32> to vector<16xf32>
        %get3A_743 = arith.index_cast %scan3A_263 : i32 to index
        %get3A_744 = arith.constant 528 : index
        %get3A_745 = tpu.vector_load %arg9[%get3A_743, %get3A_744] {strides = array<i32>} : memref<16x1024xf32, #tpu.memory_space<vmem>>, vector<1x16xf32>,
        %get3A_746 = vector.shape_cast %get3A_745 : vector<1x16xf32> to vector<16xf32>
        %shift_left3A_747 = arith.constant 16 : i32
        %shift_left3A_748 = vector.broadcast %shift_left3A_747 : i32 to vector<16xi32>
        %shift_left3A_749 = arith.shli %get3A_504, %shift_left3A_748 : vector<16xi32>
        %bitcast_convert_type3A_750 = tpu.bitcast %shift_left3A_749 : vector<16xi32> -> vector<16xf32>
        %and3A_751 = arith.constant -65536 : i32
        %and3A_752 = vector.broadcast %and3A_751 : i32 to vector<16xi32>
        %and3A_753 = arith.andi %get3A_504, %and3A_752 : vector<16xi32>
        %bitcast_convert_type3A_754 = tpu.bitcast %and3A_753 : vector<16xi32> -> vector<16xf32>
        %mul3A_755 = arith.constant 3.200000e+01 : f32
        %mul3A_756 = vector.broadcast %mul3A_755 : f32 to vector<16xf32>
        %mul3A_757 = arith.mulf %get3A_508, %mul3A_756 : vector<16xf32>
        %add3A_758 = arith.addf %mul3A_757, %bitcast_convert_type3A_750 : vector<16xf32>
        %swap3A_759 = arith.index_cast %scan3A_263 : i32 to index
        %swap3A_760 = arith.constant 320 : index
        %swap3A_761 = tpu.vector_load %arg11[%swap3A_759, %swap3A_760] {strides = array<i32>} : memref<16x1024xf32, #tpu.memory_space<vmem>>, vector<1x16xf32>,
        %swap3A_762 = vector.shape_cast %swap3A_761 : vector<1x16xf32> to vector<16xf32>
        %swap3A_763 = vector.shape_cast %add3A_758 : vector<16xf32> to vector<1x16xf32>
        tpu.vector_store %arg11[%swap3A_759, %swap3A_760], %swap3A_763 {strides = array<i32>} : memref<16x1024xf32, #tpu.memory_space<vmem>>, vector<1x16xf32>,
        %mul3A_764 = arith.constant 3.200000e+01 : f32
        %mul3A_765 = vector.broadcast %mul3A_764 : f32 to vector<16xf32>
        %mul3A_766 = arith.mulf %get3A_512, %mul3A_765 : vector<16xf32>
        %add3A_767 = arith.addf %mul3A_766, %bitcast_convert_type3A_754 : vector<16xf32>
        %swap3A_768 = arith.index_cast %scan3A_263 : i32 to index
        %swap3A_769 = arith.constant 336 : index
        %swap3A_770 = tpu.vector_load %arg11[%swap3A_768, %swap3A_769] {strides = array<i32>} : memref<16x1024xf32, #tpu.memory_space<vmem>>, vector<1x16xf32>,
        %swap3A_771 = vector.shape_cast %swap3A_770 : vector<1x16xf32> to vector<16xf32>
        %swap3A_772 = vector.shape_cast %add3A_767 : vector<16xf32> to vector<1x16xf32>
        tpu.vector_store %arg11[%swap3A_768, %swap3A_769], %swap3A_772 {strides = array<i32>} : memref<16x1024xf32, #tpu.memory_space<vmem>>, vector<1x16xf32>,
        %add3A_773 = arith.constant 272 : i32
        %add3A_774 = arith.addi %mul3A_269, %add3A_773 : i32
        %get3A_775 = arith.index_cast %add3A_774 : i32 to index
        %get3A_776 = tpu.vector_load %arg7[%get3A_775] {strides = array<i32>} : memref<32768xi32, #tpu.memory_space<vmem>>, vector<16xi32>,
        %get3A_777 = vector.shape_cast %get3A_776 : vector<16xi32> to vector<16xi32>
        %get3A_778 = arith.index_cast %scan3A_263 : i32 to index
        %get3A_779 = arith.constant 544 : index
        %get3A_780 = tpu.vector_load %arg9[%get3A_778, %get3A_779] {strides = array<i32>} : memref<16x1024xf32, #tpu.memory_space<vmem>>, vector<1x16xf32>,
        %get3A_781 = vector.shape_cast %get3A_780 : vector<1x16xf32> to vector<16xf32>
        %get3A_782 = arith.index_cast %scan3A_263 : i32 to index
        %get3A_783 = arith.constant 560 : index
        %get3A_784 = tpu.vector_load %arg9[%get3A_782, %get3A_783] {strides = array<i32>} : memref<16x1024xf32, #tpu.memory_space<vmem>>, vector<1x16xf32>,
        %get3A_785 = vector.shape_cast %get3A_784 : vector<1x16xf32> to vector<16xf32>
        %shift_left3A_786 = arith.constant 16 : i32
        %shift_left3A_787 = vector.broadcast %shift_left3A_786 : i32 to vector<16xi32>
        %shift_left3A_788 = arith.shli %get3A_543, %shift_left3A_787 : vector<16xi32>
        %bitcast_convert_type3A_789 = tpu.bitcast %shift_left3A_788 : vector<16xi32> -> vector<16xf32>
        %and3A_790 = arith.constant -65536 : i32
        %and3A_791 = vector.broadcast %and3A_790 : i32 to vector<16xi32>
        %and3A_792 = arith.andi %get3A_543, %and3A_791 : vector<16xi32>
        %bitcast_convert_type3A_793 = tpu.bitcast %and3A_792 : vector<16xi32> -> vector<16xf32>
        %mul3A_794 = arith.constant 3.200000e+01 : f32
        %mul3A_795 = vector.broadcast %mul3A_794 : f32 to vector<16xf32>
        %mul3A_796 = arith.mulf %get3A_547, %mul3A_795 : vector<16xf32>
        %add3A_797 = arith.addf %mul3A_796, %bitcast_convert_type3A_789 : vector<16xf32>
        %swap3A_798 = arith.index_cast %scan3A_263 : i32 to index
        %swap3A_799 = arith.constant 352 : index
        %swap3A_800 = tpu.vector_load %arg11[%swap3A_798, %swap3A_799] {strides = array<i32>} : memref<16x1024xf32, #tpu.memory_space<vmem>>, vector<1x16xf32>,
        %swap3A_801 = vector.shape_cast %swap3A_800 : vector<1x16xf32> to vector<16xf32>
        %swap3A_802 = vector.shape_cast %add3A_797 : vector<16xf32> to vector<1x16xf32>
        tpu.vector_store %arg11[%swap3A_798, %swap3A_799], %swap3A_802 {strides = array<i32>} : memref<16x1024xf32, #tpu.memory_space<vmem>>, vector<1x16xf32>,
        %mul3A_803 = arith.constant 3.200000e+01 : f32
        %mul3A_804 = vector.broadcast %mul3A_803 : f32 to vector<16xf32>
        %mul3A_805 = arith.mulf %get3A_551, %mul3A_804 : vector<16xf32>
        %add3A_806 = arith.addf %mul3A_805, %bitcast_convert_type3A_793 : vector<16xf32>
        %swap3A_807 = arith.index_cast %scan3A_263 : i32 to index
        %swap3A_808 = arith.constant 368 : index
        %swap3A_809 = tpu.vector_load %arg11[%swap3A_807, %swap3A_808] {strides = array<i32>} : memref<16x1024xf32, #tpu.memory_space<vmem>>, vector<1x16xf32>,
        %swap3A_810 = vector.shape_cast %swap3A_809 : vector<1x16xf32> to vector<16xf32>
        %swap3A_811 = vector.shape_cast %add3A_806 : vector<16xf32> to vector<1x16xf32>
        tpu.vector_store %arg11[%swap3A_807, %swap3A_808], %swap3A_811 {strides = array<i32>} : memref<16x1024xf32, #tpu.memory_space<vmem>>, vector<1x16xf32>,
        %add3A_812 = arith.constant 288 : i32
        %add3A_813 = arith.addi %mul3A_269, %add3A_812 : i32
        %get3A_814 = arith.index_cast %add3A_813 : i32 to index
        %get3A_815 = tpu.vector_load %arg7[%get3A_814] {strides = array<i32>} : memref<32768xi32, #tpu.memory_space<vmem>>, vector<16xi32>,
        %get3A_816 = vector.shape_cast %get3A_815 : vector<16xi32> to vector<16xi32>
        %get3A_817 = arith.index_cast %scan3A_263 : i32 to index
        %get3A_818 = arith.constant 576 : index
        %get3A_819 = tpu.vector_load %arg9[%get3A_817, %get3A_818] {strides = array<i32>} : memref<16x1024xf32, #tpu.memory_space<vmem>>, vector<1x16xf32>,
        %get3A_820 = vector.shape_cast %get3A_819 : vector<1x16xf32> to vector<16xf32>
        %get3A_821 = arith.index_cast %scan3A_263 : i32 to index
        %get3A_822 = arith.constant 592 : index
        %get3A_823 = tpu.vector_load %arg9[%get3A_821, %get3A_822] {strides = array<i32>} : memref<16x1024xf32, #tpu.memory_space<vmem>>, vector<1x16xf32>,
        %get3A_824 = vector.shape_cast %get3A_823 : vector<1x16xf32> to vector<16xf32>
        %shift_left3A_825 = arith.constant 16 : i32
        %shift_left3A_826 = vector.broadcast %shift_left3A_825 : i32 to vector<16xi32>
        %shift_left3A_827 = arith.shli %get3A_582, %shift_left3A_826 : vector<16xi32>
        %bitcast_convert_type3A_828 = tpu.bitcast %shift_left3A_827 : vector<16xi32> -> vector<16xf32>
        %and3A_829 = arith.constant -65536 : i32
        %and3A_830 = vector.broadcast %and3A_829 : i32 to vector<16xi32>
        %and3A_831 = arith.andi %get3A_582, %and3A_830 : vector<16xi32>
        %bitcast_convert_type3A_832 = tpu.bitcast %and3A_831 : vector<16xi32> -> vector<16xf32>
        %mul3A_833 = arith.constant 3.200000e+01 : f32
        %mul3A_834 = vector.broadcast %mul3A_833 : f32 to vector<16xf32>
        %mul3A_835 = arith.mulf %get3A_586, %mul3A_834 : vector<16xf32>
        %add3A_836 = arith.addf %mul3A_835, %bitcast_convert_type3A_828 : vector<16xf32>
        %swap3A_837 = arith.index_cast %scan3A_263 : i32 to index
        %swap3A_838 = arith.constant 384 : index
        %swap3A_839 = tpu.vector_load %arg11[%swap3A_837, %swap3A_838] {strides = array<i32>} : memref<16x1024xf32, #tpu.memory_space<vmem>>, vector<1x16xf32>,
        %swap3A_840 = vector.shape_cast %swap3A_839 : vector<1x16xf32> to vector<16xf32>
        %swap3A_841 = vector.shape_cast %add3A_836 : vector<16xf32> to vector<1x16xf32>
        tpu.vector_store %arg11[%swap3A_837, %swap3A_838], %swap3A_841 {strides = array<i32>} : memref<16x1024xf32, #tpu.memory_space<vmem>>, vector<1x16xf32>,
        %mul3A_842 = arith.constant 3.200000e+01 : f32
        %mul3A_843 = vector.broadcast %mul3A_842 : f32 to vector<16xf32>
        %mul3A_844 = arith.mulf %get3A_590, %mul3A_843 : vector<16xf32>
        %add3A_845 = arith.addf %mul3A_844, %bitcast_convert_type3A_832 : vector<16xf32>
        %swap3A_846 = arith.index_cast %scan3A_263 : i32 to index
        %swap3A_847 = arith.constant 400 : index
        %swap3A_848 = tpu.vector_load %arg11[%swap3A_846, %swap3A_847] {strides = array<i32>} : memref<16x1024xf32, #tpu.memory_space<vmem>>, vector<1x16xf32>,
        %swap3A_849 = vector.shape_cast %swap3A_848 : vector<1x16xf32> to vector<16xf32>
        %swap3A_850 = vector.shape_cast %add3A_845 : vector<16xf32> to vector<1x16xf32>
        tpu.vector_store %arg11[%swap3A_846, %swap3A_847], %swap3A_850 {strides = array<i32>} : memref<16x1024xf32, #tpu.memory_space<vmem>>, vector<1x16xf32>,
        %add3A_851 = arith.constant 304 : i32
        %add3A_852 = arith.addi %mul3A_269, %add3A_851 : i32
        %get3A_853 = arith.index_cast %add3A_852 : i32 to index
        %get3A_854 = tpu.vector_load %arg7[%get3A_853] {strides = array<i32>} : memref<32768xi32, #tpu.memory_space<vmem>>, vector<16xi32>,
        %get3A_855 = vector.shape_cast %get3A_854 : vector<16xi32> to vector<16xi32>
        %get3A_856 = arith.index_cast %scan3A_263 : i32 to index
        %get3A_857 = arith.constant 608 : index
        %get3A_858 = tpu.vector_load %arg9[%get3A_856, %get3A_857] {strides = array<i32>} : memref<16x1024xf32, #tpu.memory_space<vmem>>, vector<1x16xf32>,
        %get3A_859 = vector.shape_cast %get3A_858 : vector<1x16xf32> to vector<16xf32>
        %get3A_860 = arith.index_cast %scan3A_263 : i32 to index
        %get3A_861 = arith.constant 624 : index
        %get3A_862 = tpu.vector_load %arg9[%get3A_860, %get3A_861] {strides = array<i32>} : memref<16x1024xf32, #tpu.memory_space<vmem>>, vector<1x16xf32>,
        %get3A_863 = vector.shape_cast %get3A_862 : vector<1x16xf32> to vector<16xf32>
        %shift_left3A_864 = arith.constant 16 : i32
        %shift_left3A_865 = vector.broadcast %shift_left3A_864 : i32 to vector<16xi32>
        %shift_left3A_866 = arith.shli %get3A_621, %shift_left3A_865 : vector<16xi32>
        %bitcast_convert_type3A_867 = tpu.bitcast %shift_left3A_866 : vector<16xi32> -> vector<16xf32>
        %and3A_868 = arith.constant -65536 : i32
        %and3A_869 = vector.broadcast %and3A_868 : i32 to vector<16xi32>
        %and3A_870 = arith.andi %get3A_621, %and3A_869 : vector<16xi32>
        %bitcast_convert_type3A_871 = tpu.bitcast %and3A_870 : vector<16xi32> -> vector<16xf32>
        %mul3A_872 = arith.constant 3.200000e+01 : f32
        %mul3A_873 = vector.broadcast %mul3A_872 : f32 to vector<16xf32>
        %mul3A_874 = arith.mulf %get3A_625, %mul3A_873 : vector<16xf32>
        %add3A_875 = arith.addf %mul3A_874, %bitcast_convert_type3A_867 : vector<16xf32>
        %swap3A_876 = arith.index_cast %scan3A_263 : i32 to index
        %swap3A_877 = arith.constant 416 : index
        %swap3A_878 = tpu.vector_load %arg11[%swap3A_876, %swap3A_877] {strides = array<i32>} : memref<16x1024xf32, #tpu.memory_space<vmem>>, vector<1x16xf32>,
        %swap3A_879 = vector.shape_cast %swap3A_878 : vector<1x16xf32> to vector<16xf32>
        %swap3A_880 = vector.shape_cast %add3A_875 : vector<16xf32> to vector<1x16xf32>
        tpu.vector_store %arg11[%swap3A_876, %swap3A_877], %swap3A_880 {strides = array<i32>} : memref<16x1024xf32, #tpu.memory_space<vmem>>, vector<1x16xf32>,
        %mul3A_881 = arith.constant 3.200000e+01 : f32
        %mul3A_882 = vector.broadcast %mul3A_881 : f32 to vector<16xf32>
        %mul3A_883 = arith.mulf %get3A_629, %mul3A_882 : vector<16xf32>
        %add3A_884 = arith.addf %mul3A_883, %bitcast_convert_type3A_871 : vector<16xf32>
        %swap3A_885 = arith.index_cast %scan3A_263 : i32 to index
        %swap3A_886 = arith.constant 432 : index
        %swap3A_887 = tpu.vector_load %arg11[%swap3A_885, %swap3A_886] {strides = array<i32>} : memref<16x1024xf32, #tpu.memory_space<vmem>>, vector<1x16xf32>,
        %swap3A_888 = vector.shape_cast %swap3A_887 : vector<1x16xf32> to vector<16xf32>
        %swap3A_889 = vector.shape_cast %add3A_884 : vector<16xf32> to vector<1x16xf32>
        tpu.vector_store %arg11[%swap3A_885, %swap3A_886], %swap3A_889 {strides = array<i32>} : memref<16x1024xf32, #tpu.memory_space<vmem>>, vector<1x16xf32>,
        %add3A_890 = arith.constant 320 : i32
        %add3A_891 = arith.addi %mul3A_269, %add3A_890 : i32
        %get3A_892 = arith.index_cast %add3A_891 : i32 to index
        %get3A_893 = tpu.vector_load %arg7[%get3A_892] {strides = array<i32>} : memref<32768xi32, #tpu.memory_space<vmem>>, vector<16xi32>,
        %get3A_894 = vector.shape_cast %get3A_893 : vector<16xi32> to vector<16xi32>
        %get3A_895 = arith.index_cast %scan3A_263 : i32 to index
        %get3A_896 = arith.constant 640 : index
        %get3A_897 = tpu.vector_load %arg9[%get3A_895, %get3A_896] {strides = array<i32>} : memref<16x1024xf32, #tpu.memory_space<vmem>>, vector<1x16xf32>,
        %get3A_898 = vector.shape_cast %get3A_897 : vector<1x16xf32> to vector<16xf32>
        %get3A_899 = arith.index_cast %scan3A_263 : i32 to index
        %get3A_900 = arith.constant 656 : index
        %get3A_901 = tpu.vector_load %arg9[%get3A_899, %get3A_900] {strides = array<i32>} : memref<16x1024xf32, #tpu.memory_space<vmem>>, vector<1x16xf32>,
        %get3A_902 = vector.shape_cast %get3A_901 : vector<1x16xf32> to vector<16xf32>
        %shift_left3A_903 = arith.constant 16 : i32
        %shift_left3A_904 = vector.broadcast %shift_left3A_903 : i32 to vector<16xi32>
        %shift_left3A_905 = arith.shli %get3A_660, %shift_left3A_904 : vector<16xi32>
        %bitcast_convert_type3A_906 = tpu.bitcast %shift_left3A_905 : vector<16xi32> -> vector<16xf32>
        %and3A_907 = arith.constant -65536 : i32
        %and3A_908 = vector.broadcast %and3A_907 : i32 to vector<16xi32>
        %and3A_909 = arith.andi %get3A_660, %and3A_908 : vector<16xi32>
        %bitcast_convert_type3A_910 = tpu.bitcast %and3A_909 : vector<16xi32> -> vector<16xf32>
        %mul3A_911 = arith.constant 3.200000e+01 : f32
        %mul3A_912 = vector.broadcast %mul3A_911 : f32 to vector<16xf32>
        %mul3A_913 = arith.mulf %get3A_664, %mul3A_912 : vector<16xf32>
        %add3A_914 = arith.addf %mul3A_913, %bitcast_convert_type3A_906 : vector<16xf32>
        %swap3A_915 = arith.index_cast %scan3A_263 : i32 to index
        %swap3A_916 = arith.constant 448 : index
        %swap3A_917 = tpu.vector_load %arg11[%swap3A_915, %swap3A_916] {strides = array<i32>} : memref<16x1024xf32, #tpu.memory_space<vmem>>, vector<1x16xf32>,
        %swap3A_918 = vector.shape_cast %swap3A_917 : vector<1x16xf32> to vector<16xf32>
        %swap3A_919 = vector.shape_cast %add3A_914 : vector<16xf32> to vector<1x16xf32>
        tpu.vector_store %arg11[%swap3A_915, %swap3A_916], %swap3A_919 {strides = array<i32>} : memref<16x1024xf32, #tpu.memory_space<vmem>>, vector<1x16xf32>,
        %mul3A_920 = arith.constant 3.200000e+01 : f32
        %mul3A_921 = vector.broadcast %mul3A_920 : f32 to vector<16xf32>
        %mul3A_922 = arith.mulf %get3A_668, %mul3A_921 : vector<16xf32>
        %add3A_923 = arith.addf %mul3A_922, %bitcast_convert_type3A_910 : vector<16xf32>
        %swap3A_924 = arith.index_cast %scan3A_263 : i32 to index
        %swap3A_925 = arith.constant 464 : index
        %swap3A_926 = tpu.vector_load %arg11[%swap3A_924, %swap3A_925] {strides = array<i32>} : memref<16x1024xf32, #tpu.memory_space<vmem>>, vector<1x16xf32>,
        %swap3A_927 = vector.shape_cast %swap3A_926 : vector<1x16xf32> to vector<16xf32>
        %swap3A_928 = vector.shape_cast %add3A_923 : vector<16xf32> to vector<1x16xf32>
        tpu.vector_store %arg11[%swap3A_924, %swap3A_925], %swap3A_928 {strides = array<i32>} : memref<16x1024xf32, #tpu.memory_space<vmem>>, vector<1x16xf32>,
        %add3A_929 = arith.constant 336 : i32
        %add3A_930 = arith.addi %mul3A_269, %add3A_929 : i32
        %get3A_931 = arith.index_cast %add3A_930 : i32 to index
        %get3A_932 = tpu.vector_load %arg7[%get3A_931] {strides = array<i32>} : memref<32768xi32, #tpu.memory_space<vmem>>, vector<16xi32>,
        %get3A_933 = vector.shape_cast %get3A_932 : vector<16xi32> to vector<16xi32>
        %get3A_934 = arith.index_cast %scan3A_263 : i32 to index
        %get3A_935 = arith.constant 672 : index
        %get3A_936 = tpu.vector_load %arg9[%get3A_934, %get3A_935] {strides = array<i32>} : memref<16x1024xf32, #tpu.memory_space<vmem>>, vector<1x16xf32>,
        %get3A_937 = vector.shape_cast %get3A_936 : vector<1x16xf32> to vector<16xf32>
        %get3A_938 = arith.index_cast %scan3A_263 : i32 to index
        %get3A_939 = arith.constant 688 : index
        %get3A_940 = tpu.vector_load %arg9[%get3A_938, %get3A_939] {strides = array<i32>} : memref<16x1024xf32, #tpu.memory_space<vmem>>, vector<1x16xf32>,
        %get3A_941 = vector.shape_cast %get3A_940 : vector<1x16xf32> to vector<16xf32>
        %shift_left3A_942 = arith.constant 16 : i32
        %shift_left3A_943 = vector.broadcast %shift_left3A_942 : i32 to vector<16xi32>
        %shift_left3A_944 = arith.shli %get3A_699, %shift_left3A_943 : vector<16xi32>
        %bitcast_convert_type3A_945 = tpu.bitcast %shift_left3A_944 : vector<16xi32> -> vector<16xf32>
        %and3A_946 = arith.constant -65536 : i32
        %and3A_947 = vector.broadcast %and3A_946 : i32 to vector<16xi32>
        %and3A_948 = arith.andi %get3A_699, %and3A_947 : vector<16xi32>
        %bitcast_convert_type3A_949 = tpu.bitcast %and3A_948 : vector<16xi32> -> vector<16xf32>
        %mul3A_950 = arith.constant 3.200000e+01 : f32
        %mul3A_951 = vector.broadcast %mul3A_950 : f32 to vector<16xf32>
        %mul3A_952 = arith.mulf %get3A_703, %mul3A_951 : vector<16xf32>
        %add3A_953 = arith.addf %mul3A_952, %bitcast_convert_type3A_945 : vector<16xf32>
        %swap3A_954 = arith.index_cast %scan3A_263 : i32 to index
        %swap3A_955 = arith.constant 480 : index
        %swap3A_956 = tpu.vector_load %arg11[%swap3A_954, %swap3A_955] {strides = array<i32>} : memref<16x1024xf32, #tpu.memory_space<vmem>>, vector<1x16xf32>,
        %swap3A_957 = vector.shape_cast %swap3A_956 : vector<1x16xf32> to vector<16xf32>
        %swap3A_958 = vector.shape_cast %add3A_953 : vector<16xf32> to vector<1x16xf32>
        tpu.vector_store %arg11[%swap3A_954, %swap3A_955], %swap3A_958 {strides = array<i32>} : memref<16x1024xf32, #tpu.memory_space<vmem>>, vector<1x16xf32>,
        %mul3A_959 = arith.constant 3.200000e+01 : f32
        %mul3A_960 = vector.broadcast %mul3A_959 : f32 to vector<16xf32>
        %mul3A_961 = arith.mulf %get3A_707, %mul3A_960 : vector<16xf32>
        %add3A_962 = arith.addf %mul3A_961, %bitcast_convert_type3A_949 : vector<16xf32>
        %swap3A_963 = arith.index_cast %scan3A_263 : i32 to index
        %swap3A_964 = arith.constant 496 : index
        %swap3A_965 = tpu.vector_load %arg11[%swap3A_963, %swap3A_964] {strides = array<i32>} : memref<16x1024xf32, #tpu.memory_space<vmem>>, vector<1x16xf32>,
        %swap3A_966 = vector.shape_cast %swap3A_965 : vector<1x16xf32> to vector<16xf32>
        %swap3A_967 = vector.shape_cast %add3A_962 : vector<16xf32> to vector<1x16xf32>
        tpu.vector_store %arg11[%swap3A_963, %swap3A_964], %swap3A_967 {strides = array<i32>} : memref<16x1024xf32, #tpu.memory_space<vmem>>, vector<1x16xf32>,
        %add3A_968 = arith.constant 352 : i32
        %add3A_969 = arith.addi %mul3A_269, %add3A_968 : i32
        %get3A_970 = arith.index_cast %add3A_969 : i32 to index
        %get3A_971 = tpu.vector_load %arg7[%get3A_970] {strides = array<i32>} : memref<32768xi32, #tpu.memory_space<vmem>>, vector<16xi32>,
        %get3A_972 = vector.shape_cast %get3A_971 : vector<16xi32> to vector<16xi32>
        %get3A_973 = arith.index_cast %scan3A_263 : i32 to index
        %get3A_974 = arith.constant 704 : index
        %get3A_975 = tpu.vector_load %arg9[%get3A_973, %get3A_974] {strides = array<i32>} : memref<16x1024xf32, #tpu.memory_space<vmem>>, vector<1x16xf32>,
        %get3A_976 = vector.shape_cast %get3A_975 : vector<1x16xf32> to vector<16xf32>
        %get3A_977 = arith.index_cast %scan3A_263 : i32 to index
        %get3A_978 = arith.constant 720 : index
        %get3A_979 = tpu.vector_load %arg9[%get3A_977, %get3A_978] {strides = array<i32>} : memref<16x1024xf32, #tpu.memory_space<vmem>>, vector<1x16xf32>,
        %get3A_980 = vector.shape_cast %get3A_979 : vector<1x16xf32> to vector<16xf32>
        %shift_left3A_981 = arith.constant 16 : i32
        %shift_left3A_982 = vector.broadcast %shift_left3A_981 : i32 to vector<16xi32>
        %shift_left3A_983 = arith.shli %get3A_738, %shift_left3A_982 : vector<16xi32>
        %bitcast_convert_type3A_984 = tpu.bitcast %shift_left3A_983 : vector<16xi32> -> vector<16xf32>
        %and3A_985 = arith.constant -65536 : i32
        %and3A_986 = vector.broadcast %and3A_985 : i32 to vector<16xi32>
        %and3A_987 = arith.andi %get3A_738, %and3A_986 : vector<16xi32>
        %bitcast_convert_type3A_988 = tpu.bitcast %and3A_987 : vector<16xi32> -> vector<16xf32>
        %mul3A_989 = arith.constant 3.200000e+01 : f32
        %mul3A_990 = vector.broadcast %mul3A_989 : f32 to vector<16xf32>
        %mul3A_991 = arith.mulf %get3A_742, %mul3A_990 : vector<16xf32>
        %add3A_992 = arith.addf %mul3A_991, %bitcast_convert_type3A_984 : vector<16xf32>
        %swap3A_993 = arith.index_cast %scan3A_263 : i32 to index
        %swap3A_994 = arith.constant 512 : index
        %swap3A_995 = tpu.vector_load %arg11[%swap3A_993, %swap3A_994] {strides = array<i32>} : memref<16x1024xf32, #tpu.memory_space<vmem>>, vector<1x16xf32>,
        %swap3A_996 = vector.shape_cast %swap3A_995 : vector<1x16xf32> to vector<16xf32>
        %swap3A_997 = vector.shape_cast %add3A_992 : vector<16xf32> to vector<1x16xf32>
        tpu.vector_store %arg11[%swap3A_993, %swap3A_994], %swap3A_997 {strides = array<i32>} : memref<16x1024xf32, #tpu.memory_space<vmem>>, vector<1x16xf32>,
        %mul3A_998 = arith.constant 3.200000e+01 : f32
        %mul3A_999 = vector.broadcast %mul3A_998 : f32 to vector<16xf32>
        %mul3A_1000 = arith.mulf %get3A_746, %mul3A_999 : vector<16xf32>
        %add3A_1001 = arith.addf %mul3A_1000, %bitcast_convert_type3A_988 : vector<16xf32>
        %swap3A_1002 = arith.index_cast %scan3A_263 : i32 to index
        %swap3A_1003 = arith.constant 528 : index
        %swap3A_1004 = tpu.vector_load %arg11[%swap3A_1002, %swap3A_1003] {strides = array<i32>} : memref<16x1024xf32, #tpu.memory_space<vmem>>, vector<1x16xf32>,
        %swap3A_1005 = vector.shape_cast %swap3A_1004 : vector<1x16xf32> to vector<16xf32>
        %swap3A_1006 = vector.shape_cast %add3A_1001 : vector<16xf32> to vector<1x16xf32>
        tpu.vector_store %arg11[%swap3A_1002, %swap3A_1003], %swap3A_1006 {strides = array<i32>} : memref<16x1024xf32, #tpu.memory_space<vmem>>, vector<1x16xf32>,
        %add3A_1007 = arith.constant 368 : i32
        %add3A_1008 = arith.addi %mul3A_269, %add3A_1007 : i32
        %get3A_1009 = arith.index_cast %add3A_1008 : i32 to index
        %get3A_1010 = tpu.vector_load %arg7[%get3A_1009] {strides = array<i32>} : memref<32768xi32, #tpu.memory_space<vmem>>, vector<16xi32>,
        %get3A_1011 = vector.shape_cast %get3A_1010 : vector<16xi32> to vector<16xi32>
        %get3A_1012 = arith.index_cast %scan3A_263 : i32 to index
        %get3A_1013 = arith.constant 736 : index
        %get3A_1014 = tpu.vector_load %arg9[%get3A_1012, %get3A_1013] {strides = array<i32>} : memref<16x1024xf32, #tpu.memory_space<vmem>>, vector<1x16xf32>,
        %get3A_1015 = vector.shape_cast %get3A_1014 : vector<1x16xf32> to vector<16xf32>
        %get3A_1016 = arith.index_cast %scan3A_263 : i32 to index
        %get3A_1017 = arith.constant 752 : index
        %get3A_1018 = tpu.vector_load %arg9[%get3A_1016, %get3A_1017] {strides = array<i32>} : memref<16x1024xf32, #tpu.memory_space<vmem>>, vector<1x16xf32>,
        %get3A_1019 = vector.shape_cast %get3A_1018 : vector<1x16xf32> to vector<16xf32>
        %shift_left3A_1020 = arith.constant 16 : i32
        %shift_left3A_1021 = vector.broadcast %shift_left3A_1020 : i32 to vector<16xi32>
        %shift_left3A_1022 = arith.shli %get3A_777, %shift_left3A_1021 : vector<16xi32>
        %bitcast_convert_type3A_1023 = tpu.bitcast %shift_left3A_1022 : vector<16xi32> -> vector<16xf32>
        %and3A_1024 = arith.constant -65536 : i32
        %and3A_1025 = vector.broadcast %and3A_1024 : i32 to vector<16xi32>
        %and3A_1026 = arith.andi %get3A_777, %and3A_1025 : vector<16xi32>
        %bitcast_convert_type3A_1027 = tpu.bitcast %and3A_1026 : vector<16xi32> -> vector<16xf32>
        %mul3A_1028 = arith.constant 3.200000e+01 : f32
        %mul3A_1029 = vector.broadcast %mul3A_1028 : f32 to vector<16xf32>
        %mul3A_1030 = arith.mulf %get3A_781, %mul3A_1029 : vector<16xf32>
        %add3A_1031 = arith.addf %mul3A_1030, %bitcast_convert_type3A_1023 : vector<16xf32>
        %swap3A_1032 = arith.index_cast %scan3A_263 : i32 to index
        %swap3A_1033 = arith.constant 544 : index
        %swap3A_1034 = tpu.vector_load %arg11[%swap3A_1032, %swap3A_1033] {strides = array<i32>} : memref<16x1024xf32, #tpu.memory_space<vmem>>, vector<1x16xf32>,
        %swap3A_1035 = vector.shape_cast %swap3A_1034 : vector<1x16xf32> to vector<16xf32>
        %swap3A_1036 = vector.shape_cast %add3A_1031 : vector<16xf32> to vector<1x16xf32>
        tpu.vector_store %arg11[%swap3A_1032, %swap3A_1033], %swap3A_1036 {strides = array<i32>} : memref<16x1024xf32, #tpu.memory_space<vmem>>, vector<1x16xf32>,
        %mul3A_1037 = arith.constant 3.200000e+01 : f32
        %mul3A_1038 = vector.broadcast %mul3A_1037 : f32 to vector<16xf32>
        %mul3A_1039 = arith.mulf %get3A_785, %mul3A_1038 : vector<16xf32>
        %add3A_1040 = arith.addf %mul3A_1039, %bitcast_convert_type3A_1027 : vector<16xf32>
        %swap3A_1041 = arith.index_cast %scan3A_263 : i32 to index
        %swap3A_1042 = arith.constant 560 : index
        %swap3A_1043 = tpu.vector_load %arg11[%swap3A_1041, %swap3A_1042] {strides = array<i32>} : memref<16x1024xf32, #tpu.memory_space<vmem>>, vector<1x16xf32>,
        %swap3A_1044 = vector.shape_cast %swap3A_1043 : vector<1x16xf32> to vector<16xf32>
        %swap3A_1045 = vector.shape_cast %add3A_1040 : vector<16xf32> to vector<1x16xf32>
        tpu.vector_store %arg11[%swap3A_1041, %swap3A_1042], %swap3A_1045 {strides = array<i32>} : memref<16x1024xf32, #tpu.memory_space<vmem>>, vector<1x16xf32>,
        %add3A_1046 = arith.constant 384 : i32
        %add3A_1047 = arith.addi %mul3A_269, %add3A_1046 : i32
        %get3A_1048 = arith.index_cast %add3A_1047 : i32 to index
        %get3A_1049 = tpu.vector_load %arg7[%get3A_1048] {strides = array<i32>} : memref<32768xi32, #tpu.memory_space<vmem>>, vector<16xi32>,
        %get3A_1050 = vector.shape_cast %get3A_1049 : vector<16xi32> to vector<16xi32>
        %get3A_1051 = arith.index_cast %scan3A_263 : i32 to index
        %get3A_1052 = arith.constant 768 : index
        %get3A_1053 = tpu.vector_load %arg9[%get3A_1051, %get3A_1052] {strides = array<i32>} : memref<16x1024xf32, #tpu.memory_space<vmem>>, vector<1x16xf32>,
        %get3A_1054 = vector.shape_cast %get3A_1053 : vector<1x16xf32> to vector<16xf32>
        %get3A_1055 = arith.index_cast %scan3A_263 : i32 to index
        %get3A_1056 = arith.constant 784 : index
        %get3A_1057 = tpu.vector_load %arg9[%get3A_1055, %get3A_1056] {strides = array<i32>} : memref<16x1024xf32, #tpu.memory_space<vmem>>, vector<1x16xf32>,
        %get3A_1058 = vector.shape_cast %get3A_1057 : vector<1x16xf32> to vector<16xf32>
        %shift_left3A_1059 = arith.constant 16 : i32
        %shift_left3A_1060 = vector.broadcast %shift_left3A_1059 : i32 to vector<16xi32>
        %shift_left3A_1061 = arith.shli %get3A_816, %shift_left3A_1060 : vector<16xi32>
        %bitcast_convert_type3A_1062 = tpu.bitcast %shift_left3A_1061 : vector<16xi32> -> vector<16xf32>
        %and3A_1063 = arith.constant -65536 : i32
        %and3A_1064 = vector.broadcast %and3A_1063 : i32 to vector<16xi32>
        %and3A_1065 = arith.andi %get3A_816, %and3A_1064 : vector<16xi32>
        %bitcast_convert_type3A_1066 = tpu.bitcast %and3A_1065 : vector<16xi32> -> vector<16xf32>
        %mul3A_1067 = arith.constant 3.200000e+01 : f32
        %mul3A_1068 = vector.broadcast %mul3A_1067 : f32 to vector<16xf32>
        %mul3A_1069 = arith.mulf %get3A_820, %mul3A_1068 : vector<16xf32>
        %add3A_1070 = arith.addf %mul3A_1069, %bitcast_convert_type3A_1062 : vector<16xf32>
        %swap3A_1071 = arith.index_cast %scan3A_263 : i32 to index
        %swap3A_1072 = arith.constant 576 : index
        %swap3A_1073 = tpu.vector_load %arg11[%swap3A_1071, %swap3A_1072] {strides = array<i32>} : memref<16x1024xf32, #tpu.memory_space<vmem>>, vector<1x16xf32>,
        %swap3A_1074 = vector.shape_cast %swap3A_1073 : vector<1x16xf32> to vector<16xf32>
        %swap3A_1075 = vector.shape_cast %add3A_1070 : vector<16xf32> to vector<1x16xf32>
        tpu.vector_store %arg11[%swap3A_1071, %swap3A_1072], %swap3A_1075 {strides = array<i32>} : memref<16x1024xf32, #tpu.memory_space<vmem>>, vector<1x16xf32>,
        %mul3A_1076 = arith.constant 3.200000e+01 : f32
        %mul3A_1077 = vector.broadcast %mul3A_1076 : f32 to vector<16xf32>
        %mul3A_1078 = arith.mulf %get3A_824, %mul3A_1077 : vector<16xf32>
        %add3A_1079 = arith.addf %mul3A_1078, %bitcast_convert_type3A_1066 : vector<16xf32>
        %swap3A_1080 = arith.index_cast %scan3A_263 : i32 to index
        %swap3A_1081 = arith.constant 592 : index
        %swap3A_1082 = tpu.vector_load %arg11[%swap3A_1080, %swap3A_1081] {strides = array<i32>} : memref<16x1024xf32, #tpu.memory_space<vmem>>, vector<1x16xf32>,
        %swap3A_1083 = vector.shape_cast %swap3A_1082 : vector<1x16xf32> to vector<16xf32>
        %swap3A_1084 = vector.shape_cast %add3A_1079 : vector<16xf32> to vector<1x16xf32>
        tpu.vector_store %arg11[%swap3A_1080, %swap3A_1081], %swap3A_1084 {strides = array<i32>} : memref<16x1024xf32, #tpu.memory_space<vmem>>, vector<1x16xf32>,
        %add3A_1085 = arith.constant 400 : i32
        %add3A_1086 = arith.addi %mul3A_269, %add3A_1085 : i32
        %get3A_1087 = arith.index_cast %add3A_1086 : i32 to index
        %get3A_1088 = tpu.vector_load %arg7[%get3A_1087] {strides = array<i32>} : memref<32768xi32, #tpu.memory_space<vmem>>, vector<16xi32>,
        %get3A_1089 = vector.shape_cast %get3A_1088 : vector<16xi32> to vector<16xi32>
        %get3A_1090 = arith.index_cast %scan3A_263 : i32 to index
        %get3A_1091 = arith.constant 800 : index
        %get3A_1092 = tpu.vector_load %arg9[%get3A_1090, %get3A_1091] {strides = array<i32>} : memref<16x1024xf32, #tpu.memory_space<vmem>>, vector<1x16xf32>,
        %get3A_1093 = vector.shape_cast %get3A_1092 : vector<1x16xf32> to vector<16xf32>
        %get3A_1094 = arith.index_cast %scan3A_263 : i32 to index
        %get3A_1095 = arith.constant 816 : index
        %get3A_1096 = tpu.vector_load %arg9[%get3A_1094, %get3A_1095] {strides = array<i32>} : memref<16x1024xf32, #tpu.memory_space<vmem>>, vector<1x16xf32>,
        %get3A_1097 = vector.shape_cast %get3A_1096 : vector<1x16xf32> to vector<16xf32>
        %shift_left3A_1098 = arith.constant 16 : i32
        %shift_left3A_1099 = vector.broadcast %shift_left3A_1098 : i32 to vector<16xi32>
        %shift_left3A_1100 = arith.shli %get3A_855, %shift_left3A_1099 : vector<16xi32>
        %bitcast_convert_type3A_1101 = tpu.bitcast %shift_left3A_1100 : vector<16xi32> -> vector<16xf32>
        %and3A_1102 = arith.constant -65536 : i32
        %and3A_1103 = vector.broadcast %and3A_1102 : i32 to vector<16xi32>
        %and3A_1104 = arith.andi %get3A_855, %and3A_1103 : vector<16xi32>
        %bitcast_convert_type3A_1105 = tpu.bitcast %and3A_1104 : vector<16xi32> -> vector<16xf32>
        %mul3A_1106 = arith.constant 3.200000e+01 : f32
        %mul3A_1107 = vector.broadcast %mul3A_1106 : f32 to vector<16xf32>
        %mul3A_1108 = arith.mulf %get3A_859, %mul3A_1107 : vector<16xf32>
        %add3A_1109 = arith.addf %mul3A_1108, %bitcast_convert_type3A_1101 : vector<16xf32>
        %swap3A_1110 = arith.index_cast %scan3A_263 : i32 to index
        %swap3A_1111 = arith.constant 608 : index
        %swap3A_1112 = tpu.vector_load %arg11[%swap3A_1110, %swap3A_1111] {strides = array<i32>} : memref<16x1024xf32, #tpu.memory_space<vmem>>, vector<1x16xf32>,
        %swap3A_1113 = vector.shape_cast %swap3A_1112 : vector<1x16xf32> to vector<16xf32>
        %swap3A_1114 = vector.shape_cast %add3A_1109 : vector<16xf32> to vector<1x16xf32>
        tpu.vector_store %arg11[%swap3A_1110, %swap3A_1111], %swap3A_1114 {strides = array<i32>} : memref<16x1024xf32, #tpu.memory_space<vmem>>, vector<1x16xf32>,
        %mul3A_1115 = arith.constant 3.200000e+01 : f32
        %mul3A_1116 = vector.broadcast %mul3A_1115 : f32 to vector<16xf32>
        %mul3A_1117 = arith.mulf %get3A_863, %mul3A_1116 : vector<16xf32>
        %add3A_1118 = arith.addf %mul3A_1117, %bitcast_convert_type3A_1105 : vector<16xf32>
        %swap3A_1119 = arith.index_cast %scan3A_263 : i32 to index
        %swap3A_1120 = arith.constant 624 : index
        %swap3A_1121 = tpu.vector_load %arg11[%swap3A_1119, %swap3A_1120] {strides = array<i32>} : memref<16x1024xf32, #tpu.memory_space<vmem>>, vector<1x16xf32>,
        %swap3A_1122 = vector.shape_cast %swap3A_1121 : vector<1x16xf32> to vector<16xf32>
        %swap3A_1123 = vector.shape_cast %add3A_1118 : vector<16xf32> to vector<1x16xf32>
        tpu.vector_store %arg11[%swap3A_1119, %swap3A_1120], %swap3A_1123 {strides = array<i32>} : memref<16x1024xf32, #tpu.memory_space<vmem>>, vector<1x16xf32>,
        %add3A_1124 = arith.constant 416 : i32
        %add3A_1125 = arith.addi %mul3A_269, %add3A_1124 : i32
        %get3A_1126 = arith.index_cast %add3A_1125 : i32 to index
        %get3A_1127 = tpu.vector_load %arg7[%get3A_1126] {strides = array<i32>} : memref<32768xi32, #tpu.memory_space<vmem>>, vector<16xi32>,
        %get3A_1128 = vector.shape_cast %get3A_1127 : vector<16xi32> to vector<16xi32>
        %get3A_1129 = arith.index_cast %scan3A_263 : i32 to index
        %get3A_1130 = arith.constant 832 : index
        %get3A_1131 = tpu.vector_load %arg9[%get3A_1129, %get3A_1130] {strides = array<i32>} : memref<16x1024xf32, #tpu.memory_space<vmem>>, vector<1x16xf32>,
        %get3A_1132 = vector.shape_cast %get3A_1131 : vector<1x16xf32> to vector<16xf32>
        %get3A_1133 = arith.index_cast %scan3A_263 : i32 to index
        %get3A_1134 = arith.constant 848 : index
        %get3A_1135 = tpu.vector_load %arg9[%get3A_1133, %get3A_1134] {strides = array<i32>} : memref<16x1024xf32, #tpu.memory_space<vmem>>, vector<1x16xf32>,
        %get3A_1136 = vector.shape_cast %get3A_1135 : vector<1x16xf32> to vector<16xf32>
        %shift_left3A_1137 = arith.constant 16 : i32
        %shift_left3A_1138 = vector.broadcast %shift_left3A_1137 : i32 to vector<16xi32>
        %shift_left3A_1139 = arith.shli %get3A_894, %shift_left3A_1138 : vector<16xi32>
        %bitcast_convert_type3A_1140 = tpu.bitcast %shift_left3A_1139 : vector<16xi32> -> vector<16xf32>
        %and3A_1141 = arith.constant -65536 : i32
        %and3A_1142 = vector.broadcast %and3A_1141 : i32 to vector<16xi32>
        %and3A_1143 = arith.andi %get3A_894, %and3A_1142 : vector<16xi32>
        %bitcast_convert_type3A_1144 = tpu.bitcast %and3A_1143 : vector<16xi32> -> vector<16xf32>
        %mul3A_1145 = arith.constant 3.200000e+01 : f32
        %mul3A_1146 = vector.broadcast %mul3A_1145 : f32 to vector<16xf32>
        %mul3A_1147 = arith.mulf %get3A_898, %mul3A_1146 : vector<16xf32>
        %add3A_1148 = arith.addf %mul3A_1147, %bitcast_convert_type3A_1140 : vector<16xf32>
        %swap3A_1149 = arith.index_cast %scan3A_263 : i32 to index
        %swap3A_1150 = arith.constant 640 : index
        %swap3A_1151 = tpu.vector_load %arg11[%swap3A_1149, %swap3A_1150] {strides = array<i32>} : memref<16x1024xf32, #tpu.memory_space<vmem>>, vector<1x16xf32>,
        %swap3A_1152 = vector.shape_cast %swap3A_1151 : vector<1x16xf32> to vector<16xf32>
        %swap3A_1153 = vector.shape_cast %add3A_1148 : vector<16xf32> to vector<1x16xf32>
        tpu.vector_store %arg11[%swap3A_1149, %swap3A_1150], %swap3A_1153 {strides = array<i32>} : memref<16x1024xf32, #tpu.memory_space<vmem>>, vector<1x16xf32>,
        %mul3A_1154 = arith.constant 3.200000e+01 : f32
        %mul3A_1155 = vector.broadcast %mul3A_1154 : f32 to vector<16xf32>
        %mul3A_1156 = arith.mulf %get3A_902, %mul3A_1155 : vector<16xf32>
        %add3A_1157 = arith.addf %mul3A_1156, %bitcast_convert_type3A_1144 : vector<16xf32>
        %swap3A_1158 = arith.index_cast %scan3A_263 : i32 to index
        %swap3A_1159 = arith.constant 656 : index
        %swap3A_1160 = tpu.vector_load %arg11[%swap3A_1158, %swap3A_1159] {strides = array<i32>} : memref<16x1024xf32, #tpu.memory_space<vmem>>, vector<1x16xf32>,
        %swap3A_1161 = vector.shape_cast %swap3A_1160 : vector<1x16xf32> to vector<16xf32>
        %swap3A_1162 = vector.shape_cast %add3A_1157 : vector<16xf32> to vector<1x16xf32>
        tpu.vector_store %arg11[%swap3A_1158, %swap3A_1159], %swap3A_1162 {strides = array<i32>} : memref<16x1024xf32, #tpu.memory_space<vmem>>, vector<1x16xf32>,
        %add3A_1163 = arith.constant 432 : i32
        %add3A_1164 = arith.addi %mul3A_269, %add3A_1163 : i32
        %get3A_1165 = arith.index_cast %add3A_1164 : i32 to index
        %get3A_1166 = tpu.vector_load %arg7[%get3A_1165] {strides = array<i32>} : memref<32768xi32, #tpu.memory_space<vmem>>, vector<16xi32>,
        %get3A_1167 = vector.shape_cast %get3A_1166 : vector<16xi32> to vector<16xi32>
        %get3A_1168 = arith.index_cast %scan3A_263 : i32 to index
        %get3A_1169 = arith.constant 864 : index
        %get3A_1170 = tpu.vector_load %arg9[%get3A_1168, %get3A_1169] {strides = array<i32>} : memref<16x1024xf32, #tpu.memory_space<vmem>>, vector<1x16xf32>,
        %get3A_1171 = vector.shape_cast %get3A_1170 : vector<1x16xf32> to vector<16xf32>
        %get3A_1172 = arith.index_cast %scan3A_263 : i32 to index
        %get3A_1173 = arith.constant 880 : index
        %get3A_1174 = tpu.vector_load %arg9[%get3A_1172, %get3A_1173] {strides = array<i32>} : memref<16x1024xf32, #tpu.memory_space<vmem>>, vector<1x16xf32>,
        %get3A_1175 = vector.shape_cast %get3A_1174 : vector<1x16xf32> to vector<16xf32>
        %shift_left3A_1176 = arith.constant 16 : i32
        %shift_left3A_1177 = vector.broadcast %shift_left3A_1176 : i32 to vector<16xi32>
        %shift_left3A_1178 = arith.shli %get3A_933, %shift_left3A_1177 : vector<16xi32>
        %bitcast_convert_type3A_1179 = tpu.bitcast %shift_left3A_1178 : vector<16xi32> -> vector<16xf32>
        %and3A_1180 = arith.constant -65536 : i32
        %and3A_1181 = vector.broadcast %and3A_1180 : i32 to vector<16xi32>
        %and3A_1182 = arith.andi %get3A_933, %and3A_1181 : vector<16xi32>
        %bitcast_convert_type3A_1183 = tpu.bitcast %and3A_1182 : vector<16xi32> -> vector<16xf32>
        %mul3A_1184 = arith.constant 3.200000e+01 : f32
        %mul3A_1185 = vector.broadcast %mul3A_1184 : f32 to vector<16xf32>
        %mul3A_1186 = arith.mulf %get3A_937, %mul3A_1185 : vector<16xf32>
        %add3A_1187 = arith.addf %mul3A_1186, %bitcast_convert_type3A_1179 : vector<16xf32>
        %swap3A_1188 = arith.index_cast %scan3A_263 : i32 to index
        %swap3A_1189 = arith.constant 672 : index
        %swap3A_1190 = tpu.vector_load %arg11[%swap3A_1188, %swap3A_1189] {strides = array<i32>} : memref<16x1024xf32, #tpu.memory_space<vmem>>, vector<1x16xf32>,
        %swap3A_1191 = vector.shape_cast %swap3A_1190 : vector<1x16xf32> to vector<16xf32>
        %swap3A_1192 = vector.shape_cast %add3A_1187 : vector<16xf32> to vector<1x16xf32>
        tpu.vector_store %arg11[%swap3A_1188, %swap3A_1189], %swap3A_1192 {strides = array<i32>} : memref<16x1024xf32, #tpu.memory_space<vmem>>, vector<1x16xf32>,
        %mul3A_1193 = arith.constant 3.200000e+01 : f32
        %mul3A_1194 = vector.broadcast %mul3A_1193 : f32 to vector<16xf32>
        %mul3A_1195 = arith.mulf %get3A_941, %mul3A_1194 : vector<16xf32>
        %add3A_1196 = arith.addf %mul3A_1195, %bitcast_convert_type3A_1183 : vector<16xf32>
        %swap3A_1197 = arith.index_cast %scan3A_263 : i32 to index
        %swap3A_1198 = arith.constant 688 : index
        %swap3A_1199 = tpu.vector_load %arg11[%swap3A_1197, %swap3A_1198] {strides = array<i32>} : memref<16x1024xf32, #tpu.memory_space<vmem>>, vector<1x16xf32>,
        %swap3A_1200 = vector.shape_cast %swap3A_1199 : vector<1x16xf32> to vector<16xf32>
        %swap3A_1201 = vector.shape_cast %add3A_1196 : vector<16xf32> to vector<1x16xf32>
        tpu.vector_store %arg11[%swap3A_1197, %swap3A_1198], %swap3A_1201 {strides = array<i32>} : memref<16x1024xf32, #tpu.memory_space<vmem>>, vector<1x16xf32>,
        %add3A_1202 = arith.constant 448 : i32
        %add3A_1203 = arith.addi %mul3A_269, %add3A_1202 : i32
        %get3A_1204 = arith.index_cast %add3A_1203 : i32 to index
        %get3A_1205 = tpu.vector_load %arg7[%get3A_1204] {strides = array<i32>} : memref<32768xi32, #tpu.memory_space<vmem>>, vector<16xi32>,
        %get3A_1206 = vector.shape_cast %get3A_1205 : vector<16xi32> to vector<16xi32>
        %get3A_1207 = arith.index_cast %scan3A_263 : i32 to index
        %get3A_1208 = arith.constant 896 : index
        %get3A_1209 = tpu.vector_load %arg9[%get3A_1207, %get3A_1208] {strides = array<i32>} : memref<16x1024xf32, #tpu.memory_space<vmem>>, vector<1x16xf32>,
        %get3A_1210 = vector.shape_cast %get3A_1209 : vector<1x16xf32> to vector<16xf32>
        %get3A_1211 = arith.index_cast %scan3A_263 : i32 to index
        %get3A_1212 = arith.constant 912 : index
        %get3A_1213 = tpu.vector_load %arg9[%get3A_1211, %get3A_1212] {strides = array<i32>} : memref<16x1024xf32, #tpu.memory_space<vmem>>, vector<1x16xf32>,
        %get3A_1214 = vector.shape_cast %get3A_1213 : vector<1x16xf32> to vector<16xf32>
        %shift_left3A_1215 = arith.constant 16 : i32
        %shift_left3A_1216 = vector.broadcast %shift_left3A_1215 : i32 to vector<16xi32>
        %shift_left3A_1217 = arith.shli %get3A_972, %shift_left3A_1216 : vector<16xi32>
        %bitcast_convert_type3A_1218 = tpu.bitcast %shift_left3A_1217 : vector<16xi32> -> vector<16xf32>
        %and3A_1219 = arith.constant -65536 : i32
        %and3A_1220 = vector.broadcast %and3A_1219 : i32 to vector<16xi32>
        %and3A_1221 = arith.andi %get3A_972, %and3A_1220 : vector<16xi32>
        %bitcast_convert_type3A_1222 = tpu.bitcast %and3A_1221 : vector<16xi32> -> vector<16xf32>
        %mul3A_1223 = arith.constant 3.200000e+01 : f32
        %mul3A_1224 = vector.broadcast %mul3A_1223 : f32 to vector<16xf32>
        %mul3A_1225 = arith.mulf %get3A_976, %mul3A_1224 : vector<16xf32>
        %add3A_1226 = arith.addf %mul3A_1225, %bitcast_convert_type3A_1218 : vector<16xf32>
        %swap3A_1227 = arith.index_cast %scan3A_263 : i32 to index
        %swap3A_1228 = arith.constant 704 : index
        %swap3A_1229 = tpu.vector_load %arg11[%swap3A_1227, %swap3A_1228] {strides = array<i32>} : memref<16x1024xf32, #tpu.memory_space<vmem>>, vector<1x16xf32>,
        %swap3A_1230 = vector.shape_cast %swap3A_1229 : vector<1x16xf32> to vector<16xf32>
        %swap3A_1231 = vector.shape_cast %add3A_1226 : vector<16xf32> to vector<1x16xf32>
        tpu.vector_store %arg11[%swap3A_1227, %swap3A_1228], %swap3A_1231 {strides = array<i32>} : memref<16x1024xf32, #tpu.memory_space<vmem>>, vector<1x16xf32>,
        %mul3A_1232 = arith.constant 3.200000e+01 : f32
        %mul3A_1233 = vector.broadcast %mul3A_1232 : f32 to vector<16xf32>
        %mul3A_1234 = arith.mulf %get3A_980, %mul3A_1233 : vector<16xf32>
        %add3A_1235 = arith.addf %mul3A_1234, %bitcast_convert_type3A_1222 : vector<16xf32>
        %swap3A_1236 = arith.index_cast %scan3A_263 : i32 to index
        %swap3A_1237 = arith.constant 720 : index
        %swap3A_1238 = tpu.vector_load %arg11[%swap3A_1236, %swap3A_1237] {strides = array<i32>} : memref<16x1024xf32, #tpu.memory_space<vmem>>, vector<1x16xf32>,
        %swap3A_1239 = vector.shape_cast %swap3A_1238 : vector<1x16xf32> to vector<16xf32>
        %swap3A_1240 = vector.shape_cast %add3A_1235 : vector<16xf32> to vector<1x16xf32>
        tpu.vector_store %arg11[%swap3A_1236, %swap3A_1237], %swap3A_1240 {strides = array<i32>} : memref<16x1024xf32, #tpu.memory_space<vmem>>, vector<1x16xf32>,
        %add3A_1241 = arith.constant 464 : i32
        %add3A_1242 = arith.addi %mul3A_269, %add3A_1241 : i32
        %get3A_1243 = arith.index_cast %add3A_1242 : i32 to index
        %get3A_1244 = tpu.vector_load %arg7[%get3A_1243] {strides = array<i32>} : memref<32768xi32, #tpu.memory_space<vmem>>, vector<16xi32>,
        %get3A_1245 = vector.shape_cast %get3A_1244 : vector<16xi32> to vector<16xi32>
        %get3A_1246 = arith.index_cast %scan3A_263 : i32 to index
        %get3A_1247 = arith.constant 928 : index
        %get3A_1248 = tpu.vector_load %arg9[%get3A_1246, %get3A_1247] {strides = array<i32>} : memref<16x1024xf32, #tpu.memory_space<vmem>>, vector<1x16xf32>,
        %get3A_1249 = vector.shape_cast %get3A_1248 : vector<1x16xf32> to vector<16xf32>
        %get3A_1250 = arith.index_cast %scan3A_263 : i32 to index
        %get3A_1251 = arith.constant 944 : index
        %get3A_1252 = tpu.vector_load %arg9[%get3A_1250, %get3A_1251] {strides = array<i32>} : memref<16x1024xf32, #tpu.memory_space<vmem>>, vector<1x16xf32>,
        %get3A_1253 = vector.shape_cast %get3A_1252 : vector<1x16xf32> to vector<16xf32>
        %shift_left3A_1254 = arith.constant 16 : i32
        %shift_left3A_1255 = vector.broadcast %shift_left3A_1254 : i32 to vector<16xi32>
        %shift_left3A_1256 = arith.shli %get3A_1011, %shift_left3A_1255 : vector<16xi32>
        %bitcast_convert_type3A_1257 = tpu.bitcast %shift_left3A_1256 : vector<16xi32> -> vector<16xf32>
        %and3A_1258 = arith.constant -65536 : i32
        %and3A_1259 = vector.broadcast %and3A_1258 : i32 to vector<16xi32>
        %and3A_1260 = arith.andi %get3A_1011, %and3A_1259 : vector<16xi32>
        %bitcast_convert_type3A_1261 = tpu.bitcast %and3A_1260 : vector<16xi32> -> vector<16xf32>
        %mul3A_1262 = arith.constant 3.200000e+01 : f32
        %mul3A_1263 = vector.broadcast %mul3A_1262 : f32 to vector<16xf32>
        %mul3A_1264 = arith.mulf %get3A_1015, %mul3A_1263 : vector<16xf32>
        %add3A_1265 = arith.addf %mul3A_1264, %bitcast_convert_type3A_1257 : vector<16xf32>
        %swap3A_1266 = arith.index_cast %scan3A_263 : i32 to index
        %swap3A_1267 = arith.constant 736 : index
        %swap3A_1268 = tpu.vector_load %arg11[%swap3A_1266, %swap3A_1267] {strides = array<i32>} : memref<16x1024xf32, #tpu.memory_space<vmem>>, vector<1x16xf32>,
        %swap3A_1269 = vector.shape_cast %swap3A_1268 : vector<1x16xf32> to vector<16xf32>
        %swap3A_1270 = vector.shape_cast %add3A_1265 : vector<16xf32> to vector<1x16xf32>
        tpu.vector_store %arg11[%swap3A_1266, %swap3A_1267], %swap3A_1270 {strides = array<i32>} : memref<16x1024xf32, #tpu.memory_space<vmem>>, vector<1x16xf32>,
        %mul3A_1271 = arith.constant 3.200000e+01 : f32
        %mul3A_1272 = vector.broadcast %mul3A_1271 : f32 to vector<16xf32>
        %mul3A_1273 = arith.mulf %get3A_1019, %mul3A_1272 : vector<16xf32>
        %add3A_1274 = arith.addf %mul3A_1273, %bitcast_convert_type3A_1261 : vector<16xf32>
        %swap3A_1275 = arith.index_cast %scan3A_263 : i32 to index
        %swap3A_1276 = arith.constant 752 : index
        %swap3A_1277 = tpu.vector_load %arg11[%swap3A_1275, %swap3A_1276] {strides = array<i32>} : memref<16x1024xf32, #tpu.memory_space<vmem>>, vector<1x16xf32>,
        %swap3A_1278 = vector.shape_cast %swap3A_1277 : vector<1x16xf32> to vector<16xf32>
        %swap3A_1279 = vector.shape_cast %add3A_1274 : vector<16xf32> to vector<1x16xf32>
        tpu.vector_store %arg11[%swap3A_1275, %swap3A_1276], %swap3A_1279 {strides = array<i32>} : memref<16x1024xf32, #tpu.memory_space<vmem>>, vector<1x16xf32>,
        %add3A_1280 = arith.constant 480 : i32
        %add3A_1281 = arith.addi %mul3A_269, %add3A_1280 : i32
        %get3A_1282 = arith.index_cast %add3A_1281 : i32 to index
        %get3A_1283 = tpu.vector_load %arg7[%get3A_1282] {strides = array<i32>} : memref<32768xi32, #tpu.memory_space<vmem>>, vector<16xi32>,
        %get3A_1284 = vector.shape_cast %get3A_1283 : vector<16xi32> to vector<16xi32>
        %get3A_1285 = arith.index_cast %scan3A_263 : i32 to index
        %get3A_1286 = arith.constant 960 : index
        %get3A_1287 = tpu.vector_load %arg9[%get3A_1285, %get3A_1286] {strides = array<i32>} : memref<16x1024xf32, #tpu.memory_space<vmem>>, vector<1x16xf32>,
        %get3A_1288 = vector.shape_cast %get3A_1287 : vector<1x16xf32> to vector<16xf32>
        %get3A_1289 = arith.index_cast %scan3A_263 : i32 to index
        %get3A_1290 = arith.constant 976 : index
        %get3A_1291 = tpu.vector_load %arg9[%get3A_1289, %get3A_1290] {strides = array<i32>} : memref<16x1024xf32, #tpu.memory_space<vmem>>, vector<1x16xf32>,
        %get3A_1292 = vector.shape_cast %get3A_1291 : vector<1x16xf32> to vector<16xf32>
        %shift_left3A_1293 = arith.constant 16 : i32
        %shift_left3A_1294 = vector.broadcast %shift_left3A_1293 : i32 to vector<16xi32>
        %shift_left3A_1295 = arith.shli %get3A_1050, %shift_left3A_1294 : vector<16xi32>
        %bitcast_convert_type3A_1296 = tpu.bitcast %shift_left3A_1295 : vector<16xi32> -> vector<16xf32>
        %and3A_1297 = arith.constant -65536 : i32
        %and3A_1298 = vector.broadcast %and3A_1297 : i32 to vector<16xi32>
        %and3A_1299 = arith.andi %get3A_1050, %and3A_1298 : vector<16xi32>
        %bitcast_convert_type3A_1300 = tpu.bitcast %and3A_1299 : vector<16xi32> -> vector<16xf32>
        %mul3A_1301 = arith.constant 3.200000e+01 : f32
        %mul3A_1302 = vector.broadcast %mul3A_1301 : f32 to vector<16xf32>
        %mul3A_1303 = arith.mulf %get3A_1054, %mul3A_1302 : vector<16xf32>
        %add3A_1304 = arith.addf %mul3A_1303, %bitcast_convert_type3A_1296 : vector<16xf32>
        %swap3A_1305 = arith.index_cast %scan3A_263 : i32 to index
        %swap3A_1306 = arith.constant 768 : index
        %swap3A_1307 = tpu.vector_load %arg11[%swap3A_1305, %swap3A_1306] {strides = array<i32>} : memref<16x1024xf32, #tpu.memory_space<vmem>>, vector<1x16xf32>,
        %swap3A_1308 = vector.shape_cast %swap3A_1307 : vector<1x16xf32> to vector<16xf32>
        %swap3A_1309 = vector.shape_cast %add3A_1304 : vector<16xf32> to vector<1x16xf32>
        tpu.vector_store %arg11[%swap3A_1305, %swap3A_1306], %swap3A_1309 {strides = array<i32>} : memref<16x1024xf32, #tpu.memory_space<vmem>>, vector<1x16xf32>,
        %mul3A_1310 = arith.constant 3.200000e+01 : f32
        %mul3A_1311 = vector.broadcast %mul3A_1310 : f32 to vector<16xf32>
        %mul3A_1312 = arith.mulf %get3A_1058, %mul3A_1311 : vector<16xf32>
        %add3A_1313 = arith.addf %mul3A_1312, %bitcast_convert_type3A_1300 : vector<16xf32>
        %swap3A_1314 = arith.index_cast %scan3A_263 : i32 to index
        %swap3A_1315 = arith.constant 784 : index
        %swap3A_1316 = tpu.vector_load %arg11[%swap3A_1314, %swap3A_1315] {strides = array<i32>} : memref<16x1024xf32, #tpu.memory_space<vmem>>, vector<1x16xf32>,
        %swap3A_1317 = vector.shape_cast %swap3A_1316 : vector<1x16xf32> to vector<16xf32>
        %swap3A_1318 = vector.shape_cast %add3A_1313 : vector<16xf32> to vector<1x16xf32>
        tpu.vector_store %arg11[%swap3A_1314, %swap3A_1315], %swap3A_1318 {strides = array<i32>} : memref<16x1024xf32, #tpu.memory_space<vmem>>, vector<1x16xf32>,
        %add3A_1319 = arith.constant 496 : i32
        %add3A_1320 = arith.addi %mul3A_269, %add3A_1319 : i32
        %get3A_1321 = arith.index_cast %add3A_1320 : i32 to index
        %get3A_1322 = tpu.vector_load %arg7[%get3A_1321] {strides = array<i32>} : memref<32768xi32, #tpu.memory_space<vmem>>, vector<16xi32>,
        %get3A_1323 = vector.shape_cast %get3A_1322 : vector<16xi32> to vector<16xi32>
        %get3A_1324 = arith.index_cast %scan3A_263 : i32 to index
        %get3A_1325 = arith.constant 992 : index
        %get3A_1326 = tpu.vector_load %arg9[%get3A_1324, %get3A_1325] {strides = array<i32>} : memref<16x1024xf32, #tpu.memory_space<vmem>>, vector<1x16xf32>,
        %get3A_1327 = vector.shape_cast %get3A_1326 : vector<1x16xf32> to vector<16xf32>
        %get3A_1328 = arith.index_cast %scan3A_263 : i32 to index
        %get3A_1329 = arith.constant 1008 : index
        %get3A_1330 = tpu.vector_load %arg9[%get3A_1328, %get3A_1329] {strides = array<i32>} : memref<16x1024xf32, #tpu.memory_space<vmem>>, vector<1x16xf32>,
        %get3A_1331 = vector.shape_cast %get3A_1330 : vector<1x16xf32> to vector<16xf32>
        %shift_left3A_1332 = arith.constant 16 : i32
        %shift_left3A_1333 = vector.broadcast %shift_left3A_1332 : i32 to vector<16xi32>
        %shift_left3A_1334 = arith.shli %get3A_1089, %shift_left3A_1333 : vector<16xi32>
        %bitcast_convert_type3A_1335 = tpu.bitcast %shift_left3A_1334 : vector<16xi32> -> vector<16xf32>
        %and3A_1336 = arith.constant -65536 : i32
        %and3A_1337 = vector.broadcast %and3A_1336 : i32 to vector<16xi32>
        %and3A_1338 = arith.andi %get3A_1089, %and3A_1337 : vector<16xi32>
        %bitcast_convert_type3A_1339 = tpu.bitcast %and3A_1338 : vector<16xi32> -> vector<16xf32>
        %mul3A_1340 = arith.constant 3.200000e+01 : f32
        %mul3A_1341 = vector.broadcast %mul3A_1340 : f32 to vector<16xf32>
        %mul3A_1342 = arith.mulf %get3A_1093, %mul3A_1341 : vector<16xf32>
        %add3A_1343 = arith.addf %mul3A_1342, %bitcast_convert_type3A_1335 : vector<16xf32>
        %swap3A_1344 = arith.index_cast %scan3A_263 : i32 to index
        %swap3A_1345 = arith.constant 800 : index
        %swap3A_1346 = tpu.vector_load %arg11[%swap3A_1344, %swap3A_1345] {strides = array<i32>} : memref<16x1024xf32, #tpu.memory_space<vmem>>, vector<1x16xf32>,
        %swap3A_1347 = vector.shape_cast %swap3A_1346 : vector<1x16xf32> to vector<16xf32>
        %swap3A_1348 = vector.shape_cast %add3A_1343 : vector<16xf32> to vector<1x16xf32>
        tpu.vector_store %arg11[%swap3A_1344, %swap3A_1345], %swap3A_1348 {strides = array<i32>} : memref<16x1024xf32, #tpu.memory_space<vmem>>, vector<1x16xf32>,
        %mul3A_1349 = arith.constant 3.200000e+01 : f32
        %mul3A_1350 = vector.broadcast %mul3A_1349 : f32 to vector<16xf32>
        %mul3A_1351 = arith.mulf %get3A_1097, %mul3A_1350 : vector<16xf32>
        %add3A_1352 = arith.addf %mul3A_1351, %bitcast_convert_type3A_1339 : vector<16xf32>
        %swap3A_1353 = arith.index_cast %scan3A_263 : i32 to index
        %swap3A_1354 = arith.constant 816 : index
        %swap3A_1355 = tpu.vector_load %arg11[%swap3A_1353, %swap3A_1354] {strides = array<i32>} : memref<16x1024xf32, #tpu.memory_space<vmem>>, vector<1x16xf32>,
        %swap3A_1356 = vector.shape_cast %swap3A_1355 : vector<1x16xf32> to vector<16xf32>
        %swap3A_1357 = vector.shape_cast %add3A_1352 : vector<16xf32> to vector<1x16xf32>
        tpu.vector_store %arg11[%swap3A_1353, %swap3A_1354], %swap3A_1357 {strides = array<i32>} : memref<16x1024xf32, #tpu.memory_space<vmem>>, vector<1x16xf32>,
        %shift_left3A_1358 = arith.constant 16 : i32
        %shift_left3A_1359 = vector.broadcast %shift_left3A_1358 : i32 to vector<16xi32>
        %shift_left3A_1360 = arith.shli %get3A_1128, %shift_left3A_1359 : vector<16xi32>
        %bitcast_convert_type3A_1361 = tpu.bitcast %shift_left3A_1360 : vector<16xi32> -> vector<16xf32>
        %and3A_1362 = arith.constant -65536 : i32
        %and3A_1363 = vector.broadcast %and3A_1362 : i32 to vector<16xi32>
        %and3A_1364 = arith.andi %get3A_1128, %and3A_1363 : vector<16xi32>
        %bitcast_convert_type3A_1365 = tpu.bitcast %and3A_1364 : vector<16xi32> -> vector<16xf32>
        %mul3A_1366 = arith.constant 3.200000e+01 : f32
        %mul3A_1367 = vector.broadcast %mul3A_1366 : f32 to vector<16xf32>
        %mul3A_1368 = arith.mulf %get3A_1132, %mul3A_1367 : vector<16xf32>
        %add3A_1369 = arith.addf %mul3A_1368, %bitcast_convert_type3A_1361 : vector<16xf32>
        %swap3A_1370 = arith.index_cast %scan3A_263 : i32 to index
        %swap3A_1371 = arith.constant 832 : index
        %swap3A_1372 = tpu.vector_load %arg11[%swap3A_1370, %swap3A_1371] {strides = array<i32>} : memref<16x1024xf32, #tpu.memory_space<vmem>>, vector<1x16xf32>,
        %swap3A_1373 = vector.shape_cast %swap3A_1372 : vector<1x16xf32> to vector<16xf32>
        %swap3A_1374 = vector.shape_cast %add3A_1369 : vector<16xf32> to vector<1x16xf32>
        tpu.vector_store %arg11[%swap3A_1370, %swap3A_1371], %swap3A_1374 {strides = array<i32>} : memref<16x1024xf32, #tpu.memory_space<vmem>>, vector<1x16xf32>,
        %mul3A_1375 = arith.constant 3.200000e+01 : f32
        %mul3A_1376 = vector.broadcast %mul3A_1375 : f32 to vector<16xf32>
        %mul3A_1377 = arith.mulf %get3A_1136, %mul3A_1376 : vector<16xf32>
        %add3A_1378 = arith.addf %mul3A_1377, %bitcast_convert_type3A_1365 : vector<16xf32>
        %swap3A_1379 = arith.index_cast %scan3A_263 : i32 to index
        %swap3A_1380 = arith.constant 848 : index
        %swap3A_1381 = tpu.vector_load %arg11[%swap3A_1379, %swap3A_1380] {strides = array<i32>} : memref<16x1024xf32, #tpu.memory_space<vmem>>, vector<1x16xf32>,
        %swap3A_1382 = vector.shape_cast %swap3A_1381 : vector<1x16xf32> to vector<16xf32>
        %swap3A_1383 = vector.shape_cast %add3A_1378 : vector<16xf32> to vector<1x16xf32>
        tpu.vector_store %arg11[%swap3A_1379, %swap3A_1380], %swap3A_1383 {strides = array<i32>} : memref<16x1024xf32, #tpu.memory_space<vmem>>, vector<1x16xf32>,
        %shift_left3A_1384 = arith.constant 16 : i32
        %shift_left3A_1385 = vector.broadcast %shift_left3A_1384 : i32 to vector<16xi32>
        %shift_left3A_1386 = arith.shli %get3A_1167, %shift_left3A_1385 : vector<16xi32>
        %bitcast_convert_type3A_1387 = tpu.bitcast %shift_left3A_1386 : vector<16xi32> -> vector<16xf32>
        %and3A_1388 = arith.constant -65536 : i32
        %and3A_1389 = vector.broadcast %and3A_1388 : i32 to vector<16xi32>
        %and3A_1390 = arith.andi %get3A_1167, %and3A_1389 : vector<16xi32>
        %bitcast_convert_type3A_1391 = tpu.bitcast %and3A_1390 : vector<16xi32> -> vector<16xf32>
        %mul3A_1392 = arith.constant 3.200000e+01 : f32
        %mul3A_1393 = vector.broadcast %mul3A_1392 : f32 to vector<16xf32>
        %mul3A_1394 = arith.mulf %get3A_1171, %mul3A_1393 : vector<16xf32>
        %add3A_1395 = arith.addf %mul3A_1394, %bitcast_convert_type3A_1387 : vector<16xf32>
        %swap3A_1396 = arith.index_cast %scan3A_263 : i32 to index
        %swap3A_1397 = arith.constant 864 : index
        %swap3A_1398 = tpu.vector_load %arg11[%swap3A_1396, %swap3A_1397] {strides = array<i32>} : memref<16x1024xf32, #tpu.memory_space<vmem>>, vector<1x16xf32>,
        %swap3A_1399 = vector.shape_cast %swap3A_1398 : vector<1x16xf32> to vector<16xf32>
        %swap3A_1400 = vector.shape_cast %add3A_1395 : vector<16xf32> to vector<1x16xf32>
        tpu.vector_store %arg11[%swap3A_1396, %swap3A_1397], %swap3A_1400 {strides = array<i32>} : memref<16x1024xf32, #tpu.memory_space<vmem>>, vector<1x16xf32>,
        %mul3A_1401 = arith.constant 3.200000e+01 : f32
        %mul3A_1402 = vector.broadcast %mul3A_1401 : f32 to vector<16xf32>
        %mul3A_1403 = arith.mulf %get3A_1175, %mul3A_1402 : vector<16xf32>
        %add3A_1404 = arith.addf %mul3A_1403, %bitcast_convert_type3A_1391 : vector<16xf32>
        %swap3A_1405 = arith.index_cast %scan3A_263 : i32 to index
        %swap3A_1406 = arith.constant 880 : index
        %swap3A_1407 = tpu.vector_load %arg11[%swap3A_1405, %swap3A_1406] {strides = array<i32>} : memref<16x1024xf32, #tpu.memory_space<vmem>>, vector<1x16xf32>,
        %swap3A_1408 = vector.shape_cast %swap3A_1407 : vector<1x16xf32> to vector<16xf32>
        %swap3A_1409 = vector.shape_cast %add3A_1404 : vector<16xf32> to vector<1x16xf32>
        tpu.vector_store %arg11[%swap3A_1405, %swap3A_1406], %swap3A_1409 {strides = array<i32>} : memref<16x1024xf32, #tpu.memory_space<vmem>>, vector<1x16xf32>,
        %shift_left3A_1410 = arith.constant 16 : i32
        %shift_left3A_1411 = vector.broadcast %shift_left3A_1410 : i32 to vector<16xi32>
        %shift_left3A_1412 = arith.shli %get3A_1206, %shift_left3A_1411 : vector<16xi32>
        %bitcast_convert_type3A_1413 = tpu.bitcast %shift_left3A_1412 : vector<16xi32> -> vector<16xf32>
        %and3A_1414 = arith.constant -65536 : i32
        %and3A_1415 = vector.broadcast %and3A_1414 : i32 to vector<16xi32>
        %and3A_1416 = arith.andi %get3A_1206, %and3A_1415 : vector<16xi32>
        %bitcast_convert_type3A_1417 = tpu.bitcast %and3A_1416 : vector<16xi32> -> vector<16xf32>
        %mul3A_1418 = arith.constant 3.200000e+01 : f32
        %mul3A_1419 = vector.broadcast %mul3A_1418 : f32 to vector<16xf32>
        %mul3A_1420 = arith.mulf %get3A_1210, %mul3A_1419 : vector<16xf32>
        %add3A_1421 = arith.addf %mul3A_1420, %bitcast_convert_type3A_1413 : vector<16xf32>
        %swap3A_1422 = arith.index_cast %scan3A_263 : i32 to index
        %swap3A_1423 = arith.constant 896 : index
        %swap3A_1424 = tpu.vector_load %arg11[%swap3A_1422, %swap3A_1423] {strides = array<i32>} : memref<16x1024xf32, #tpu.memory_space<vmem>>, vector<1x16xf32>,
        %swap3A_1425 = vector.shape_cast %swap3A_1424 : vector<1x16xf32> to vector<16xf32>
        %swap3A_1426 = vector.shape_cast %add3A_1421 : vector<16xf32> to vector<1x16xf32>
        tpu.vector_store %arg11[%swap3A_1422, %swap3A_1423], %swap3A_1426 {strides = array<i32>} : memref<16x1024xf32, #tpu.memory_space<vmem>>, vector<1x16xf32>,
        %mul3A_1427 = arith.constant 3.200000e+01 : f32
        %mul3A_1428 = vector.broadcast %mul3A_1427 : f32 to vector<16xf32>
        %mul3A_1429 = arith.mulf %get3A_1214, %mul3A_1428 : vector<16xf32>
        %add3A_1430 = arith.addf %mul3A_1429, %bitcast_convert_type3A_1417 : vector<16xf32>
        %swap3A_1431 = arith.index_cast %scan3A_263 : i32 to index
        %swap3A_1432 = arith.constant 912 : index
        %swap3A_1433 = tpu.vector_load %arg11[%swap3A_1431, %swap3A_1432] {strides = array<i32>} : memref<16x1024xf32, #tpu.memory_space<vmem>>, vector<1x16xf32>,
        %swap3A_1434 = vector.shape_cast %swap3A_1433 : vector<1x16xf32> to vector<16xf32>
        %swap3A_1435 = vector.shape_cast %add3A_1430 : vector<16xf32> to vector<1x16xf32>
        tpu.vector_store %arg11[%swap3A_1431, %swap3A_1432], %swap3A_1435 {strides = array<i32>} : memref<16x1024xf32, #tpu.memory_space<vmem>>, vector<1x16xf32>,
        %shift_left3A_1436 = arith.constant 16 : i32
        %shift_left3A_1437 = vector.broadcast %shift_left3A_1436 : i32 to vector<16xi32>
        %shift_left3A_1438 = arith.shli %get3A_1245, %shift_left3A_1437 : vector<16xi32>
        %bitcast_convert_type3A_1439 = tpu.bitcast %shift_left3A_1438 : vector<16xi32> -> vector<16xf32>
        %and3A_1440 = arith.constant -65536 : i32
        %and3A_1441 = vector.broadcast %and3A_1440 : i32 to vector<16xi32>
        %and3A_1442 = arith.andi %get3A_1245, %and3A_1441 : vector<16xi32>
        %bitcast_convert_type3A_1443 = tpu.bitcast %and3A_1442 : vector<16xi32> -> vector<16xf32>
        %mul3A_1444 = arith.constant 3.200000e+01 : f32
        %mul3A_1445 = vector.broadcast %mul3A_1444 : f32 to vector<16xf32>
        %mul3A_1446 = arith.mulf %get3A_1249, %mul3A_1445 : vector<16xf32>
        %add3A_1447 = arith.addf %mul3A_1446, %bitcast_convert_type3A_1439 : vector<16xf32>
        %swap3A_1448 = arith.index_cast %scan3A_263 : i32 to index
        %swap3A_1449 = arith.constant 928 : index
        %swap3A_1450 = tpu.vector_load %arg11[%swap3A_1448, %swap3A_1449] {strides = array<i32>} : memref<16x1024xf32, #tpu.memory_space<vmem>>, vector<1x16xf32>,
        %swap3A_1451 = vector.shape_cast %swap3A_1450 : vector<1x16xf32> to vector<16xf32>
        %swap3A_1452 = vector.shape_cast %add3A_1447 : vector<16xf32> to vector<1x16xf32>
        tpu.vector_store %arg11[%swap3A_1448, %swap3A_1449], %swap3A_1452 {strides = array<i32>} : memref<16x1024xf32, #tpu.memory_space<vmem>>, vector<1x16xf32>,
        %mul3A_1453 = arith.constant 3.200000e+01 : f32
        %mul3A_1454 = vector.broadcast %mul3A_1453 : f32 to vector<16xf32>
        %mul3A_1455 = arith.mulf %get3A_1253, %mul3A_1454 : vector<16xf32>
        %add3A_1456 = arith.addf %mul3A_1455, %bitcast_convert_type3A_1443 : vector<16xf32>
        %swap3A_1457 = arith.index_cast %scan3A_263 : i32 to index
        %swap3A_1458 = arith.constant 944 : index
        %swap3A_1459 = tpu.vector_load %arg11[%swap3A_1457, %swap3A_1458] {strides = array<i32>} : memref<16x1024xf32, #tpu.memory_space<vmem>>, vector<1x16xf32>,
        %swap3A_1460 = vector.shape_cast %swap3A_1459 : vector<1x16xf32> to vector<16xf32>
        %swap3A_1461 = vector.shape_cast %add3A_1456 : vector<16xf32> to vector<1x16xf32>
        tpu.vector_store %arg11[%swap3A_1457, %swap3A_1458], %swap3A_1461 {strides = array<i32>} : memref<16x1024xf32, #tpu.memory_space<vmem>>, vector<1x16xf32>,
        %shift_left3A_1462 = arith.constant 16 : i32
        %shift_left3A_1463 = vector.broadcast %shift_left3A_1462 : i32 to vector<16xi32>
        %shift_left3A_1464 = arith.shli %get3A_1284, %shift_left3A_1463 : vector<16xi32>
        %bitcast_convert_type3A_1465 = tpu.bitcast %shift_left3A_1464 : vector<16xi32> -> vector<16xf32>
        %and3A_1466 = arith.constant -65536 : i32
        %and3A_1467 = vector.broadcast %and3A_1466 : i32 to vector<16xi32>
        %and3A_1468 = arith.andi %get3A_1284, %and3A_1467 : vector<16xi32>
        %bitcast_convert_type3A_1469 = tpu.bitcast %and3A_1468 : vector<16xi32> -> vector<16xf32>
        %mul3A_1470 = arith.constant 3.200000e+01 : f32
        %mul3A_1471 = vector.broadcast %mul3A_1470 : f32 to vector<16xf32>
        %mul3A_1472 = arith.mulf %get3A_1288, %mul3A_1471 : vector<16xf32>
        %add3A_1473 = arith.addf %mul3A_1472, %bitcast_convert_type3A_1465 : vector<16xf32>
        %swap3A_1474 = arith.index_cast %scan3A_263 : i32 to index
        %swap3A_1475 = arith.constant 960 : index
        %swap3A_1476 = tpu.vector_load %arg11[%swap3A_1474, %swap3A_1475] {strides = array<i32>} : memref<16x1024xf32, #tpu.memory_space<vmem>>, vector<1x16xf32>,
        %swap3A_1477 = vector.shape_cast %swap3A_1476 : vector<1x16xf32> to vector<16xf32>
        %swap3A_1478 = vector.shape_cast %add3A_1473 : vector<16xf32> to vector<1x16xf32>
        tpu.vector_store %arg11[%swap3A_1474, %swap3A_1475], %swap3A_1478 {strides = array<i32>} : memref<16x1024xf32, #tpu.memory_space<vmem>>, vector<1x16xf32>,
        %mul3A_1479 = arith.constant 3.200000e+01 : f32
        %mul3A_1480 = vector.broadcast %mul3A_1479 : f32 to vector<16xf32>
        %mul3A_1481 = arith.mulf %get3A_1292, %mul3A_1480 : vector<16xf32>
        %add3A_1482 = arith.addf %mul3A_1481, %bitcast_convert_type3A_1469 : vector<16xf32>
        %swap3A_1483 = arith.index_cast %scan3A_263 : i32 to index
        %swap3A_1484 = arith.constant 976 : index
        %swap3A_1485 = tpu.vector_load %arg11[%swap3A_1483, %swap3A_1484] {strides = array<i32>} : memref<16x1024xf32, #tpu.memory_space<vmem>>, vector<1x16xf32>,
        %swap3A_1486 = vector.shape_cast %swap3A_1485 : vector<1x16xf32> to vector<16xf32>
        %swap3A_1487 = vector.shape_cast %add3A_1482 : vector<16xf32> to vector<1x16xf32>
        tpu.vector_store %arg11[%swap3A_1483, %swap3A_1484], %swap3A_1487 {strides = array<i32>} : memref<16x1024xf32, #tpu.memory_space<vmem>>, vector<1x16xf32>,
        %shift_left3A_1488 = arith.constant 16 : i32
        %shift_left3A_1489 = vector.broadcast %shift_left3A_1488 : i32 to vector<16xi32>
        %shift_left3A_1490 = arith.shli %get3A_1323, %shift_left3A_1489 : vector<16xi32>
        %bitcast_convert_type3A_1491 = tpu.bitcast %shift_left3A_1490 : vector<16xi32> -> vector<16xf32>
        %and3A_1492 = arith.constant -65536 : i32
        %and3A_1493 = vector.broadcast %and3A_1492 : i32 to vector<16xi32>
        %and3A_1494 = arith.andi %get3A_1323, %and3A_1493 : vector<16xi32>
        %bitcast_convert_type3A_1495 = tpu.bitcast %and3A_1494 : vector<16xi32> -> vector<16xf32>
        %mul3A_1496 = arith.constant 3.200000e+01 : f32
        %mul3A_1497 = vector.broadcast %mul3A_1496 : f32 to vector<16xf32>
        %mul3A_1498 = arith.mulf %get3A_1327, %mul3A_1497 : vector<16xf32>
        %add3A_1499 = arith.addf %mul3A_1498, %bitcast_convert_type3A_1491 : vector<16xf32>
        %swap3A_1500 = arith.index_cast %scan3A_263 : i32 to index
        %swap3A_1501 = arith.constant 992 : index
        %swap3A_1502 = tpu.vector_load %arg11[%swap3A_1500, %swap3A_1501] {strides = array<i32>} : memref<16x1024xf32, #tpu.memory_space<vmem>>, vector<1x16xf32>,
        %swap3A_1503 = vector.shape_cast %swap3A_1502 : vector<1x16xf32> to vector<16xf32>
        %swap3A_1504 = vector.shape_cast %add3A_1499 : vector<16xf32> to vector<1x16xf32>
        tpu.vector_store %arg11[%swap3A_1500, %swap3A_1501], %swap3A_1504 {strides = array<i32>} : memref<16x1024xf32, #tpu.memory_space<vmem>>, vector<1x16xf32>,
        %mul3A_1505 = arith.constant 3.200000e+01 : f32
        %mul3A_1506 = vector.broadcast %mul3A_1505 : f32 to vector<16xf32>
        %mul3A_1507 = arith.mulf %get3A_1331, %mul3A_1506 : vector<16xf32>
        %add3A_1508 = arith.addf %mul3A_1507, %bitcast_convert_type3A_1495 : vector<16xf32>
        %swap3A_1509 = arith.index_cast %scan3A_263 : i32 to index
        %swap3A_1510 = arith.constant 1008 : index
        %swap3A_1511 = tpu.vector_load %arg11[%swap3A_1509, %swap3A_1510] {strides = array<i32>} : memref<16x1024xf32, #tpu.memory_space<vmem>>, vector<1x16xf32>,
        %swap3A_1512 = vector.shape_cast %swap3A_1511 : vector<1x16xf32> to vector<16xf32>
        %swap3A_1513 = vector.shape_cast %add3A_1508 : vector<16xf32> to vector<1x16xf32>
        tpu.vector_store %arg11[%swap3A_1509, %swap3A_1510], %swap3A_1513 {strides = array<i32>} : memref<16x1024xf32, #tpu.memory_space<vmem>>, vector<1x16xf32>,
        %scan3A_1514 = arith.constant 0 : i32
        scf.yield %scan3A_1514 : i32
      }
      %scan3A_247 = arith.constant 16 : i32
      %mul3A_248 = arith.constant 16 : i32
      %mul3A_249 = arith.muli %select_n3A_229, %mul3A_248 : i32
      %add3A_250 = arith.addi %mul3A_2, %mul3A_249 : i32
      %dma_start3A_251 = arith.constant 0 : i32
      %dma_start3A_252 = tpu.memref_slice %arg5[%select_n3A_213, %add3A_250, %dma_start3A_251] : memref<4x2048x1024xf32, #tpu.memory_space<hbm>> -> memref<1x16x1024xf32, #tpu.memory_space<hbm>>
      %dma_start3A_253 = tpu.memref_squeeze %dma_start3A_252 : memref<1x16x1024xf32, #tpu.memory_space<hbm>> -> memref<16x1024xf32, #tpu.memory_space<hbm>>
      %dma_start3A_254 = arith.constant 0 : i32
      %dma_start3A_255 = tpu.memref_slice %arg5[%select_n3A_213, %add3A_250, %dma_start3A_254] : memref<4x2048x1024xf32, #tpu.memory_space<hbm>> -> memref<1x16x1024xf32, #tpu.memory_space<hbm>>
      %dma_start3A_256 = tpu.memref_squeeze %dma_start3A_255 : memref<1x16x1024xf32, #tpu.memory_space<hbm>> -> memref<16x1024xf32, #tpu.memory_space<hbm>>
      tpu.enqueue_dma source(%arg11 : memref<16x1024xf32, #tpu.memory_space<vmem>>) target(%dma_start3A_256 : memref<16x1024xf32, #tpu.memory_space<hbm>>) target_semaphore(%arg15 : memref<!tpu.dma_semaphore, #tpu.memory_space<semaphore_mem>>)
      %lt3A_257 = arith.constant 14 : i32
      %lt3A_258 = arith.cmpi slt, %add3A_189, %lt3A_257 : i32
      %convert_element_type3A_259 = arith.extui %lt3A_258 : i1 to i32
      %cond3A_260 = arith.constant 0 : i32
      %cond3A_261 = arith.cmpi ne, %convert_element_type3A_259, %cond3A_260 : i32
      scf.if %cond3A_261 {
        %add3A_263 = arith.constant 2 : i32
        %add3A_264 = arith.addi %add3A_189, %add3A_263 : i32
        %mul3A_265 = arith.constant 16 : i32
        %mul3A_266 = arith.muli %add3A_264, %mul3A_265 : i32
        %dma_start3A_267 = tpu.memref_slice %arg6[%mul3A_266] : memref<256xi32, #tpu.memory_space<vmem>> -> memref<16xi32, #tpu.memory_space<vmem>>
        %dma_start3A_268 = arith.constant 0 : i32
        %dma_start3A_269 = arith.constant 0 : i32
        %dma_start3A_270 = tpu.memref_slice %arg4[%dma_start3A_268, %dma_start3A_269] : memref<100000x1024xf32, #tpu.memory_space<hbm>> -> memref<100000x1024xf32, #tpu.memory_space<hbm>>
        tpu.enqueue_indirect_dma source(%dma_start3A_270 : memref<100000x1024xf32, #tpu.memory_space<hbm>>) target(%arg9 : memref<16x1024xf32, #tpu.memory_space<vmem>>) offsets(%dma_start3A_267 : memref<16xi32, #tpu.memory_space<vmem>>) semaphore(%arg13 : memref<!tpu.dma_semaphore, #tpu.memory_space<semaphore_mem>>)
      } else {
      }
      %scan3A_262 = arith.constant 0 : i32
      scf.yield %scan3A_262 : i32
    }
    %scan3A_102 = arith.constant 8 : i32
    %dma_wait3A_103 = arith.constant 0 : i32
    %dma_wait3A_104 = arith.constant 0 : i32
    %dma_wait3A_105 = arith.constant 0 : i32
    %dma_wait3A_106 = tpu.memref_slice %arg5[%dma_wait3A_103, %dma_wait3A_104, %dma_wait3A_105] : memref<4x2048x1024xf32, #tpu.memory_space<hbm>> -> memref<1x16x1024xf32, #tpu.memory_space<hbm>>
    %dma_wait3A_107 = tpu.memref_squeeze %dma_wait3A_106 : memref<1x16x1024xf32, #tpu.memory_space<hbm>> -> memref<16x1024xf32, #tpu.memory_space<hbm>>
    %dma_wait3A_108 = arith.constant 0 : i32
    %dma_wait3A_109 = arith.constant 0 : i32
    %dma_wait3A_110 = tpu.memref_slice %arg5[%dma_wait3A_103, %dma_wait3A_108, %dma_wait3A_109] : memref<4x2048x1024xf32, #tpu.memory_space<hbm>> -> memref<1x16x1024xf32, #tpu.memory_space<hbm>>
    %dma_wait3A_111 = tpu.memref_squeeze %dma_wait3A_110 : memref<1x16x1024xf32, #tpu.memory_space<hbm>> -> memref<16x1024xf32, #tpu.memory_space<hbm>>
    tpu.wait_dma2 semaphore(%arg14 : memref<!tpu.dma_semaphore, #tpu.memory_space<semaphore_mem>>) src(%arg10 : memref<16x1024xf32, #tpu.memory_space<vmem>>) dst(%dma_wait3A_111 : memref<16x1024xf32, #tpu.memory_space<hbm>>)
    %dma_wait3A_112 = arith.constant 0 : i32
    %dma_wait3A_113 = arith.constant 0 : i32
    %dma_wait3A_114 = arith.constant 0 : i32
    %dma_wait3A_115 = tpu.memref_slice %arg5[%dma_wait3A_112, %dma_wait3A_113, %dma_wait3A_114] : memref<4x2048x1024xf32, #tpu.memory_space<hbm>> -> memref<1x16x1024xf32, #tpu.memory_space<hbm>>
    %dma_wait3A_116 = tpu.memref_squeeze %dma_wait3A_115 : memref<1x16x1024xf32, #tpu.memory_space<hbm>> -> memref<16x1024xf32, #tpu.memory_space<hbm>>
    %dma_wait3A_117 = arith.constant 0 : i32
    %dma_wait3A_118 = arith.constant 0 : i32
    %dma_wait3A_119 = tpu.memref_slice %arg5[%dma_wait3A_112, %dma_wait3A_117, %dma_wait3A_118] : memref<4x2048x1024xf32, #tpu.memory_space<hbm>> -> memref<1x16x1024xf32, #tpu.memory_space<hbm>>
    %dma_wait3A_120 = tpu.memref_squeeze %dma_wait3A_119 : memref<1x16x1024xf32, #tpu.memory_space<hbm>> -> memref<16x1024xf32, #tpu.memory_space<hbm>>
    tpu.wait_dma2 semaphore(%arg15 : memref<!tpu.dma_semaphore, #tpu.memory_space<semaphore_mem>>) src(%arg11 : memref<16x1024xf32, #tpu.memory_space<vmem>>) dst(%dma_wait3A_120 : memref<16x1024xf32, #tpu.memory_space<hbm>>)
    return
  }
}

</mosaic_0001>

<sc_bundles>
// kernel: kernel.3.cloned.1.call-start
scs
__scs_entry_jumppad:
0x0: {  	(pc) =	sbr.rel $0x88, $3  }
0x1: {  	(tag) =	ssettag $0x0;
	lr =	simm.s32 $0x1  }
0x2: {  	[smem:$0x3F9F] =	sst lr;
	_ =	strace $0xD0000000  }
0x3: {  	_ = 	snop  }
0x4: {  	_ = 	snop  }
0x5: {  	_ = 	snop  }
0x6: {  	_ = 	snop  }
0x7: {  	_ = 	snop  }
__scs_overlays_trampoline_lowered:
0x8: {  	[smem:$0x3FAE] =	sst s0  }
0x9: {  	[smem:$0x3FAF] =	sst s1  }
0xa: {  	[smem:$0x3FB0] =	sst s2  }
0xb: {  	[smem:$0x3FB1] =	sst s3  }
0xc: {  	[smem:$0x3FB2] =	sst s4  }
0xd: {  	[smem:$0x3FB3] =	sst s5  }
0xe: {  	[smem:$0x3FB4] =	sst s6  }
0xf: {  	[smem:$0x3FB5] =	sst s7  }
0x10: {  	[smem:$0x3FB6] =	sst s8  }
0x11: {  	[smem:$0x3FB7] =	sst s9;
	s0 =	simm.s32 @!p0 $0x0  }
0x12: {  	s1 =	sld [smem:$0x3F9D];
	s0 =	simm.s32 @p0 $0x1  }
0x13: {  	[smem:$0x3FB8] =	sst s0;
	s0 =	simm.s32 @!p1 $0x0  }
0x14: {  	s2 =	sld [smem:$0x3F9C];
	s0 =	simm.s32 @p1 $0x1  }
0x15: {  	[smem:$0x3FB9] =	sst s0;
	s0 =	simm.s32 @!p2 $0x0  }
0x16: {  	s3 =	sld [smem:$0x3FDB];
	s0 =	simm.s32 @p2 $0x1  }
0x17: {  	s4 =	simm.s32 $0x1BF5;
	[smem:$0x3FBB] =	sst s0  }
0x18: {  	s0 =	sld [smem:$0x3F9E];
	_ =	swait.ge [sflag:s4], $0x0  }
0x19: {  	s7 =	sld [smem:$0x3F9F]  }
0x1a: {  	s8 =	sadd.s32 $0xFFFFE003, lr  }
0x1b: {  	s9 =	sadd.s32 $0xFFFFFEF7, lr;
	s5 =	simm.s32 $0xFFFFFFFF;
	p2 =	slt.u32 s8, $0xFFFFF086  }
0x1c: {  	p1 =	slt.u32 s9, $0xF7A;
	s5 =	simm.s32 @!p2 $0x0  }
0x1d: {  	s5 =	simm.s32 @p1 $0x1;
	p0 =	seq.s32 s7, s2  }
0x1e: {  	s7 =	smul.u32 @!p0 $0xF7A, s2;
	p2 =	seq.s32 @!p0 s5, $0x0  }
0x1f: {  	s9 =	smul.u32 $0xF7A, s1;
	s8 =	simm.s32 @!p0 $0x1BF5;
	p2 =	por !p2, p0  }
0x20: {  	[sflag:s8] =	ssyncset.s32 @!p0 $0xFFFFF086;
	s6 =	sadd.s32 @!p0 s3, s7;
	s7 =	simm.s32 @!p0 $0x108  }
0x21: {  	s3 =	sadd.s32 s3, s9;
	s6 =	sadd.s32 @!p0 $0x88, s6;
	s7 =	simm.s32 @p2 $0x1082  }
0x22: {  	[simem:s7], [sflag:s8] =	dma.local @!p0 [hbm:s6], $0xF7A  }
0x23: {  	s9 =	sor.u32 $0xD0000000, s2;
	s6 =	simm.s32 $0x108;
	_ =	swait.ge @!p0 [sflag:s8], $0x0  }
0x24: {  	s3 =	sadd.s32 $0x88, s3;
	s6 =	simm.s32 @!p1 $0x1082;
	[sflag:s4] =	ssyncset.s32 $0xFFFFF086  }
0x25: {  	[simem:s6], [sflag:s4] =	dma.local [hbm:s3], $0xF7A  }
0x26: {  	[smem:$0x3F9F] =	sst s1;
	(tag) =	ssettag s2;
	_ =	strace s9  }
0x27: {  	s1 =	sld [smem:$0x3FAF]  }
0x28: {  	s2 =	sld [smem:$0x3FB0]  }
0x29: {  	s4 =	sld [smem:$0x3FB2]  }
0x2a: {  	p0 =	seq.s32 s5, $0x0;
	s5 =	sld [smem:$0x3FB3]  }
0x2b: {  	s6 =	sld [smem:$0x3FB4]  }
0x2c: {  	s7 =	sld [smem:$0x3FB5]  }
0x2d: {  	s3 =	simm.s32 $0x108;
	s8 =	sld [smem:$0x3FB6]  }
0x2e: {  	s3 =	simm.s32 @!p0 $0x1082;
	s9 =	sld [smem:$0x3FB7]  }
0x2f: {  	lr =	sadd.s32 s0, s3;
	s0 =	sld [smem:$0x3FAE]  }
0x30: {  	s3 =	sld [smem:$0x3FB1]  }
0x31: {  	[smem:$0x3FBA] =	sst s10  }
0x32: {  	s10 =	sld [smem:$0x3FB8];
	_ =	sdelay $0x3  }
0x33: {  	p0 =	seq.s32 s10, $0x1;
	s10 =	sld [smem:$0x3FBA];
	_ =	sdelay $0x3  }
0x34: {  	[smem:$0x3FBA] =	sst s10  }
0x35: {  	s10 =	sld [smem:$0x3FB9];
	_ =	sdelay $0x3  }
0x36: {  	p1 =	seq.s32 s10, $0x1;
	s10 =	sld [smem:$0x3FBA];
	_ =	sdelay $0x3  }
0x37: {  	[smem:$0x3FBA] =	sst s10  }
0x38: {  	s10 =	sld [smem:$0x3FBB]  }
0x39: {  	_ = 	snop;
	(pc) =	sbr.ind lr, $3  }
0x3a: {  	_ = 	snop  }
0x3b: {  	_ = 	snop  }
0x3c: {  	p2 =	seq.s32 s10, $0x1;
	s10 =	sld [smem:$0x3FBA]  }
0x3d: {  	_ =	shalt  }
0x3e: {  	_ =	shalt  }
0x3f: {  	_ =	shalt  }
0x40: {  	_ =	shalt  }
0x41: {  	_ =	shalt  }
0x42: {  	_ =	shalt  }
0x43: {  	_ =	shalt  }
0x44: {  	_ =	shalt  }
0x45: {  	_ =	shalt  }
0x46: {  	_ =	shalt  }
0x47: {  	_ =	shalt  }
0x48: {  	_ =	shalt  }
0x49: {  	_ =	shalt  }
0x4a: {  	_ =	shalt  }
0x4b: {  	_ =	shalt  }
0x4c: {  	_ =	shalt  }
0x4d: {  	_ =	shalt  }
0x4e: {  	_ =	shalt  }
0x4f: {  	_ =	shalt  }
0x50: {  	_ =	shalt  }
0x51: {  	_ =	shalt  }
0x52: {  	_ =	shalt  }
0x53: {  	_ =	shalt  }
0x54: {  	_ =	shalt  }
0x55: {  	_ =	shalt  }
0x56: {  	_ =	shalt  }
0x57: {  	_ =	shalt  }
0x58: {  	_ =	shalt  }
0x59: {  	_ =	shalt  }
0x5a: {  	_ =	shalt  }
0x5b: {  	_ =	shalt  }
0x5c: {  	_ =	shalt  }
0x5d: {  	_ =	shalt  }
0x5e: {  	_ =	shalt  }
0x5f: {  	_ =	shalt  }
0x60: {  	_ =	shalt  }
0x61: {  	_ =	shalt  }
0x62: {  	_ =	shalt  }
0x63: {  	_ =	shalt  }
0x64: {  	_ =	shalt  }
0x65: {  	_ =	shalt  }
0x66: {  	_ =	shalt  }
0x67: {  	_ =	shalt  }
0x68: {  	_ =	shalt  }
0x69: {  	_ =	shalt  }
0x6a: {  	_ =	shalt  }
0x6b: {  	_ =	shalt  }
0x6c: {  	_ =	shalt  }
0x6d: {  	_ =	shalt  }
0x6e: {  	_ =	shalt  }
0x6f: {  	_ =	shalt  }
0x70: {  	_ =	shalt  }
0x71: {  	_ =	shalt  }
0x72: {  	_ =	shalt  }
0x73: {  	_ =	shalt  }
0x74: {  	_ =	shalt  }
0x75: {  	_ =	shalt  }
0x76: {  	_ =	shalt  }
0x77: {  	_ =	shalt  }
0x78: {  	_ =	shalt  }
0x79: {  	_ =	shalt  }
0x7a: {  	_ =	shalt  }
0x7b: {  	_ =	shalt  }
0x7c: {  	_ =	shalt  }
0x7d: {  	_ =	shalt  }
0x7e: {  	_ =	shalt  }
0x7f: {  	_ =	shalt  }
0x80: {  	_ =	shalt  }
0x81: {  	_ =	shalt  }
0x82: {  	_ =	shalt  }
0x83: {  	_ =	shalt  }
0x84: {  	_ =	shalt  }
0x85: {  	_ =	shalt  }
0x86: {  	_ =	shalt  }
0x87: {  	_ =	shalt  }
.Lfunc_end0:
.L_simem_size_0:
called_computation_lowered:
.L_overlay_start_0:
0x88: {  	s2 =	sld [smem:$0x3FD9]  }
0x89: {  	s3 =	sld [smem:$0x3FFE];
	_ =	sdelay $0x1  }
0x8a: {  	s1 =	srdreg.scid  }
0x8b: {  	s0 =	sand.u32 $0x1, s1  }
0x8c: {  	s17 =	sshll.u32 s0, $0xA;
	s2 =	sadd.s32 s3, s2  }
0x8d: {  	s2 =	sadd.s32 s2, s17  }
0x8e: {  	[smem:$0x3FC6] =	sst s2  }
0x8f: {  	_ = 	snop  }
0x90: {  	s2 =	sld [smem:$0x3FC8]  }
0x91: {  	s18 =	sld [smem:$0x3FD0];
	(tm) =	ssettm $0x1  }
0x92: {  	s4 =	sld [smem:$0x3FFB];
	_ =	sdelay $0x3  }
0x93: {  	_ =	strace s4  }
0x94: {  	s4 =	sld [smem:$0x3FFC];
	_ =	sdelay $0x3  }
0x95: {  	_ =	strace s4  }
0x96: {  	s4 =	sld [smem:$0x3FFD];
	_ =	sdelay $0x3  }
0x97: {  	_ =	strace s4  }
0x98: {  	_ =	strace $0x8FFFFFFF  }
0x99: {  	s19 =	sld [smem:$0x3FDB];
	_ =	sdelay $0x1  }
0x9a: {  	s5 =	simm.s32 $_scs_section_size  }
0x9b: {  	s6 =	simm.s32 $_size__tile_overlayer_lowered;
	s7 =	simm.s32 $_tile_overlayer_lowered  }
0x9c: {  	s22 =	simm.s32 $0x1BFF;
	s21 =	sshll.u32 s7, $0x1;
	s4 =	sadd.s32 s5, s19  }
0x9d: {  	s8 =	simm.s32 $0x0;
	s20 =	sshll.u32 s6, $0x1;
	s6 =	sadd.s32 s21, s4  }
0x9e: {  	[timem:s8], [sflag:s22] =	dma.local [hbm:s6], s20  }
0x9f: {  	_ =	swait.ge [sflag:s22], s20  }
0xa0: {  	s5 =	ssub.s32 $0x0, s20;
	[sflag:s22] =	ssyncset.done $0x0  }
0xa1: {  	[sflag:s22] =	ssyncadd.s32 s5;
	_ =	sdelay $0x1  }
0xa2: {  	s23 =	simm.s32 $0x1B8B  }
0xa3: {  	_ =	swait.ge [sflag:s23], $0x1  }
0xa4: {  	[sflag:s23] =	ssyncset.done $0x0  }
0xa5: {  	s25 =	simm.s32 $0x1B8E;
	s24 =	sld [smem:$0x3FFE];
	[sflag:s23] =	ssyncadd.s32 $0xFFFFFFFF  }
0xa6: {  	s26 =	simm.s32 $execute0_lowered;
	[smem:$0x3FD2] =	sst s25  }
0xa7: {  	s6 =	sshll.u32 s26, $0x1;
	_ =	strace $0x80000046;
	[dreg:$0x1] =	wrdreg $0xFFFFFFFF  }
0xa8: {  	s28 =	simm.s32 $_size_execute0_lowered;
	s4 =	sadd.s32 s4, s6;
	[dreg:$0x0] =	wrdreg $0x0  }
0xa9: {  	s6 =	sshll.u32 s28, $0x1;
	[dreg:$0x2] =	wrdreg s4  }
0xaa: {  	[dreg:$0x3] =	wrdreg s6  }
0xab: {  	[dreg:$0x4] =	wrdreg $0xC0  }
0xac: {  	_ =	task [dreg:s8], $0x5FFFF  }
0xad: {  	[dreg:$0x1] =	wrdreg $0xFFFFFFFF  }
0xae: {  	[dreg:$0x0] =	wrdreg $0x60  }
0xaf: {  	[dreg:$0x2] =	wrdreg s24  }
0xb0: {  	[dreg:$0x3] =	wrdreg s2  }
0xb1: {  	[dreg:$0x4] =	wrdreg s18  }
0xb2: {  	[dreg:$0x5] =	wrdreg $0x9  }
0xb3: {  	_ =	task.clear_ibuf [dreg:s8], $0x6FFFF;
	_ =	strace $0x90000046  }
0xb4: {  	s29 =	simm.s32 $0x9;
	_ =	strace $0x80000048  }
0xb5: {  	_ =	swait.ge [sflag:s29], $0x1  }
0xb6: {  	[sflag:s29] =	ssyncadd.s32 $0xFFFFFFFF  }
0xb7: {  	_ =	strace $0x90000048  }
0xb8: {  	_ =	sfence  }
0xb9: {  	s30 =	sld [smem:$0x0];
	_ =	sdelay $0x2  }
0xba: {  	s31 =	sshll.u32 s1, $0xD;
	s1 =	sshrl.u32 s1, $0x2  }
0xbb: {  	s3 =	sand.u32 $0x4000, s31;
	s1 =	sadd.s32 s1, s30  }
0xbc: {  	s0 =	sor.u32 s3, s0;
	s1 =	sshll.u32 s1, $0x11  }
0xbd: {  	s0 =	sor.u32 s1, s0  }
0xbe: {  	s0 =	sadd.s32 $0x8F2B, s0  }
0xbf: {  	[sflag:s0] =	ssyncadd.remote.s32 $0x1  }
0xc0: {  	_ =	sfence.sel $0xFFFF  }
0xc1: {  	[dreg:$0x0] =	wrdreg $0xFFFFFFFF;
	(pc) =	sbr.abs _section_cstart, $3  }
0xc2: {  	[dreg:$0x1] =	wrdreg $0xFFFFFFFF  }
0xc3: {  	_ =	task.clear_ibuf [dreg:s8], $0x2FFFF;
	_ =	strace $0x9FFFFFFF  }
0xc4: {  	(tm) =	ssettm $0x7FFFFFFF  }
0xc5: {  	_ =	shalt  }
tec
execute0_lowered:
.L_overlay_start_1:
0x0: {  	(tag) =	ssettag $0x1  }
0x1: {  	s0 =	rddreg [dreg:$0x0]  }
0x2: {  	s2 =	rddreg [dreg:$0x1]  }
0x3: {  	s1 =	rddreg [dreg:$0x2]  }
0x4: {  	s4 =	srdreg.scid;
	s5 =	stileid.u32;
	s3 =	simm.s32 $0x0  }
0x5: {  	s15 =	simm.s32 $0xE100;
	s16 =	simm.s32 $0xE900;
	s17 =	simm.s32 $0xF100  }
0x6: {  	s22 =	simm.s32 $0xF900;
	s24 =	simm.s32 $0x1;
	s28 =	simm.s32 $0x14100  }
0x7: {  	s4 =	sand.u32 $0x1, s4;
	s5 =	sshll.u32 s5, $0x1;
	[smem:$0x7FF] =	sst s3  }
0x8: {  	s9 =	sadd.s32 $0x100, s2;
	s10 =	sadd.s32 $0x200, s2;
	s5 =	sor.u32 s4, s5  }
0x9: {  	s11 =	sadd.s32 $0x300, s2;
	_ =	strace $0x80000047;
	s6 =	sshll.u32 s5, $0xC  }
0xa: {  	s4 =	ssub.s32 $0x2, s4;
	s7 =	sshll.u32 s5, $0x3;
	s6 =	sadd.s32 s6, s0  }
0xb: {  	s8 =	sshrl.u32 s4, $0x1;
	s0 =	sadd.s32 s7, s0;
	s6 =	sadd.s32 $0x800, s6  }
0xc: {  	s30 =	sshll.u32 s5, $0xD;
	s25 =	sadd.s32 $0x400, s0;
	[dreg:$0x4] =	wrdreg s6  }
.Ltmp0:
0xd: {  	s26 =	sadd.s32 $0x500, s0;
	[dreg:$0x5] =	wrdreg s25;
	(pc) =	sbr.rel .LBB2_1-.Ltmp0, $4  }
0xe: {  	s4 =	ssub.s32 s4, s8;
	s29 =	sadd.s32 $0x600, s0;
	[dreg:$0x6] =	wrdreg s26  }
0xf: {  	v2 =	vlaneseq.u32;
	s12 =	sadd.s32 s1, s30;
	s0 =	sadd.s32 $0x700, s0;
	[dreg:$0x7] =	wrdreg s29  }
0x10: {  	vm0 =	vmmov $0xffff;
	v1 =	vshrl.u32 v2, $0x3;
	s31 =	smax.u32 s4, $0x1;
	s4 =	simm.s32 $0x0;
	[dreg:$0x8] =	wrdreg s0  }
0x11: {  	v0 =	vand.u32 $0x7, v2;
	v2 =	vor.u32 $0x8, v2;
	v1 =	vmul.u32 $0x8, v1;
	[dreg:$0x9] =	wrdreg s31;
	s25 =	simm.s32 $0x10100;
	s26 =	simm.s32 $0x2  }
.LBB2_8:
0x12: {  	s0 =	simm.s32 $0x3  }
0x13: {  	_ =	swait.ge [sflag:s0], $0x4000  }
0x14: {  	[sflag:s0] =	ssyncset.done $0x0  }
0x15: {  	s1 =	simm.s32 $0x4;
	[sflag:s0] =	ssyncadd.s32 $0xFFFFC000  }
0x16: {  	_ =	swait.ge [sflag:s1], $0x4000  }
0x17: {  	s4 =	rddreg [dreg:$0xa]  }
0x18: {  	s31 =	rddreg [dreg:$0x9];
	s4 =	sadd.s32 $0x1, s4  }
0x19: {  	p0 =	sne.s32 s4, s31  }
.Ltmp1:
0x1a: {  	_ = 	snop;
	(pc) =	sbr.rel @!p0 .LBB2_9-.Ltmp1, $3  }
0x1b: {  	_ =	sdelay $0x1  }
0x1c: {  	[sflag:s1] =	ssyncset.done $0x0  }
0x1d: {  	[sflag:s1] =	ssyncadd.s32 $0xFFFFC000  }
.LBB2_1:
0x1e: {  	[dreg:$0xa] =	wrdreg s4  }
0x1f: {  	s0 =	rddreg [dreg:$0x4];
	s1 =	simm.s32 $0x100  }
0x20: {  	[tilespmem:s1], [sflag:$0x5] =	stream.linear.gather [hbm4b:s0+s3], $0x8000, $0x38;
	[tilespmem:$0x18100] =	vst v63  }
0x21: {  	s18 =	rddreg [dreg:$0x5]  }
0x22: {  	[tilespmem:s3], [sflag:$0x6] =	stream.linear.gather [hbm4b:s18+s3], $0x40, $0x38;
	[tilespmem:$0x18100] =	vst v63  }
0x23: {  	s19 =	rddreg [dreg:$0x6];
	s20 =	simm.s32 $0x40  }
0x24: {  	[tilespmem:s20], [sflag:$0x7] =	stream.linear.gather [hbm4b:s19+s3], $0x40, $0x38;
	[tilespmem:$0x18100] =	vst v63  }
0x25: {  	s21 =	rddreg [dreg:$0x7];
	s23 =	simm.s32 $0x80  }
0x26: {  	[tilespmem:s23], [sflag:$0x8] =	stream.linear.gather [hbm4b:s21+s3], $0x40, $0x38;
	[tilespmem:$0x18100] =	vst v63  }
0x27: {  	s29 =	rddreg [dreg:$0x8];
	s30 =	simm.s32 $0xC0;
	s31 =	simm.s32 $0x6  }
0x28: {  	[tilespmem:s30], [sflag:$0x9] =	stream.linear.gather [hbm4b:s29+s3], $0x40, $0x38;
	[tilespmem:$0x18100] =	vst v63  }
0x29: {  	_ =	swait.ge [sflag:s31], $0x40  }
0x2a: {  	[sflag:s31] =	ssyncset.done $0x0  }
0x2b: {  	s1 =	simm.s32 $0x7;
	[sflag:s31] =	ssyncadd.s32 $0xFFFFFFC0  }
0x2c: {  	_ =	swait.ge [sflag:s1], $0x40  }
0x2d: {  	[sflag:s1] =	ssyncset.done $0x0  }
0x2e: {  	s4 =	simm.s32 $0x8;
	[sflag:s1] =	ssyncadd.s32 $0xFFFFFFC0  }
0x2f: {  	_ =	swait.ge [sflag:s4], $0x40  }
0x30: {  	[sflag:s4] =	ssyncset.done $0x0  }
0x31: {  	s5 =	simm.s32 $0x9;
	[sflag:s4] =	ssyncadd.s32 $0xFFFFFFC0  }
0x32: {  	_ =	swait.ge [sflag:s5], $0x40  }
0x33: {  	[sflag:s5] =	ssyncset.done $0x0  }
0x34: {  	[sflag:s5] =	ssyncadd.s32 $0xFFFFFFC0  }
0x35: {  	v3 =	vld [tilespmem:$0x0];
	_ =	sdelay $0x4  }
0x36: {  	v4 =	vshll.u32 v3, $0x3  }
0x37: {  	v3 =	vand.u32 $0x7, v3;
	v4 =	vand.u32 $0xFFFFFFC0, v4  }
0x38: {  	v3 =	vor.u32 v3, v4  }
0x39: {  	v4 =	vperm.xlane v3, v0;
	_ =	sdelay $0x1  }
0x3a: {  	v4 =	vadd.s32 v1, v4;
	_ =	sdelay $0x3  }
0x3b: {  	s6 =	simm.s32 $0x8100  }
0x3c: {  	[tilespmem:s6], [sflag:$0x1] =	stream.indirect_vreg.gather [hbm4b:s2+s3], $0x80, v4, vm0, $0xb8;
	[tilespmem:$0x18100] =	vst v63  }
0x3d: {  	s7 =	simm.s32 $0x8900;
	v3 =	vperm.xlane v3, v2  }
0x3e: {  	[tilespmem:s7], [sflag:$0x1] =	stream.indirect_vreg.gather [hbm4b:s9+s3], $0x80, v4, vm0, $0xb8;
	[tilespmem:$0x18100] =	vst v63  }
0x3f: {  	s8 =	simm.s32 $0x9100;
	v3 =	vadd.s32 v1, v3  }
0x40: {  	[tilespmem:s8], [sflag:$0x1] =	stream.indirect_vreg.gather [hbm4b:s10+s3], $0x80, v4, vm0, $0xb8;
	[tilespmem:$0x18100] =	vst v63  }
0x41: {  	s13 =	simm.s32 $0x9900  }
0x42: {  	[tilespmem:s13], [sflag:$0x1] =	stream.indirect_vreg.gather [hbm4b:s11+s3], $0x80, v4, vm0, $0xb8;
	[tilespmem:$0x18100] =	vst v63  }
0x43: {  	s14 =	simm.s32 $0xA100  }
0x44: {  	[tilespmem:s14], [sflag:$0x1] =	stream.indirect_vreg.gather [hbm4b:s2+s3], $0x80, v3, vm0, $0xb8;
	[tilespmem:$0x18100] =	vst v63  }
0x45: {  	s18 =	simm.s32 $0xA900  }
0x46: {  	[tilespmem:s18], [sflag:$0x1] =	stream.indirect_vreg.gather [hbm4b:s9+s3], $0x80, v3, vm0, $0xb8;
	[tilespmem:$0x18100] =	vst v63  }
0x47: {  	s19 =	simm.s32 $0xB100  }
0x48: {  	[tilespmem:s19], [sflag:$0x1] =	stream.indirect_vreg.gather [hbm4b:s10+s3], $0x80, v3, vm0, $0xb8;
	[tilespmem:$0x18100] =	vst v63  }
0x49: {  	s20 =	simm.s32 $0xB900  }
0x4a: {  	[tilespmem:s20], [sflag:$0x1] =	stream.indirect_vreg.gather [hbm4b:s11+s3], $0x80, v3, vm0, $0xb8;
	[tilespmem:$0x18100] =	vst v63  }
0x4b: {  	v3 =	vld [tilespmem:$0x10];
	_ =	sdelay $0x4  }
0x4c: {  	v63 =	vshll.u32 v3, $0x3  }
0x4d: {  	v3 =	vand.u32 $0x7, v3;
	v4 =	vand.u32 $0xFFFFFFC0, v63  }
0x4e: {  	v3 =	vor.u32 v3, v4  }
0x4f: {  	v4 =	vperm.xlane v3, v0;
	_ =	sdelay $0x1  }
0x50: {  	v4 =	vadd.s32 v1, v4;
	_ =	sdelay $0x3  }
0x51: {  	s21 =	simm.s32 $0xC100  }
0x52: {  	[tilespmem:s21], [sflag:$0x2] =	stream.indirect_vreg.gather [hbm4b:s2+s3], $0x80, v4, vm0, $0xb8;
	[tilespmem:$0x18100] =	vst v63  }
0x53: {  	s23 =	simm.s32 $0xC900;
	v3 =	vperm.xlane v3, v2  }
0x54: {  	[tilespmem:s23], [sflag:$0x2] =	stream.indirect_vreg.gather [hbm4b:s9+s3], $0x80, v4, vm0, $0xb8;
	[tilespmem:$0x18100] =	vst v63  }
0x55: {  	s29 =	simm.s32 $0xD100;
	v3 =	vadd.s32 v1, v3  }
0x56: {  	[tilespmem:s29], [sflag:$0x2] =	stream.indirect_vreg.gather [hbm4b:s10+s3], $0x80, v4, vm0, $0xb8;
	[tilespmem:$0x18100] =	vst v63  }
0x57: {  	s30 =	simm.s32 $0xD900  }
0x58: {  	[tilespmem:s30], [sflag:$0x2] =	stream.indirect_vreg.gather [hbm4b:s11+s3], $0x80, v4, vm0, $0xb8;
	[tilespmem:$0x18100] =	vst v63  }
0x59: {  	_ = 	snop  }
0x5a: {  	[tilespmem:s15], [sflag:$0x2] =	stream.indirect_vreg.gather [hbm4b:s2+s3], $0x80, v3, vm0, $0xb8;
	[tilespmem:$0x18100] =	vst v63  }
0x5b: {  	_ = 	snop  }
0x5c: {  	[tilespmem:s16], [sflag:$0x2] =	stream.indirect_vreg.gather [hbm4b:s9+s3], $0x80, v3, vm0, $0xb8;
	[tilespmem:$0x18100] =	vst v63  }
0x5d: {  	_ = 	snop  }
0x5e: {  	[tilespmem:s17], [sflag:$0x2] =	stream.indirect_vreg.gather [hbm4b:s10+s3], $0x80, v3, vm0, $0xb8;
	[tilespmem:$0x18100] =	vst v63  }
0x5f: {  	s31 =	simm.s32 $0x5  }
0x60: {  	[tilespmem:s22], [sflag:$0x2] =	stream.indirect_vreg.gather [hbm4b:s11+s3], $0x80, v3, vm0, $0xb8;
	[tilespmem:$0x18100] =	vst v63  }
0x61: {  	_ =	swait.ge [sflag:s31], $0x8000  }
0x62: {  	[sflag:s31] =	ssyncset.done $0x0  }
0x63: {  	p0 =	por $0x0, $0x0;
	s5 =	simm.s32 $0x0;
	[sflag:s31] =	ssyncadd.s32 $0xFFFF8000  }
.LBB2_2:
0x64: {  	s0 =	simm.s32 $0x1  }
0x65: {  	_ =	swait.ge [sflag:s24], $0x4000;
	p1 =	seq.s32 s5, $0x0;
	s31 =	sshll.u32 s5, $0x1  }
0x66: {  	s13 =	simm.s32 $0x0;
	s18 =	simm.s32 $0xFFFFC000;
	[sflag:s24] =	ssyncset.done $0x0  }
0x67: {  	s19 =	simm.s32 $0x0;
	s4 =	simm.s32 @!p1 $0x3;
	[sflag:s24] =	ssyncadd.s32 $0xFFFFC000  }
0x68: {  	s20 =	simm.s32 $0x0;
	s0 =	simm.s32 @!p0 $0x0;
	_ =	swait.ge @!p1 [sflag:s4], $0x4000  }
0x69: {  	s7 =	sand.u32 $0x2, s31;
	s0 =	sshll.u32 s0, $0xE;
	[sflag:s4] =	ssyncset.done @!p1 $0x0  }
0x6a: {  	s6 =	sor.u32 $0x22F0, s0;
	s8 =	sor.u32 $0x200, s0;
	[sflag:s4] =	ssyncadd.s32 @!p1 $0xFFFFC000  }
.LBB2_3:
0x6b: {  	v3 =	vld [tilespmem:s8+$0xFFFFFF00]  }
0x6c: {  	v6 =	vld [tilespmem:s8+$0xFFFFFF10]  }
0x6d: {  	v9 =	vld [tilespmem:s8+$0xFFFFFF20]  }
0x6e: {  	v12 =	vld [tilespmem:s8+$0xFFFFFF30]  }
0x6f: {  	s0 =	sadd.s32 $0x4000, s18;
	v13 =	vld [tilespmem:s8+$0xFFFFFF40]  }
0x70: {  	s4 =	sand.u32 $0x380, s20;
	v15 =	vld [tilespmem:s8+$0xFFFFFF50];
	s0 =	sand.u32 $0x2000, s0  }
0x71: {  	v36 =	vld [tilespmem:s8+$0xFFFFFF60];
	s21 =	sor.u32 s4, s0  }
0x72: {  	v4 =	vld [tilespmem:s21+$0x8100]  }
0x73: {  	v5 =	vld [tilespmem:s21+$0x8110]  }
0x74: {  	v7 =	vld [tilespmem:s21+$0x8120]  }
0x75: {  	v8 =	vld [tilespmem:s21+$0x8130]  }
0x76: {  	v10 =	vld [tilespmem:s21+$0x8140]  }
0x77: {  	v11 =	vld [tilespmem:s21+$0x8150]  }
0x78: {  	v38 =	vld [tilespmem:s21+$0x8160];
	v4 =	vmul.f32 $3.200000000e+01, v4  }
0x79: {  	v16 =	vld [tilespmem:s21+$0x8170];
	v14 =	vshll.u32 v3, $0x10;
	v5 =	vmul.f32 $3.200000000e+01, v5  }
0x7a: {  	v42 =	vld [tilespmem:s21+$0x8500];
	v3 =	vand.u32 $0xFFFF0000, v3;
	v4 =	vadd.f32 v14, v4  }
0x7b: {  	v45 =	vld [tilespmem:s21+$0x8510];
	v37 =	vmul.f32 $3.200000000e+01, v7;
	v3 =	vadd.f32 v3, v5  }
0x7c: {  	v47 =	vld [tilespmem:s21+$0x8520];
	v39 =	vshll.u32 v6, $0x10;
	v8 =	vmul.f32 $3.200000000e+01, v8;
	[tilespmem:s21+$0x10100] =	vst v4  }
0x7d: {  	v50 =	vld [tilespmem:s21+$0x8530];
	[tilespmem:s21+$0x10110] =	vst v3;
	v3 =	vand.u32 $0xFFFF0000, v6;
	v4 =	vadd.f32 v39, v37  }
0x7e: {  	v52 =	vld [tilespmem:s21+$0x8540];
	v41 =	vmul.f32 $3.200000000e+01, v10;
	v3 =	vadd.f32 v3, v8  }
0x7f: {  	v43 =	vshll.u32 v9, $0x10;
	v44 =	vmul.f32 $3.200000000e+01, v11;
	v40 =	vld [tilespmem:s8+$0xFFFFFF70];
	[tilespmem:s21+$0x10120] =	vst v4  }
0x80: {  	v54 =	vld [tilespmem:s21+$0x8550];
	v4 =	vadd.f32 v43, v41;
	[tilespmem:s21+$0x10130] =	vst v3;
	v3 =	vand.u32 $0xFFFF0000, v9  }
0x81: {  	v56 =	vld [tilespmem:s21+$0x8560];
	v7 =	vmul.f32 $3.200000000e+01, v38;
	v3 =	vadd.f32 v3, v44  }
0x82: {  	v48 =	vshll.u32 v12, $0x10;
	v49 =	vmul.f32 $3.200000000e+01, v16;
	v46 =	vld [tilespmem:s8+$0xFFFFFF80];
	[tilespmem:s21+$0x10140] =	vst v4  }
0x83: {  	v59 =	vld [tilespmem:s21+$0x8570];
	v4 =	vadd.f32 v48, v7;
	[tilespmem:s21+$0x10150] =	vst v3;
	v3 =	vand.u32 $0xFFFF0000, v12  }
0x84: {  	v61 =	vld [tilespmem:s21+$0x8900];
	v8 =	vmul.f32 $3.200000000e+01, v42;
	v3 =	vadd.f32 v3, v49  }
0x85: {  	v53 =	vshll.u32 v13, $0x10;
	v11 =	vmul.f32 $3.200000000e+01, v45;
	v51 =	vld [tilespmem:s8+$0xFFFFFF90];
	[tilespmem:s21+$0x10160] =	vst v4  }
0x86: {  	v63 =	vld [tilespmem:s21+$0x8910];
	v4 =	vadd.f32 v53, v8;
	[tilespmem:s21+$0x10170] =	vst v3;
	v3 =	vand.u32 $0xFFFF0000, v13  }
0x87: {  	v21 =	vld [tilespmem:s21+$0x8920];
	v9 =	vmul.f32 $3.200000000e+01, v47;
	v3 =	vadd.f32 v3, v11  }
0x88: {  	v57 =	vshll.u32 v15, $0x10;
	v58 =	vmul.f32 $3.200000000e+01, v50;
	v55 =	vld [tilespmem:s8+$0xFFFFFFA0];
	[tilespmem:s21+$0x10500] =	vst v4  }
0x89: {  	v24 =	vld [tilespmem:s21+$0x8930];
	v4 =	vadd.f32 v57, v9;
	[tilespmem:s21+$0x10510] =	vst v3;
	v3 =	vand.u32 $0xFFFF0000, v15  }
0x8a: {  	v27 =	vld [tilespmem:s21+$0x8940];
	v10 =	vmul.f32 $3.200000000e+01, v52;
	v3 =	vadd.f32 v3, v58  }
0x8b: {  	v62 =	vshll.u32 v36, $0x10;
	v12 =	vmul.f32 $3.200000000e+01, v54;
	v60 =	vld [tilespmem:s8+$0xFFFFFFB0];
	[tilespmem:s21+$0x10520] =	vst v4  }
0x8c: {  	v30 =	vld [tilespmem:s21+$0x8950];
	v4 =	vadd.f32 v62, v10;
	[tilespmem:s21+$0x10530] =	vst v3;
	v3 =	vand.u32 $0xFFFF0000, v36  }
0x8d: {  	v33 =	vld [tilespmem:s21+$0x8960];
	v11 =	vmul.f32 $3.200000000e+01, v56;
	v3 =	vadd.f32 v3, v12  }
0x8e: {  	v23 =	vmul.f32 $3.200000000e+01, v59;
	v22 =	vshll.u32 v40, $0x10;
	v20 =	vld [tilespmem:s8+$0xFFFFFFC0];
	[tilespmem:s21+$0x10540] =	vst v4  }
0x8f: {  	v45 =	vld [tilespmem:s21+$0x8D20];
	v4 =	vadd.f32 v22, v11;
	[tilespmem:s21+$0x10550] =	vst v3;
	v3 =	vand.u32 $0xFFFF0000, v40  }
0x90: {  	v26 =	vmul.f32 $3.200000000e+01, v61;
	v29 =	vmul.f32 $3.200000000e+01, v63;
	v63 =	vld [tilespmem:s21+$0x9100];
	v3 =	vadd.f32 v3, v23  }
0x91: {  	v28 =	vshll.u32 v46, $0x10;
	v25 =	vld [tilespmem:s8+$0xFFFFFFD0];
	[tilespmem:s21+$0x10560] =	vst v4  }
0x92: {  	v39 =	vld [tilespmem:s21+$0x8D00];
	v4 =	vadd.f32 v28, v26;
	[tilespmem:s21+$0x10570] =	vst v3;
	v3 =	vand.u32 $0xFFFF0000, v46  }
0x93: {  	v32 =	vmul.f32 $3.200000000e+01, v21;
	v42 =	vld [tilespmem:s21+$0x8D10];
	v3 =	vadd.f32 v3, v29  }
0x94: {  	v35 =	vmul.f32 $3.200000000e+01, v24;
	v34 =	vshll.u32 v51, $0x10;
	v31 =	vld [tilespmem:s8+$0xFFFFFFE0];
	[tilespmem:s21+$0x10900] =	vst v4  }
0x95: {  	v36 =	vld [tilespmem:s21+$0x8970];
	v4 =	vadd.f32 v34, v32;
	[tilespmem:s21+$0x10910] =	vst v3;
	v3 =	vand.u32 $0xFFFF0000, v51  }
0x96: {  	v38 =	vmul.f32 $3.200000000e+01, v27;
	v48 =	vld [tilespmem:s21+$0x8D30];
	v3 =	vadd.f32 v3, v35  }
0x97: {  	v41 =	vmul.f32 $3.200000000e+01, v30;
	v40 =	vshll.u32 v55, $0x10;
	v37 =	vld [tilespmem:s8+$0xFFFFFFF0];
	[tilespmem:s21+$0x10920] =	vst v4  }
0x98: {  	v54 =	vld [tilespmem:s21+$0x8D50];
	v4 =	vadd.f32 v40, v38;
	[tilespmem:s21+$0x10930] =	vst v3;
	v3 =	vand.u32 $0xFFFF0000, v55  }
0x99: {  	v44 =	vmul.f32 $3.200000000e+01, v33;
	v57 =	vld [tilespmem:s21+$0x8D60];
	v3 =	vadd.f32 v3, v41  }
0x9a: {  	v47 =	vmul.f32 $3.200000000e+01, v36;
	v46 =	vshll.u32 v60, $0x10;
	v43 =	vld [tilespmem:s8+$0x0];
	[tilespmem:s21+$0x10940] =	vst v4  }
0x9b: {  	v23 =	vld [tilespmem:s21+$0x9120];
	v4 =	vadd.f32 v46, v44;
	[tilespmem:s21+$0x10950] =	vst v3;
	v3 =	vand.u32 $0xFFFF0000, v60  }
0x9c: {  	v50 =	vmul.f32 $3.200000000e+01, v39;
	v51 =	vld [tilespmem:s21+$0x8D40];
	v3 =	vadd.f32 v3, v47  }
0x9d: {  	v53 =	vmul.f32 $3.200000000e+01, v42;
	v52 =	vshll.u32 v20, $0x10;
	v49 =	vld [tilespmem:s8+$0x10];
	[tilespmem:s21+$0x10960] =	vst v4  }
0x9e: {  	v26 =	vld [tilespmem:s21+$0x9130];
	v4 =	vadd.f32 v52, v50;
	[tilespmem:s21+$0x10970] =	vst v3;
	v3 =	vand.u32 $0xFFFF0000, v20  }
0x9f: {  	v56 =	vmul.f32 $3.200000000e+01, v45;
	v29 =	vld [tilespmem:s21+$0x9140];
	v3 =	vadd.f32 v3, v53  }
0xa0: {  	v59 =	vmul.f32 $3.200000000e+01, v48;
	v58 =	vshll.u32 v25, $0x10;
	v55 =	vld [tilespmem:s8+$0x20];
	[tilespmem:s21+$0x10D00] =	vst v4  }
0xa1: {  	v60 =	vld [tilespmem:s21+$0x8D70];
	v4 =	vadd.f32 v58, v56;
	[tilespmem:s21+$0x10D10] =	vst v3;
	v3 =	vand.u32 $0xFFFF0000, v25  }
0xa2: {  	v32 =	vld [tilespmem:s21+$0x9150];
	v62 =	vmul.f32 $3.200000000e+01, v51;
	v3 =	vadd.f32 v3, v59  }
0xa3: {  	v19 =	vmul.f32 $3.200000000e+01, v54;
	v18 =	vshll.u32 v31, $0x10;
	v61 =	vld [tilespmem:s8+$0x30];
	[tilespmem:s21+$0x10D20] =	vst v4  }
0xa4: {  	v20 =	vld [tilespmem:s21+$0x9110];
	v4 =	vadd.f32 v18, v62;
	[tilespmem:s21+$0x10D30] =	vst v3;
	v3 =	vand.u32 $0xFFFF0000, v31  }
0xa5: {  	v22 =	vmul.f32 $3.200000000e+01, v57;
	v34 =	vmul.f32 $3.200000000e+01, v23;
	v23 =	vld [tilespmem:s21+$0x9900];
	v3 =	vadd.f32 v3, v19  }
0xa6: {  	v24 =	vshll.u32 v37, $0x10;
	v25 =	vmul.f32 $3.200000000e+01, v60;
	v21 =	vld [tilespmem:s8+$0x40];
	[tilespmem:s21+$0x10D40] =	vst v4  }
0xa7: {  	v35 =	vld [tilespmem:s21+$0x9160];
	v4 =	vadd.f32 v24, v22;
	[tilespmem:s21+$0x10D50] =	vst v3;
	v3 =	vand.u32 $0xFFFF0000, v37  }
0xa8: {  	v28 =	vmul.f32 $3.200000000e+01, v63;
	v38 =	vld [tilespmem:s21+$0x9170];
	v3 =	vadd.f32 v3, v25  }
0xa9: {  	v30 =	vshll.u32 v43, $0x10;
	v31 =	vmul.f32 $3.200000000e+01, v20;
	v27 =	vld [tilespmem:s8+$0x50];
	[tilespmem:s21+$0x10D60] =	vst v4  }
0xaa: {  	v41 =	vld [tilespmem:s21+$0x9500];
	v4 =	vadd.f32 v30, v28;
	[tilespmem:s21+$0x10D70] =	vst v3;
	v3 =	vand.u32 $0xFFFF0000, v43  }
0xab: {  	v44 =	vld [tilespmem:s21+$0x9510];
	v3 =	vadd.f32 v3, v31  }
0xac: {  	v36 =	vshll.u32 v49, $0x10;
	v37 =	vmul.f32 $3.200000000e+01, v26;
	v33 =	vld [tilespmem:s8+$0x60];
	[tilespmem:s21+$0x11100] =	vst v4  }
0xad: {  	v47 =	vld [tilespmem:s21+$0x9520];
	v4 =	vadd.f32 v36, v34;
	[tilespmem:s21+$0x11110] =	vst v3;
	v3 =	vand.u32 $0xFFFF0000, v49  }
0xae: {  	v40 =	vmul.f32 $3.200000000e+01, v29;
	v50 =	vld [tilespmem:s21+$0x9530];
	v3 =	vadd.f32 v3, v37  }
0xaf: {  	v42 =	vshll.u32 v55, $0x10;
	v43 =	vmul.f32 $3.200000000e+01, v32;
	v39 =	vld [tilespmem:s8+$0x70];
	[tilespmem:s21+$0x11120] =	vst v4  }
0xb0: {  	v53 =	vld [tilespmem:s21+$0x9540];
	v4 =	vadd.f32 v42, v40;
	[tilespmem:s21+$0x11130] =	vst v3;
	v3 =	vand.u32 $0xFFFF0000, v55  }
0xb1: {  	v46 =	vmul.f32 $3.200000000e+01, v35;
	v56 =	vld [tilespmem:s21+$0x9550];
	v3 =	vadd.f32 v3, v43  }
0xb2: {  	v48 =	vshll.u32 v61, $0x10;
	v49 =	vmul.f32 $3.200000000e+01, v38;
	v45 =	vld [tilespmem:s8+$0x80];
	[tilespmem:s21+$0x11140] =	vst v4  }
0xb3: {  	v59 =	vld [tilespmem:s21+$0x9560];
	v4 =	vadd.f32 v48, v46;
	[tilespmem:s21+$0x11150] =	vst v3;
	v3 =	vand.u32 $0xFFFF0000, v61  }
0xb4: {  	v52 =	vmul.f32 $3.200000000e+01, v41;
	v62 =	vld [tilespmem:s21+$0x9570];
	v3 =	vadd.f32 v3, v49  }
0xb5: {  	v54 =	vshll.u32 v21, $0x10;
	v55 =	vmul.f32 $3.200000000e+01, v44;
	v51 =	vld [tilespmem:s8+$0x90];
	[tilespmem:s21+$0x11160] =	vst v4  }
0xb6: {  	v24 =	vld [tilespmem:s21+$0x9910];
	v4 =	vadd.f32 v54, v52;
	[tilespmem:s21+$0x11170] =	vst v3;
	v3 =	vand.u32 $0xFFFF0000, v21  }
0xb7: {  	v58 =	vmul.f32 $3.200000000e+01, v47;
	v28 =	vld [tilespmem:s21+$0x9920];
	v3 =	vadd.f32 v3, v55  }
0xb8: {  	v60 =	vshll.u32 v27, $0x10;
	v61 =	vmul.f32 $3.200000000e+01, v50;
	v57 =	vld [tilespmem:s8+$0xA0];
	[tilespmem:s21+$0x11500] =	vst v4  }
0xb9: {  	v32 =	vld [tilespmem:s21+$0x9940];
	v4 =	vadd.f32 v60, v58;
	[tilespmem:s21+$0x11510] =	vst v3;
	v3 =	vand.u32 $0xFFFF0000, v27  }
0xba: {  	s31 =	sand.u32 $0x7, s13;
	v38 =	vld [tilespmem:s21+$0x9970];
	v3 =	vadd.f32 v3, v61  }
0xbb: {  	s0 =	sshll.u32 s31, $0x7;
	v15 =	vmul.f32 $3.200000000e+01, v56;
	v63 =	vld [tilespmem:s8+$0xB0];
	[tilespmem:s21+$0x11520] =	vst v4  }
0xbc: {  	s1 =	sadd.s32 s0, s19;
	v37 =	vld [tilespmem:s21+$0x9960];
	v8 =	vand.u32 $0xFFFF0000, v33;
	[tilespmem:s21+$0x11530] =	vst v3;
	v3 =	vmul.f32 $3.200000000e+01, v53  }
0xbd: {  	s23 =	sor.u32 $0x1C00, s1;
	v26 =	vshll.u32 v33, $0x10;
	v8 =	vadd.f32 v8, v15;
	v25 =	vld [tilespmem:s8+$0xC0]  }
0xbe: {  	s29 =	sor.u32 $0x1C10, s1;
	v17 =	vld [tilespmem:s23+$0x8100];
	v3 =	vadd.f32 v26, v3  }
0xbf: {  	v29 =	vmul.f32 $3.200000000e+01, v59;
	v27 =	vld [tilespmem:s29+$0x8100];
	[tilespmem:s21+$0x11550] =	vst v8  }
0xc0: {  	v16 =	vmul.f32 $3.200000000e+01, v62;
	v18 =	vshll.u32 v39, $0x10;
	[tilespmem:s21+$0x11540] =	vst v3;
	v3 =	vld [tilespmem:s21+$0x9930]  }
0xc1: {  	s30 =	sor.u32 $0x1C20, s1;
	v9 =	vand.u32 $0xFFFF0000, v39;
	v8 =	vadd.f32 v18, v29;
	v30 =	vld [tilespmem:s8+$0xD0]  }
0xc2: {  	s4 =	sor.u32 $0x1C30, s1;
	v9 =	vadd.f32 v9, v16;
	v19 =	vld [tilespmem:s30+$0x8100]  }
0xc3: {  	v4 =	vmul.f32 $3.200000000e+01, v24;
	v31 =	vld [tilespmem:s4+$0x8100];
	[tilespmem:s21+$0x11560] =	vst v8  }
0xc4: {  	v34 =	vmul.f32 $3.200000000e+01, v23;
	v33 =	vld [tilespmem:s21+$0x9950];
	v10 =	vand.u32 $0xFFFF0000, v45;
	[tilespmem:s21+$0x11570] =	vst v9  }
0xc5: {  	s31 =	sor.u32 $0x1C40, s1;
	v20 =	vshll.u32 v45, $0x10;
	v4 =	vadd.f32 v10, v4;
	v35 =	vld [tilespmem:s8+$0xE0]  }
0xc6: {  	s0 =	sor.u32 $0x1C50, s1;
	v9 =	vadd.f32 v20, v34;
	v21 =	vld [tilespmem:s31+$0x8100]  }
0xc7: {  	v39 =	vmul.f32 $3.200000000e+01, v28;
	v36 =	vld [tilespmem:s0+$0x8100];
	[tilespmem:s21+$0x11910] =	vst v4  }
0xc8: {  	v22 =	vshll.u32 v51, $0x10;
	[tilespmem:s21+$0x11900] =	vst v9;
	v3 =	vmul.f32 $3.200000000e+01, v3  }
0xc9: {  	s14 =	sor.u32 $0x1C60, s1;
	v44 =	vmul.f32 $3.200000000e+01, v37;
	v5 =	vand.u32 $0xFFFF0000, v51;
	v4 =	vadd.f32 v22, v39;
	v40 =	vld [tilespmem:s8+$0xF0]  }
0xca: {  	s1 =	sor.u32 $0x1C70, s1;
	v45 =	vshll.u32 v63, $0x10;
	v8 =	vmul.f32 $3.200000000e+01, v33;
	v23 =	vld [tilespmem:s14+$0x8100];
	v3 =	vadd.f32 v5, v3  }
0xcb: {  	v16 =	vmul.f32 $3.200000000e+01, v32;
	v43 =	vand.u32 $0xFFFF0000, v57;
	v41 =	vld [tilespmem:s1+$0x8100];
	[tilespmem:s21+$0x11920] =	vst v4;
	v4 =	vadd.f32 v45, v44  }
0xcc: {  	v46 =	vmul.f32 $3.200000000e+01, v38;
	v42 =	vshll.u32 v57, $0x10;
	[tilespmem:s21+$0x11930] =	vst v3;
	v3 =	vadd.f32 v43, v8  }
0xcd: {  	v47 =	vand.u32 $0xFFFF0000, v63;
	v48 =	vmul.f32 $3.200000000e+01, v17;
	[tilespmem:s21+$0x11960] =	vst v4;
	v5 =	vadd.f32 v42, v16  }
0xce: {  	v49 =	vshll.u32 v25, $0x10;
	v50 =	vmul.f32 $3.200000000e+01, v27;
	[tilespmem:s21+$0x11950] =	vst v3;
	v3 =	vadd.f32 v47, v46  }
0xcf: {  	v51 =	vand.u32 $0xFFFF0000, v25;
	v52 =	vmul.f32 $3.200000000e+01, v19;
	[tilespmem:s21+$0x11940] =	vst v5;
	v5 =	vadd.f32 v49, v48  }
0xd0: {  	v53 =	vshll.u32 v30, $0x10;
	v54 =	vmul.f32 $3.200000000e+01, v31;
	[tilespmem:s21+$0x11970] =	vst v3;
	v3 =	vadd.f32 v51, v50  }
0xd1: {  	v55 =	vand.u32 $0xFFFF0000, v30;
	v56 =	vmul.f32 $3.200000000e+01, v21;
	v4 =	vadd.f32 v53, v52;
	[tilespmem:s23+$0x10100] =	vst v5  }
0xd2: {  	v57 =	vshll.u32 v35, $0x10;
	v58 =	vmul.f32 $3.200000000e+01, v36;
	[tilespmem:s29+$0x10100] =	vst v3;
	v3 =	vadd.f32 v55, v54  }
0xd3: {  	p2 =	sne.s32 s20, $0x780;
	v59 =	vand.u32 $0xFFFF0000, v35;
	v60 =	vmul.f32 $3.200000000e+01, v23;
	v5 =	vadd.f32 v57, v56;
	[tilespmem:s30+$0x10100] =	vst v4  }
.Ltmp2:
0xd4: {  	v61 =	vshll.u32 v40, $0x10;
	v62 =	vmul.f32 $3.200000000e+01, v41;
	[tilespmem:s4+$0x10100] =	vst v3;
	v3 =	vadd.f32 v59, v58;
	(pc) =	sbr.rel @p2 .LBB2_3-.Ltmp2, $4  }
0xd5: {  	v63 =	vand.u32 $0xFFFF0000, v40;
	v4 =	vadd.f32 v61, v60;
	[tilespmem:s31+$0x10100] =	vst v5  }
0xd6: {  	[tilespmem:s0+$0x10100] =	vst v3;
	v3 =	vadd.f32 v63, v62  }
0xd7: {  	s13 =	sadd.s32 $0x1, s13;
	s18 =	sadd.s32 $0x400, s18;
	[tilespmem:s14+$0x10100] =	vst v4  }
0xd8: {  	s20 =	sadd.s32 $0x80, s20;
	s19 =	sadd.s32 $0x400, s19;
	s8 =	sadd.s32 $0x200, s8;
	[tilespmem:s1+$0x10100] =	vst v3  }
0xd9: {  	s0 =	sshll.u32 s5, $0x11  }
0xda: {  	s0 =	sand.u32 $0xC0000, s0  }
0xdb: {  	s1 =	sshll.u32 s7, $0xB;
	s8 =	sadd.s32 s0, s12  }
0xdc: {  	p2 =	seq.s32 s5, $0x7;
	s0 =	sadd.s32 s1, s8  }
0xdd: {  	[hbm4b:s0+s3] =	stream.linear.scatter [tilespmem:s25], [sflag:$0x3], $0x4000, $0x38;
	[tilespmem:$0x18100] =	vst v63  }
0xde: {  	s0 =	sshll.u32 @!p2 s5, $0x5  }
0xdf: {  	s0 =	sand.u32 @!p2 $0x3FFFFFE0, s0  }
0xe0: {  	v3 =	vld @!p2 [tilespmem:s0+$0x20];
	_ =	sdelay $0x4  }
0xe1: {  	v4 =	vshll.u32 @!p2 v3, $0x3  }
0xe2: {  	v5 =	vlaneseq.u32 @!p2;
	v3 =	vand.u32 @!p2 $0x7, v3;
	v4 =	vand.u32 @!p2 $0xFFFFFFC0, v4  }
0xe3: {  	v6 =	vshrl.u32 @!p2 v5, $0x3;
	v3 =	vor.u32 @!p2 v3, v4;
	v4 =	vand.u32 @!p2 $0x7, v5  }
0xe4: {  	v6 =	vmul.u32 @!p2 $0x8, v6;
	v4 =	vperm.xlane @!p2 v3, v4;
	_ =	sdelay $0x1  }
0xe5: {  	v4 =	vadd.s32 @!p2 v6, v4;
	_ =	sdelay $0x3  }
0xe6: {  	vm1 =	vmmov @!p2 $0xffff;
	s1 =	simm.s32 @!p2 $0x8100;
	s0 =	simm.s32 @!p2 $0x0  }
0xe7: {  	v5 =	vor.u32 @!p2 $0x8, v5;
	[tilespmem:s1], [sflag:$0x1] =	stream.indirect_vreg.gather @!p2 [hbm4b:s2+s0], $0x80, v4, vm1, $0xb8;
	[tilespmem:$0x18100] =	vst v63  }
0xe8: {  	v3 =	vperm.xlane @!p2 v3, v5;
	s1 =	simm.s32 @!p2 $0x8900  }
0xe9: {  	[tilespmem:s1], [sflag:$0x1] =	stream.indirect_vreg.gather @!p2 [hbm4b:s9+s0], $0x80, v4, vm1, $0xb8;
	[tilespmem:$0x18100] =	vst v63  }
0xea: {  	v3 =	vadd.s32 @!p2 v6, v3;
	s1 =	simm.s32 @!p2 $0x9100  }
0xeb: {  	[tilespmem:s1], [sflag:$0x1] =	stream.indirect_vreg.gather @!p2 [hbm4b:s10+s0], $0x80, v4, vm1, $0xb8;
	[tilespmem:$0x18100] =	vst v63  }
0xec: {  	s1 =	simm.s32 @!p2 $0x9900  }
0xed: {  	[tilespmem:s1], [sflag:$0x1] =	stream.indirect_vreg.gather @!p2 [hbm4b:s11+s0], $0x80, v4, vm1, $0xb8;
	[tilespmem:$0x18100] =	vst v63  }
0xee: {  	s1 =	simm.s32 @!p2 $0xA100  }
0xef: {  	[tilespmem:s1], [sflag:$0x1] =	stream.indirect_vreg.gather @!p2 [hbm4b:s2+s0], $0x80, v3, vm1, $0xb8;
	[tilespmem:$0x18100] =	vst v63  }
0xf0: {  	s1 =	simm.s32 @!p2 $0xA900  }
0xf1: {  	[tilespmem:s1], [sflag:$0x1] =	stream.indirect_vreg.gather @!p2 [hbm4b:s9+s0], $0x80, v3, vm1, $0xb8;
	[tilespmem:$0x18100] =	vst v63  }
0xf2: {  	s1 =	simm.s32 @!p2 $0xB100  }
0xf3: {  	[tilespmem:s1], [sflag:$0x1] =	stream.indirect_vreg.gather @!p2 [hbm4b:s10+s0], $0x80, v3, vm1, $0xb8;
	[tilespmem:$0x18100] =	vst v63  }
0xf4: {  	s1 =	simm.s32 @!p2 $0xB900  }
0xf5: {  	[tilespmem:s1], [sflag:$0x1] =	stream.indirect_vreg.gather @!p2 [hbm4b:s11+s0], $0x80, v3, vm1, $0xb8;
	[tilespmem:$0x18100] =	vst v63  }
0xf6: {  	_ =	swait.ge [sflag:s26], $0x4000  }
0xf7: {  	[sflag:s26] =	ssyncset.done $0x0  }
0xf8: {  	s0 =	simm.s32 @!p1 $0x4;
	[sflag:s26] =	ssyncadd.s32 $0xFFFFC000  }
0xf9: {  	s7 =	sor.u32 $0x1, s7;
	_ =	swait.ge @!p1 [sflag:s0], $0x4000  }
0xfa: {  	s13 =	simm.s32 $0x0;
	s18 =	simm.s32 $0xFFFFC000;
	[sflag:s0] =	ssyncset.done @!p1 $0x0  }
0xfb: {  	s19 =	simm.s32 $0x0;
	s20 =	simm.s32 $0x0;
	[sflag:s0] =	ssyncadd.s32 @!p1 $0xFFFFC000  }
.LBB2_5:
0xfc: {  	v3 =	vld [tilespmem:s6+$0xFFFFFE10]  }
0xfd: {  	v6 =	vld [tilespmem:s6+$0xFFFFFE20]  }
0xfe: {  	v9 =	vld [tilespmem:s6+$0xFFFFFE30]  }
0xff: {  	v12 =	vld [tilespmem:s6+$0xFFFFFE40]  }
0x100: {  	s0 =	sadd.s32 $0x4000, s18;
	v13 =	vld [tilespmem:s6+$0xFFFFFE50]  }
0x101: {  	s1 =	sand.u32 $0x380, s20;
	v15 =	vld [tilespmem:s6+$0xFFFFFE60];
	s0 =	sand.u32 $0x2000, s0  }
0x102: {  	v36 =	vld [tilespmem:s6+$0xFFFFFE70];
	s21 =	sor.u32 s1, s0  }
0x103: {  	v4 =	vld [tilespmem:s21+$0xC100]  }
0x104: {  	v5 =	vld [tilespmem:s21+$0xC110]  }
0x105: {  	v7 =	vld [tilespmem:s21+$0xC120]  }
0x106: {  	v8 =	vld [tilespmem:s21+$0xC130]  }
0x107: {  	v10 =	vld [tilespmem:s21+$0xC140]  }
0x108: {  	v11 =	vld [tilespmem:s21+$0xC150]  }
0x109: {  	v38 =	vld [tilespmem:s21+$0xC160];
	v4 =	vmul.f32 $3.200000000e+01, v4  }
0x10a: {  	v16 =	vld [tilespmem:s21+$0xC170];
	v14 =	vshll.u32 v3, $0x10;
	v5 =	vmul.f32 $3.200000000e+01, v5  }
0x10b: {  	v42 =	vld [tilespmem:s21+$0xC500];
	v3 =	vand.u32 $0xFFFF0000, v3;
	v4 =	vadd.f32 v14, v4  }
0x10c: {  	v45 =	vld [tilespmem:s21+$0xC510];
	v37 =	vmul.f32 $3.200000000e+01, v7;
	v3 =	vadd.f32 v3, v5  }
0x10d: {  	v47 =	vld [tilespmem:s21+$0xC520];
	v39 =	vshll.u32 v6, $0x10;
	v8 =	vmul.f32 $3.200000000e+01, v8;
	[tilespmem:s21+$0x14100] =	vst v4  }
0x10e: {  	v50 =	vld [tilespmem:s21+$0xC530];
	[tilespmem:s21+$0x14110] =	vst v3;
	v3 =	vand.u32 $0xFFFF0000, v6;
	v4 =	vadd.f32 v39, v37  }
0x10f: {  	v52 =	vld [tilespmem:s21+$0xC540];
	v41 =	vmul.f32 $3.200000000e+01, v10;
	v3 =	vadd.f32 v3, v8  }
0x110: {  	v43 =	vshll.u32 v9, $0x10;
	v44 =	vmul.f32 $3.200000000e+01, v11;
	v40 =	vld [tilespmem:s6+$0xFFFFFE80];
	[tilespmem:s21+$0x14120] =	vst v4  }
0x111: {  	v54 =	vld [tilespmem:s21+$0xC550];
	v4 =	vadd.f32 v43, v41;
	[tilespmem:s21+$0x14130] =	vst v3;
	v3 =	vand.u32 $0xFFFF0000, v9  }
0x112: {  	v56 =	vld [tilespmem:s21+$0xC560];
	v7 =	vmul.f32 $3.200000000e+01, v38;
	v3 =	vadd.f32 v3, v44  }
0x113: {  	v48 =	vshll.u32 v12, $0x10;
	v49 =	vmul.f32 $3.200000000e+01, v16;
	v46 =	vld [tilespmem:s6+$0xFFFFFE90];
	[tilespmem:s21+$0x14140] =	vst v4  }
0x114: {  	v59 =	vld [tilespmem:s21+$0xC570];
	v4 =	vadd.f32 v48, v7;
	[tilespmem:s21+$0x14150] =	vst v3;
	v3 =	vand.u32 $0xFFFF0000, v12  }
0x115: {  	v61 =	vld [tilespmem:s21+$0xC900];
	v8 =	vmul.f32 $3.200000000e+01, v42;
	v3 =	vadd.f32 v3, v49  }
0x116: {  	v53 =	vshll.u32 v13, $0x10;
	v11 =	vmul.f32 $3.200000000e+01, v45;
	v51 =	vld [tilespmem:s6+$0xFFFFFEA0];
	[tilespmem:s21+$0x14160] =	vst v4  }
0x117: {  	v63 =	vld [tilespmem:s21+$0xC910];
	v4 =	vadd.f32 v53, v8;
	[tilespmem:s21+$0x14170] =	vst v3;
	v3 =	vand.u32 $0xFFFF0000, v13  }
0x118: {  	v21 =	vld [tilespmem:s21+$0xC920];
	v9 =	vmul.f32 $3.200000000e+01, v47;
	v3 =	vadd.f32 v3, v11  }
0x119: {  	v57 =	vshll.u32 v15, $0x10;
	v58 =	vmul.f32 $3.200000000e+01, v50;
	v55 =	vld [tilespmem:s6+$0xFFFFFEB0];
	[tilespmem:s21+$0x14500] =	vst v4  }
0x11a: {  	v24 =	vld [tilespmem:s21+$0xC930];
	v4 =	vadd.f32 v57, v9;
	[tilespmem:s21+$0x14510] =	vst v3;
	v3 =	vand.u32 $0xFFFF0000, v15  }
0x11b: {  	v27 =	vld [tilespmem:s21+$0xC940];
	v10 =	vmul.f32 $3.200000000e+01, v52;
	v3 =	vadd.f32 v3, v58  }
0x11c: {  	v62 =	vshll.u32 v36, $0x10;
	v12 =	vmul.f32 $3.200000000e+01, v54;
	v60 =	vld [tilespmem:s6+$0xFFFFFEC0];
	[tilespmem:s21+$0x14520] =	vst v4  }
0x11d: {  	v30 =	vld [tilespmem:s21+$0xC950];
	v4 =	vadd.f32 v62, v10;
	[tilespmem:s21+$0x14530] =	vst v3;
	v3 =	vand.u32 $0xFFFF0000, v36  }
0x11e: {  	v33 =	vld [tilespmem:s21+$0xC960];
	v11 =	vmul.f32 $3.200000000e+01, v56;
	v3 =	vadd.f32 v3, v12  }
0x11f: {  	v23 =	vmul.f32 $3.200000000e+01, v59;
	v22 =	vshll.u32 v40, $0x10;
	v20 =	vld [tilespmem:s6+$0xFFFFFED0];
	[tilespmem:s21+$0x14540] =	vst v4  }
0x120: {  	v45 =	vld [tilespmem:s21+$0xCD20];
	v4 =	vadd.f32 v22, v11;
	[tilespmem:s21+$0x14550] =	vst v3;
	v3 =	vand.u32 $0xFFFF0000, v40  }
0x121: {  	v26 =	vmul.f32 $3.200000000e+01, v61;
	v29 =	vmul.f32 $3.200000000e+01, v63;
	v63 =	vld [tilespmem:s21+$0xD100];
	v3 =	vadd.f32 v3, v23  }
0x122: {  	v28 =	vshll.u32 v46, $0x10;
	v25 =	vld [tilespmem:s6+$0xFFFFFEE0];
	[tilespmem:s21+$0x14560] =	vst v4  }
0x123: {  	v39 =	vld [tilespmem:s21+$0xCD00];
	v4 =	vadd.f32 v28, v26;
	[tilespmem:s21+$0x14570] =	vst v3;
	v3 =	vand.u32 $0xFFFF0000, v46  }
0x124: {  	v32 =	vmul.f32 $3.200000000e+01, v21;
	v42 =	vld [tilespmem:s21+$0xCD10];
	v3 =	vadd.f32 v3, v29  }
0x125: {  	v35 =	vmul.f32 $3.200000000e+01, v24;
	v34 =	vshll.u32 v51, $0x10;
	v31 =	vld [tilespmem:s6+$0xFFFFFEF0];
	[tilespmem:s21+$0x14900] =	vst v4  }
0x126: {  	v36 =	vld [tilespmem:s21+$0xC970];
	v4 =	vadd.f32 v34, v32;
	[tilespmem:s21+$0x14910] =	vst v3;
	v3 =	vand.u32 $0xFFFF0000, v51  }
0x127: {  	v38 =	vmul.f32 $3.200000000e+01, v27;
	v48 =	vld [tilespmem:s21+$0xCD30];
	v3 =	vadd.f32 v3, v35  }
0x128: {  	v41 =	vmul.f32 $3.200000000e+01, v30;
	v40 =	vshll.u32 v55, $0x10;
	v37 =	vld [tilespmem:s6+$0xFFFFFF00];
	[tilespmem:s21+$0x14920] =	vst v4  }
0x129: {  	v54 =	vld [tilespmem:s21+$0xCD50];
	v4 =	vadd.f32 v40, v38;
	[tilespmem:s21+$0x14930] =	vst v3;
	v3 =	vand.u32 $0xFFFF0000, v55  }
0x12a: {  	v44 =	vmul.f32 $3.200000000e+01, v33;
	v57 =	vld [tilespmem:s21+$0xCD60];
	v3 =	vadd.f32 v3, v41  }
0x12b: {  	v47 =	vmul.f32 $3.200000000e+01, v36;
	v46 =	vshll.u32 v60, $0x10;
	v43 =	vld [tilespmem:s6+$0xFFFFFF10];
	[tilespmem:s21+$0x14940] =	vst v4  }
0x12c: {  	v23 =	vld [tilespmem:s21+$0xD120];
	v4 =	vadd.f32 v46, v44;
	[tilespmem:s21+$0x14950] =	vst v3;
	v3 =	vand.u32 $0xFFFF0000, v60  }
0x12d: {  	v50 =	vmul.f32 $3.200000000e+01, v39;
	v51 =	vld [tilespmem:s21+$0xCD40];
	v3 =	vadd.f32 v3, v47  }
0x12e: {  	v53 =	vmul.f32 $3.200000000e+01, v42;
	v52 =	vshll.u32 v20, $0x10;
	v49 =	vld [tilespmem:s6+$0xFFFFFF20];
	[tilespmem:s21+$0x14960] =	vst v4  }
0x12f: {  	v26 =	vld [tilespmem:s21+$0xD130];
	v4 =	vadd.f32 v52, v50;
	[tilespmem:s21+$0x14970] =	vst v3;
	v3 =	vand.u32 $0xFFFF0000, v20  }
0x130: {  	v56 =	vmul.f32 $3.200000000e+01, v45;
	v29 =	vld [tilespmem:s21+$0xD140];
	v3 =	vadd.f32 v3, v53  }
0x131: {  	v59 =	vmul.f32 $3.200000000e+01, v48;
	v58 =	vshll.u32 v25, $0x10;
	v55 =	vld [tilespmem:s6+$0xFFFFFF30];
	[tilespmem:s21+$0x14D00] =	vst v4  }
0x132: {  	v60 =	vld [tilespmem:s21+$0xCD70];
	v4 =	vadd.f32 v58, v56;
	[tilespmem:s21+$0x14D10] =	vst v3;
	v3 =	vand.u32 $0xFFFF0000, v25  }
0x133: {  	v32 =	vld [tilespmem:s21+$0xD150];
	v62 =	vmul.f32 $3.200000000e+01, v51;
	v3 =	vadd.f32 v3, v59  }
0x134: {  	v19 =	vmul.f32 $3.200000000e+01, v54;
	v18 =	vshll.u32 v31, $0x10;
	v61 =	vld [tilespmem:s6+$0xFFFFFF40];
	[tilespmem:s21+$0x14D20] =	vst v4  }
0x135: {  	v20 =	vld [tilespmem:s21+$0xD110];
	v4 =	vadd.f32 v18, v62;
	[tilespmem:s21+$0x14D30] =	vst v3;
	v3 =	vand.u32 $0xFFFF0000, v31  }
0x136: {  	v22 =	vmul.f32 $3.200000000e+01, v57;
	v34 =	vmul.f32 $3.200000000e+01, v23;
	v23 =	vld [tilespmem:s21+$0xD900];
	v3 =	vadd.f32 v3, v19  }
0x137: {  	v24 =	vshll.u32 v37, $0x10;
	v25 =	vmul.f32 $3.200000000e+01, v60;
	v21 =	vld [tilespmem:s6+$0xFFFFFF50];
	[tilespmem:s21+$0x14D40] =	vst v4  }
0x138: {  	v35 =	vld [tilespmem:s21+$0xD160];
	v4 =	vadd.f32 v24, v22;
	[tilespmem:s21+$0x14D50] =	vst v3;
	v3 =	vand.u32 $0xFFFF0000, v37  }
0x139: {  	v28 =	vmul.f32 $3.200000000e+01, v63;
	v38 =	vld [tilespmem:s21+$0xD170];
	v3 =	vadd.f32 v3, v25  }
0x13a: {  	v30 =	vshll.u32 v43, $0x10;
	v31 =	vmul.f32 $3.200000000e+01, v20;
	v27 =	vld [tilespmem:s6+$0xFFFFFF60];
	[tilespmem:s21+$0x14D60] =	vst v4  }
0x13b: {  	v41 =	vld [tilespmem:s21+$0xD500];
	v4 =	vadd.f32 v30, v28;
	[tilespmem:s21+$0x14D70] =	vst v3;
	v3 =	vand.u32 $0xFFFF0000, v43  }
0x13c: {  	v44 =	vld [tilespmem:s21+$0xD510];
	v3 =	vadd.f32 v3, v31  }
0x13d: {  	v36 =	vshll.u32 v49, $0x10;
	v37 =	vmul.f32 $3.200000000e+01, v26;
	v33 =	vld [tilespmem:s6+$0xFFFFFF70];
	[tilespmem:s21+$0x15100] =	vst v4  }
0x13e: {  	v47 =	vld [tilespmem:s21+$0xD520];
	v4 =	vadd.f32 v36, v34;
	[tilespmem:s21+$0x15110] =	vst v3;
	v3 =	vand.u32 $0xFFFF0000, v49  }
0x13f: {  	v40 =	vmul.f32 $3.200000000e+01, v29;
	v50 =	vld [tilespmem:s21+$0xD530];
	v3 =	vadd.f32 v3, v37  }
0x140: {  	v42 =	vshll.u32 v55, $0x10;
	v43 =	vmul.f32 $3.200000000e+01, v32;
	v39 =	vld [tilespmem:s6+$0xFFFFFF80];
	[tilespmem:s21+$0x15120] =	vst v4  }
0x141: {  	v53 =	vld [tilespmem:s21+$0xD540];
	v4 =	vadd.f32 v42, v40;
	[tilespmem:s21+$0x15130] =	vst v3;
	v3 =	vand.u32 $0xFFFF0000, v55  }
0x142: {  	v46 =	vmul.f32 $3.200000000e+01, v35;
	v56 =	vld [tilespmem:s21+$0xD550];
	v3 =	vadd.f32 v3, v43  }
0x143: {  	v48 =	vshll.u32 v61, $0x10;
	v49 =	vmul.f32 $3.200000000e+01, v38;
	v45 =	vld [tilespmem:s6+$0xFFFFFF90];
	[tilespmem:s21+$0x15140] =	vst v4  }
0x144: {  	v59 =	vld [tilespmem:s21+$0xD560];
	v4 =	vadd.f32 v48, v46;
	[tilespmem:s21+$0x15150] =	vst v3;
	v3 =	vand.u32 $0xFFFF0000, v61  }
0x145: {  	v52 =	vmul.f32 $3.200000000e+01, v41;
	v62 =	vld [tilespmem:s21+$0xD570];
	v3 =	vadd.f32 v3, v49  }
0x146: {  	v54 =	vshll.u32 v21, $0x10;
	v55 =	vmul.f32 $3.200000000e+01, v44;
	v51 =	vld [tilespmem:s6+$0xFFFFFFA0];
	[tilespmem:s21+$0x15160] =	vst v4  }
0x147: {  	v24 =	vld [tilespmem:s21+$0xD910];
	v4 =	vadd.f32 v54, v52;
	[tilespmem:s21+$0x15170] =	vst v3;
	v3 =	vand.u32 $0xFFFF0000, v21  }
0x148: {  	v58 =	vmul.f32 $3.200000000e+01, v47;
	v28 =	vld [tilespmem:s21+$0xD920];
	v3 =	vadd.f32 v3, v55  }
0x149: {  	v60 =	vshll.u32 v27, $0x10;
	v61 =	vmul.f32 $3.200000000e+01, v50;
	v57 =	vld [tilespmem:s6+$0xFFFFFFB0];
	[tilespmem:s21+$0x15500] =	vst v4  }
0x14a: {  	v32 =	vld [tilespmem:s21+$0xD940];
	v4 =	vadd.f32 v60, v58;
	[tilespmem:s21+$0x15510] =	vst v3;
	v3 =	vand.u32 $0xFFFF0000, v27  }
0x14b: {  	s31 =	sand.u32 $0x7, s13;
	v38 =	vld [tilespmem:s21+$0xD970];
	v3 =	vadd.f32 v3, v61  }
0x14c: {  	s0 =	sshll.u32 s31, $0x7;
	v15 =	vmul.f32 $3.200000000e+01, v56;
	v63 =	vld [tilespmem:s6+$0xFFFFFFC0];
	[tilespmem:s21+$0x15520] =	vst v4  }
0x14d: {  	s1 =	sadd.s32 s0, s19;
	v37 =	vld [tilespmem:s21+$0xD960];
	v8 =	vand.u32 $0xFFFF0000, v33;
	[tilespmem:s21+$0x15530] =	vst v3;
	v3 =	vmul.f32 $3.200000000e+01, v53  }
0x14e: {  	s23 =	sor.u32 $0x1C00, s1;
	v26 =	vshll.u32 v33, $0x10;
	v8 =	vadd.f32 v8, v15;
	v25 =	vld [tilespmem:s6+$0xFFFFFFD0]  }
0x14f: {  	s29 =	sor.u32 $0x1C10, s1;
	v17 =	vld [tilespmem:s23+$0xC100];
	v3 =	vadd.f32 v26, v3  }
0x150: {  	v29 =	vmul.f32 $3.200000000e+01, v59;
	v27 =	vld [tilespmem:s29+$0xC100];
	[tilespmem:s21+$0x15550] =	vst v8  }
0x151: {  	v16 =	vmul.f32 $3.200000000e+01, v62;
	v18 =	vshll.u32 v39, $0x10;
	[tilespmem:s21+$0x15540] =	vst v3;
	v3 =	vld [tilespmem:s21+$0xD930]  }
0x152: {  	s4 =	sor.u32 $0x1C20, s1;
	v9 =	vand.u32 $0xFFFF0000, v39;
	v8 =	vadd.f32 v18, v29;
	v30 =	vld [tilespmem:s6+$0xFFFFFFE0]  }
0x153: {  	s30 =	sor.u32 $0x1C30, s1;
	v9 =	vadd.f32 v9, v16;
	v19 =	vld [tilespmem:s4+$0xC100]  }
0x154: {  	v4 =	vmul.f32 $3.200000000e+01, v24;
	v31 =	vld [tilespmem:s30+$0xC100];
	[tilespmem:s21+$0x15560] =	vst v8  }
0x155: {  	v34 =	vmul.f32 $3.200000000e+01, v23;
	v33 =	vld [tilespmem:s21+$0xD950];
	v10 =	vand.u32 $0xFFFF0000, v45;
	[tilespmem:s21+$0x15570] =	vst v9  }
0x156: {  	s31 =	sor.u32 $0x1C40, s1;
	v20 =	vshll.u32 v45, $0x10;
	v4 =	vadd.f32 v10, v4;
	v35 =	vld [tilespmem:s6+$0xFFFFFFF0]  }
0x157: {  	s0 =	sor.u32 $0x1C50, s1;
	v9 =	vadd.f32 v20, v34;
	v21 =	vld [tilespmem:s31+$0xC100]  }
0x158: {  	v39 =	vmul.f32 $3.200000000e+01, v28;
	v36 =	vld [tilespmem:s0+$0xC100];
	[tilespmem:s21+$0x15910] =	vst v4  }
0x159: {  	v22 =	vshll.u32 v51, $0x10;
	[tilespmem:s21+$0x15900] =	vst v9;
	v3 =	vmul.f32 $3.200000000e+01, v3  }
0x15a: {  	s14 =	sor.u32 $0x1C60, s1;
	v44 =	vmul.f32 $3.200000000e+01, v37;
	v5 =	vand.u32 $0xFFFF0000, v51;
	v4 =	vadd.f32 v22, v39;
	v40 =	vld [tilespmem:s6+$0x0]  }
0x15b: {  	s1 =	sor.u32 $0x1C70, s1;
	v45 =	vshll.u32 v63, $0x10;
	v8 =	vmul.f32 $3.200000000e+01, v33;
	v23 =	vld [tilespmem:s14+$0xC100];
	v3 =	vadd.f32 v5, v3  }
0x15c: {  	v16 =	vmul.f32 $3.200000000e+01, v32;
	v43 =	vand.u32 $0xFFFF0000, v57;
	v41 =	vld [tilespmem:s1+$0xC100];
	[tilespmem:s21+$0x15920] =	vst v4;
	v4 =	vadd.f32 v45, v44  }
0x15d: {  	v46 =	vmul.f32 $3.200000000e+01, v38;
	v42 =	vshll.u32 v57, $0x10;
	[tilespmem:s21+$0x15930] =	vst v3;
	v3 =	vadd.f32 v43, v8  }
0x15e: {  	v47 =	vand.u32 $0xFFFF0000, v63;
	v48 =	vmul.f32 $3.200000000e+01, v17;
	[tilespmem:s21+$0x15960] =	vst v4;
	v5 =	vadd.f32 v42, v16  }
0x15f: {  	v49 =	vshll.u32 v25, $0x10;
	v50 =	vmul.f32 $3.200000000e+01, v27;
	[tilespmem:s21+$0x15950] =	vst v3;
	v3 =	vadd.f32 v47, v46  }
0x160: {  	v51 =	vand.u32 $0xFFFF0000, v25;
	v52 =	vmul.f32 $3.200000000e+01, v19;
	[tilespmem:s21+$0x15940] =	vst v5;
	v5 =	vadd.f32 v49, v48  }
0x161: {  	v53 =	vshll.u32 v30, $0x10;
	v54 =	vmul.f32 $3.200000000e+01, v31;
	[tilespmem:s21+$0x15970] =	vst v3;
	v3 =	vadd.f32 v51, v50  }
0x162: {  	v55 =	vand.u32 $0xFFFF0000, v30;
	v56 =	vmul.f32 $3.200000000e+01, v21;
	v4 =	vadd.f32 v53, v52;
	[tilespmem:s23+$0x14100] =	vst v5  }
0x163: {  	v57 =	vshll.u32 v35, $0x10;
	v58 =	vmul.f32 $3.200000000e+01, v36;
	[tilespmem:s29+$0x14100] =	vst v3;
	v3 =	vadd.f32 v55, v54  }
0x164: {  	p1 =	sne.s32 s20, $0x780;
	v59 =	vand.u32 $0xFFFF0000, v35;
	v60 =	vmul.f32 $3.200000000e+01, v23;
	v5 =	vadd.f32 v57, v56;
	[tilespmem:s4+$0x14100] =	vst v4  }
.Ltmp3:
0x165: {  	v61 =	vshll.u32 v40, $0x10;
	v62 =	vmul.f32 $3.200000000e+01, v41;
	[tilespmem:s30+$0x14100] =	vst v3;
	v3 =	vadd.f32 v59, v58;
	(pc) =	sbr.rel @p1 .LBB2_5-.Ltmp3, $4  }
0x166: {  	v63 =	vand.u32 $0xFFFF0000, v40;
	v4 =	vadd.f32 v61, v60;
	[tilespmem:s31+$0x14100] =	vst v5  }
0x167: {  	[tilespmem:s0+$0x14100] =	vst v3;
	v3 =	vadd.f32 v63, v62  }
0x168: {  	s13 =	sadd.s32 $0x1, s13;
	s18 =	sadd.s32 $0x400, s18;
	[tilespmem:s14+$0x14100] =	vst v4  }
0x169: {  	s20 =	sadd.s32 $0x80, s20;
	s19 =	sadd.s32 $0x400, s19;
	s6 =	sadd.s32 $0x200, s6;
	[tilespmem:s1+$0x14100] =	vst v3  }
.Ltmp4:
0x16a: {  	(pc) =	sbr.rel @p2 .LBB2_8-.Ltmp4, $4  }
0x16b: {  	_ = 	snop  }
0x16c: {  	s0 =	sshll.u32 s7, $0xB  }
0x16d: {  	s0 =	sadd.s32 s0, s8  }
0x16e: {  	[hbm4b:s0+s3] =	stream.linear.scatter [tilespmem:s28], [sflag:$0x4], $0x4000, $0x38;
	[tilespmem:$0x18100] =	vst v63  }
0x16f: {  	s0 =	sshll.u32 s5, $0x5  }
0x170: {  	s0 =	sand.u32 $0x3FFFFFE0, s0  }
0x171: {  	v3 =	vld [tilespmem:s0+$0x30];
	_ =	sdelay $0x4  }
0x172: {  	v4 =	vshll.u32 v3, $0x3  }
0x173: {  	v3 =	vand.u32 $0x7, v3;
	v4 =	vand.u32 $0xFFFFFFC0, v4  }
0x174: {  	v3 =	vor.u32 v3, v4  }
0x175: {  	v4 =	vperm.xlane v3, v0;
	_ =	sdelay $0x1  }
0x176: {  	v4 =	vadd.s32 v1, v4;
	_ =	sdelay $0x3  }
0x177: {  	s23 =	simm.s32 $0xC100  }
0x178: {  	[tilespmem:s23], [sflag:$0x2] =	stream.indirect_vreg.gather [hbm4b:s2+s3], $0x80, v4, vm0, $0xb8;
	[tilespmem:$0x18100] =	vst v63  }
0x179: {  	s29 =	simm.s32 $0xC900;
	v3 =	vperm.xlane v3, v2  }
0x17a: {  	[tilespmem:s29], [sflag:$0x2] =	stream.indirect_vreg.gather [hbm4b:s9+s3], $0x80, v4, vm0, $0xb8;
	[tilespmem:$0x18100] =	vst v63  }
0x17b: {  	s30 =	simm.s32 $0xD100;
	v3 =	vadd.s32 v1, v3  }
0x17c: {  	[tilespmem:s30], [sflag:$0x2] =	stream.indirect_vreg.gather [hbm4b:s10+s3], $0x80, v4, vm0, $0xb8;
	[tilespmem:$0x18100] =	vst v63  }
0x17d: {  	s31 =	simm.s32 $0xD900  }
0x17e: {  	[tilespmem:s31], [sflag:$0x2] =	stream.indirect_vreg.gather [hbm4b:s11+s3], $0x80, v4, vm0, $0xb8;
	[tilespmem:$0x18100] =	vst v63  }
0x17f: {  	_ = 	snop  }
0x180: {  	[tilespmem:s15], [sflag:$0x2] =	stream.indirect_vreg.gather [hbm4b:s2+s3], $0x80, v3, vm0, $0xb8;
	[tilespmem:$0x18100] =	vst v63  }
0x181: {  	_ = 	snop  }
0x182: {  	[tilespmem:s16], [sflag:$0x2] =	stream.indirect_vreg.gather [hbm4b:s9+s3], $0x80, v3, vm0, $0xb8;
	[tilespmem:$0x18100] =	vst v63  }
.Ltmp5:
0x183: {  	_ = 	snop;
	(pc) =	sbr.rel .LBB2_2-.Ltmp5, $4  }
0x184: {  	_ = 	snop  }
0x185: {  	[tilespmem:s17], [sflag:$0x2] =	stream.indirect_vreg.gather [hbm4b:s10+s3], $0x80, v3, vm0, $0xb8;
	[tilespmem:$0x18100] =	vst v63  }
0x186: {  	s5 =	sadd.s32 $0x1, s5;
	p0 =	por !p0, !p0  }
0x187: {  	[tilespmem:s22], [sflag:$0x2] =	stream.indirect_vreg.gather [hbm4b:s11+s3], $0x80, v3, vm0, $0xb8;
	[tilespmem:$0x18100] =	vst v63  }
.LBB2_9:
0x188: {  	_ =	sfence.sel $0x180000  }
0x189: {  	[bflag:$0x0] =	sbarrier.arrive $0xFFFF  }
0x18a: {  	_ =	strace $0x90000047  }
0x18b: {  	s0 =	stileid.u32;
	[bflag:$0x2] =	sbarrier.arrive $0xFFFF  }
0x18c: {  	p0 =	sne.s32 s0, $0x0;
	s0 =	rddreg [dreg:$0x3]  }
0x18d: {  	s0 =	sadd.s32 @!p0 $0x100000, s0  }
0x18e: {  	[sflag:s0] =	ssyncadd.tile.s32 @!p0 $0x1;
	_ =	shalt  }
.Lfunc_end2:
_tile_overlayer_lowered:
.L_overlay_start_2:
0x18f: {  	(tag) =	ssettag $0x2  }
0x190: {  	s0 =	rddreg [dreg:$0x0];
	s2 =	stileid.u32  }
0x191: {  	s1 =	rddreg [dreg:$0x1];
	p0 =	sne.s32 s2, $0x0  }
0x192: {  	s3 =	rddreg [dreg:$0x2];
	[bflag:$0x3] =	sbarrier.arrive $0xFFFF;
	s2 =	simm.s32 @!p0 $0x1C0A  }
0x193: {  	[timem:s3], [sflag:s2] =	dma.local @!p0 [hbm:s0], s1  }
0x194: {  	s0 =	simm.s32 @!p0 $0xA  }
0x195: {  	_ =	swait.ge @!p0 [sflag:s0], s1  }
0x196: {  	s1 =	ssub.s32 @!p0 $0x0, s1;
	[sflag:s0] =	ssyncset.done @!p0 $0x0  }
0x197: {  	[sflag:s0] =	ssyncadd.s32 @!p0 s1  }
0x198: {  	[bflag:$0x3] =	sbarrier.arrive $0xFFFF  }
0x199: {  	_ =	shalt  }

</sc_bundles>
